<compile_context>
chip_gen: v7x
topology: tpu7x:2x2x1
jax: 0.10.2.dev20260603
libtpu: 0.0.44.dev20260713+nightly
codegen_flags: <defaults>
</compile_context>

<pallas_src>
import functools

import jax
import jax.numpy as jnp
from jax import lax
from jax.experimental import pallas as pl
from jax.experimental.pallas import tpu as pltpu
from jax.experimental.pallas import tpu_sc as plsc

N_ATOM_ = 10000
N_FRAG_ = 2000
E_ATOM_ = 640000
E_FRAG_ = 16000
H_ = 128

NC = 2
NS = 16
NW = NC * NS
EPW = 128

N_AACC = 10112
N_FACC = 2048

CH = 8
NWIN_E = 160
NWIN_A = -(-(N_ATOM_ // NW) // EPW)
NWIN_F = -(-(E_FRAG_ // NW) // EPW)

_vmesh = plsc.VectorSubcoreMesh(core_axis_name="c", subcore_axis_name="s")


def _make_hist(nwin, nacc):
    rpt = nacc // NS
    assert rpt % 8 == 0

    @functools.partial(
        pl.kernel,
        mesh=_vmesh,
        out_type=jax.ShapeDtypeStruct((NC * nacc,), jnp.float32),
        scratch_types=[
            pltpu.VMEM((EPW,), jnp.int32),
            pltpu.VMEM((EPW,), jnp.float32),
            pltpu.VMEM((rpt,), jnp.float32),
            pltpu.VMEM_SHARED((nacc,), jnp.float32),
        ],
    )
    def hist_kernel(dst_hbm, ones_hbm, zeros_hbm, out_hbm,
                    dstv, onesv, histv, hist):
        cid = lax.axis_index("c")
        sid = lax.axis_index("s")
        wid = cid * NS + sid

        pltpu.sync_copy(ones_hbm, onesv)

        @pl.when(sid == 0)
        def _():
            pltpu.sync_copy(zeros_hbm, hist)

        plsc.subcore_barrier()

        @pl.loop(0, nwin)
        def _(w):
            pltpu.sync_copy(dst_hbm.at[wid, w], dstv)
            pltpu.sync_copy(onesv, hist.at[dstv], add=True)

        plsc.subcore_barrier()
        pltpu.sync_copy(hist.at[pl.ds(sid * rpt, rpt)], histv)
        pltpu.sync_copy(histv, out_hbm.at[pl.ds(cid * nacc + sid * rpt, rpt)])

    return hist_kernel


def _make_scatter(nwin, nacc):
    rpt = nacc // NS
    assert rpt % 8 == 0

    @functools.partial(
        pl.kernel,
        mesh=_vmesh,
        out_type=jax.ShapeDtypeStruct((NC, nacc, H_), jnp.float32),
        scratch_types=[
            pltpu.VMEM((EPW,), jnp.int32),
            pltpu.VMEM((EPW,), jnp.int32),
            pltpu.VMEM((EPW, H_), jnp.float32),
            pltpu.VMEM_SHARED((nacc, H_), jnp.float32),
        ],
    )
    def scatter_kernel(table_hbm, src_hbm, dst_hbm, zeros_hbm, out_hbm,
                       srcv, dstv, rows, acc):
        cid = lax.axis_index("c")
        sid = lax.axis_index("s")
        wid = cid * NS + sid

        pltpu.sync_copy(
            zeros_hbm.at[pl.ds(sid * rpt, rpt)],
            acc.at[pl.ds(sid * rpt, rpt)],
        )
        plsc.subcore_barrier()

        @pl.loop(0, nwin)
        def _(w):
            pltpu.sync_copy(src_hbm.at[wid, w], srcv)
            pltpu.sync_copy(dst_hbm.at[wid, w], dstv)
            pltpu.sync_copy(table_hbm.at[srcv], rows)
            pltpu.sync_copy(rows, acc.at[dstv], add=True)

        plsc.subcore_barrier()
        pltpu.sync_copy(
            acc.at[pl.ds(sid * rpt, rpt)],
            out_hbm.at[cid, pl.ds(sid * rpt, rpt)],
        )

    return scatter_kernel


def _make_scatter_pipe(nwin, nacc):
    rpt = nacc // NS
    assert rpt % 8 == 0 and nwin % CH == 0

    @functools.partial(
        pl.kernel,
        mesh=_vmesh,
        out_type=jax.ShapeDtypeStruct((NC, nacc, H_), jnp.float32),
        scratch_types=[
            pltpu.VMEM((CH, EPW), jnp.int32),
            pltpu.VMEM((CH, EPW), jnp.int32),
            pltpu.VMEM((2, EPW, H_), jnp.float32),
            pltpu.SemaphoreType.DMA,
            pltpu.SemaphoreType.DMA,
            pltpu.VMEM_SHARED((nacc, H_), jnp.float32),
        ],
    )
    def scatter_kernel(table_hbm, src_hbm, dst_hbm, zeros_hbm, out_hbm,
                       srcv, dstv, rows, sem0, sem1, acc):
        cid = lax.axis_index("c")
        sid = lax.axis_index("s")
        wid = cid * NS + sid
        sems = (sem0, sem1)

        pltpu.sync_copy(
            zeros_hbm.at[pl.ds(sid * rpt, rpt)],
            acc.at[pl.ds(sid * rpt, rpt)],
        )
        plsc.subcore_barrier()

        @pl.loop(0, nwin // CH)
        def _(c):
            pltpu.sync_copy(src_hbm.at[wid, pl.ds(c * CH, CH)], srcv)
            pltpu.sync_copy(dst_hbm.at[wid, pl.ds(c * CH, CH)], dstv)
            handles = [None, None]
            handles[0] = pltpu.async_copy(
                table_hbm.at[srcv.at[0]], rows.at[0], sem0)
            for w in range(1, CH):
                b = w % 2
                handles[b] = pltpu.async_copy(
                    table_hbm.at[srcv.at[w]], rows.at[b], sems[b])
                handles[1 - b].wait()
                pltpu.sync_copy(rows.at[1 - b], acc.at[dstv.at[w - 1]],
                                add=True)
            handles[(CH - 1) % 2].wait()
            pltpu.sync_copy(rows.at[(CH - 1) % 2], acc.at[dstv.at[CH - 1]],
                            add=True)

        plsc.subcore_barrier()
        pltpu.sync_copy(
            acc.at[pl.ds(sid * rpt, rpt)],
            out_hbm.at[cid, pl.ds(sid * rpt, rpt)],
        )

    return scatter_kernel


def _make_gather(nwin):
    nrow = NW * nwin * EPW

    @functools.partial(
        pl.kernel,
        mesh=_vmesh,
        out_type=jax.ShapeDtypeStruct((nrow, H_), jnp.float32),
        scratch_types=[
            pltpu.VMEM((EPW,), jnp.int32),
            pltpu.VMEM((EPW, H_), jnp.float32),
        ],
    )
    def gather_kernel(table_hbm, idx_hbm, out_hbm, idxv, rows):
        cid = lax.axis_index("c")
        sid = lax.axis_index("s")
        wid = cid * NS + sid

        @pl.loop(0, nwin)
        def _(w):
            pltpu.sync_copy(idx_hbm.at[wid, w], idxv)
            pltpu.sync_copy(table_hbm.at[idxv], rows)
            pltpu.sync_copy(rows, out_hbm.at[pl.ds(wid * (nwin * EPW) + w * EPW, EPW)])

    return gather_kernel


_hist_edges = _make_hist(NWIN_E, N_AACC)
_hist_atoms = _make_hist(NWIN_A, N_FACC)
_hist_fedges = _make_hist(NWIN_F, N_FACC)
_scatter_edges = _make_scatter(NWIN_E, N_AACC)
_scatter_atoms = _make_scatter(NWIN_A, N_FACC)
_scatter_fedges = _make_scatter(NWIN_F, N_FACC)
_gather_atoms = _make_gather(NWIN_A)


def _mm_kernel(x_ref, w_ref, b_ref, o_ref):
    o_ref[...] = jnp.dot(x_ref[...], w_ref[...],
                         preferred_element_type=jnp.float32) + b_ref[...]


def _pallas_matmul_bias(x, W, b):
    M, K = x.shape
    N = W.shape[1]
    BM = 1000
    return pl.pallas_call(
        _mm_kernel,
        grid=(M // BM,),
        in_specs=[
            pl.BlockSpec((BM, K), lambda i: (i, 0)),
            pl.BlockSpec((K, N), lambda i: (0, 0)),
            pl.BlockSpec((1, N), lambda i: (0, 0)),
        ],
        out_specs=pl.BlockSpec((BM, N), lambda i: (i, 0)),
        out_shape=jax.ShapeDtypeStruct((M, N), jnp.float32),
    )(x, W, b.reshape(1, N))


def _pad_plane(ids, nwin, fill):
    total = NW * nwin * EPW
    ids = jnp.pad(ids, (0, total - ids.shape[0]), constant_values=fill)
    return ids.reshape(NW, nwin, EPW)


def kernel(x, edge_index, frag_h, frag_edge_index, atom2u, s0,
           W_l1, b_l1, W_l2, b_l2, W_g1, b_g1, W_g2, b_g2, W_af, b_af, W_fa, b_fa):
    esrc_p = _pad_plane(edge_index[0], NWIN_E, 0)
    edst_p = _pad_plane(edge_index[1], NWIN_E, N_ATOM_)
    a2u_p = _pad_plane(atom2u, NWIN_A, N_FRAG_)
    a2u_g = _pad_plane(atom2u, NWIN_A, 0)
    aidx_p = _pad_plane(jnp.arange(N_ATOM_, dtype=jnp.int32), NWIN_A, 0)
    fsrc_p = _pad_plane(frag_edge_index[0], NWIN_F, 0)
    fdst_p = _pad_plane(frag_edge_index[1], NWIN_F, N_FRAG_)

    ones128 = jnp.ones((EPW,), jnp.float32)
    zeros_a1 = jnp.zeros((N_AACC,), jnp.float32)
    zeros_f1 = jnp.zeros((N_FACC,), jnp.float32)
    zeros_a2 = jnp.zeros((N_AACC, H_), jnp.float32)
    zeros_f2 = jnp.zeros((N_FACC, H_), jnp.float32)

    deg_p = _hist_edges(edst_p, ones128, zeros_a1).reshape(NC, N_AACC)
    deg = deg_p[0, :N_ATOM_] + deg_p[1, :N_ATOM_] + 1.0
    dinv = lax.rsqrt(deg)

    cnt_p = _hist_atoms(a2u_p, ones128, zeros_f1).reshape(NC, N_FACC)
    cnt = cnt_p[0, :N_FRAG_] + cnt_p[1, :N_FRAG_]

    fdeg_p = _hist_fedges(fdst_p, ones128, zeros_f1).reshape(NC, N_FACC)
    fdeg = fdeg_p[0, :N_FRAG_] + fdeg_p[1, :N_FRAG_] + 1.0
    fdinv = lax.rsqrt(fdeg)

    x_frag = frag_h @ W_l2 + b_l2
    x_atom_lin = x @ W_l1 + b_l1 + s0

    xs = (x_atom_lin @ W_g1) * dinv[:, None]
    acc_p = _scatter_edges(xs, esrc_p, edst_p, zeros_a2)
    acc = acc_p[0, :N_ATOM_] + acc_p[1, :N_ATOM_]
    x_atom = jax.nn.relu((acc + xs) * dinv[:, None] + b_g1)

    x_atom_proj = _pallas_matmul_bias(x_atom, W_af, b_af)
    sums_p = _scatter_atoms(x_atom_proj, aidx_p, a2u_p, zeros_f2)
    sums = sums_p[0, :N_FRAG_] + sums_p[1, :N_FRAG_]
    x_frag = x_frag + sums / jnp.maximum(cnt, 1.0)[:, None]

    fxs = (x_frag @ W_g2) * fdinv[:, None]
    facc_p = _scatter_fedges(fxs, fsrc_p, fdst_p, zeros_f2)
    facc = facc_p[0, :N_FRAG_] + facc_p[1, :N_FRAG_]
    x_frag = jax.nn.relu((facc + fxs) * fdinv[:, None] + b_g2)

    x_frag_proj = _pallas_matmul_bias(x_frag, W_fa, b_fa)
    bcast = _gather_atoms(x_frag_proj, a2u_g)
    x_atom = x_atom + bcast[:N_ATOM_]
    return (x_atom, x_frag)

# --- scband reference (transcript-rebuilt; emitter-appended) ---
"""Pipeline reference for scband-hierarchical-gnn-59631325937740 (READ-ONLY COPY).

The authoritative reference and input builder live on the scoring server;
editing this copy changes nothing except your own understanding.
"""

import jax, jax.numpy as jnp
import numpy as np

N_ATOM = 10000
E_ATOM = 640000
N_FRAG = 2000
E_FRAG = 16000
D_IN = 9
H = 128


def _glorot(key, shape):
    lim = float(np.sqrt(6.0 / (shape[0] + shape[1])))
    return jax.random.uniform(key, shape, jnp.float32, -lim, lim)


def setup_inputs(seed: int = 0):
    key = jax.random.key(seed)
    ks = jax.random.split(key, 18)
    inp = {}
    inp["x"] = jax.random.normal(ks[0], (N_ATOM, D_IN), jnp.float32)
    inp["edge_index"] = jax.random.randint(ks[1], (2, E_ATOM), 0, N_ATOM, jnp.int32)
    inp["frag_h"] = jax.random.normal(ks[2], (N_FRAG, D_IN), jnp.float32)
    inp["frag_edge_index"] = jax.random.randint(ks[3], (2, E_FRAG), 0, N_FRAG, jnp.int32)
    inp["atom2u"] = jax.random.randint(ks[4], (N_ATOM,), 0, N_FRAG, jnp.int32)
    inp["s0"] = jax.random.normal(ks[5], (N_ATOM, H), jnp.float32)
    inp["W_l1"] = _glorot(ks[6], (D_IN, H)); inp["b_l1"] = jnp.zeros((H,), jnp.float32)
    inp["W_l2"] = _glorot(ks[7], (D_IN, H)); inp["b_l2"] = jnp.zeros((H,), jnp.float32)
    inp["W_g1"] = _glorot(ks[8], (H, H)); inp["b_g1"] = jnp.zeros((H,), jnp.float32)
    inp["W_g2"] = _glorot(ks[9], (H, H)); inp["b_g2"] = jnp.zeros((H,), jnp.float32)
    inp["W_af"] = _glorot(ks[10], (H, H)); inp["b_af"] = jnp.zeros((H,), jnp.float32)
    inp["W_fa"] = _glorot(ks[11], (H, H)); inp["b_fa"] = jnp.zeros((H,), jnp.float32)
    return inp


def _gcn_conv(x, edge_index, W, b, num_nodes):
    # PyG GCNConv: linear transform, add self-loops, symmetric normalization, scatter-add, bias
    xw = x @ W
    src = edge_index[0]
    dst = edge_index[1]
    loop = jnp.arange(num_nodes, dtype=src.dtype)
    src = jnp.concatenate([src, loop])
    dst = jnp.concatenate([dst, loop])
    ew = jnp.ones(src.shape[0], jnp.float32)
    deg = jnp.zeros((num_nodes,), jnp.float32).at[dst].add(ew)
    dinv = jnp.where(deg > 0, jax.lax.rsqrt(jnp.maximum(deg, 1e-12)), 0.0)
    norm = dinv[src] * ew * dinv[dst]
    msg = xw[src] * norm[:, None]
    out = jnp.zeros((num_nodes, W.shape[1]), jnp.float32).at[dst].add(msg)
    return out + b


def reference(x, edge_index, frag_h, frag_edge_index, atom2u, s0,
              W_l1, b_l1, W_l2, b_l2, W_g1, b_g1, W_g2, b_g2, W_af, b_af, W_fa, b_fa):
    x_frag = frag_h @ W_l2 + b_l2
    x_atom = x @ W_l1 + b_l1 + s0
    x_atom = jax.nn.relu(_gcn_conv(x_atom, edge_index, W_g1, b_g1, N_ATOM))
    x_atom_proj = x_atom @ W_af + b_af
    # scatter_mean over atom2frag assignment
    sums = jnp.zeros((N_FRAG, x_atom_proj.shape[1]), jnp.float32).at[atom2u].add(x_atom_proj)
    cnt = jnp.zeros((N_FRAG,), jnp.float32).at[atom2u].add(1.0)
    x_frag = x_frag + sums / jnp.maximum(cnt, 1.0)[:, None]
    x_frag = jax.nn.relu(_gcn_conv(x_frag, frag_edge_index, W_g2, b_g2, N_FRAG))
    x_frag_proj = x_frag @ W_fa + b_fa
    x_atom = x_atom + x_frag_proj[atom2u]
    return (x_atom, x_frag)

if __name__ == "__main__":
    import jax
    _d = setup_inputs()
    print(jax.jit(kernel)(*tuple(_d.values())))

</pallas_src>

<mosaic_0001>
#map = affine_map<(d0, d1) -> (0, 0, 0)>
#map1 = affine_map<(d0, d1) -> (0)>
module attributes {stable_mosaic.version = 14 : i64} {
  func.func @hist_kernel(%arg0: i32, %arg1: i32, %arg2: memref<32x4x128xi32, #tpu.memory_space<hbm>>, %arg3: memref<128xf32, #tpu.memory_space<hbm>>, %arg4: memref<2048xf32, #tpu.memory_space<hbm>>, %arg5: memref<4096xf32, #tpu.memory_space<hbm>>, %arg6: memref<128xi32, #tpu.memory_space<vmem>>, %arg7: memref<128xf32, #tpu.memory_space<vmem>>, %arg8: memref<128xf32, #tpu.memory_space<vmem>>, %arg9: memref<2048xf32, #tpu.memory_space<vmem_shared>>) attributes {dimension_semantics = [#tpu.dimension_semantics<core_parallel>, #tpu.dimension_semantics<subcore_parallel>], iteration_bounds = array<i64: 2, 16>, scalar_prefetch = 0 : i64, scratch_operands = 4 : i64, tpu.core_type = #tpu.core_type<sc_vector_subcore>, window_params = [{transform_indices = #map}, {transform_indices = #map1}, {transform_indices = #map1}, {transform_indices = #map1}]} {
    %mul3A = arith.constant 16 : i32
    %mul3A_0 = arith.muli %arg0, %mul3A : i32
    %add3A = arith.addi %mul3A_0, %arg1 : i32
    "tpu.region"() ({
      %run_scoped3A = tpu.sem_alloc : memref<!tpu.dma_semaphore, #tpu.memory_space<semaphore_mem>>
      tpu.enqueue_dma source(%arg3 : memref<128xf32, #tpu.memory_space<hbm>>) target(%arg7 : memref<128xf32, #tpu.memory_space<vmem>>) target_semaphore(%run_scoped3A : memref<!tpu.dma_semaphore, #tpu.memory_space<semaphore_mem>>)
      tpu.wait_dma2 semaphore(%run_scoped3A : memref<!tpu.dma_semaphore, #tpu.memory_space<semaphore_mem>>) src(%arg3 : memref<128xf32, #tpu.memory_space<hbm>>) dst(%arg7 : memref<128xf32, #tpu.memory_space<vmem>>)
      tpu.yield
    }) : () -> ()
    %eq3A = arith.constant 0 : i32
    %eq3A_1 = arith.cmpi eq, %arg1, %eq3A : i32
    %convert_element_type3A = arith.extui %eq3A_1 : i1 to i32
    %cond3A = arith.constant 0 : i32
    %cond3A_2 = arith.cmpi ne, %convert_element_type3A, %cond3A : i32
    scf.if %cond3A_2 {
      "tpu.region"() ({
        %run_scoped3A = tpu.sem_alloc : memref<!tpu.dma_semaphore, #tpu.memory_space<semaphore_mem>>
        tpu.enqueue_dma source(%arg4 : memref<2048xf32, #tpu.memory_space<hbm>>) target(%arg9 : memref<2048xf32, #tpu.memory_space<vmem_shared>>) target_semaphore(%run_scoped3A : memref<!tpu.dma_semaphore, #tpu.memory_space<semaphore_mem>>)
        tpu.wait_dma2 semaphore(%run_scoped3A : memref<!tpu.dma_semaphore, #tpu.memory_space<semaphore_mem>>) src(%arg4 : memref<2048xf32, #tpu.memory_space<hbm>>) dst(%arg9 : memref<2048xf32, #tpu.memory_space<vmem_shared>>)
        tpu.yield
      }) : () -> ()
    } else {
    }
    %barrier3A = arith.constant 0 : index
    tpu.barrier barrier_id(%barrier3A)
    %scan3A = arith.constant 0 : i32
    %scan3A_3 = arith.constant 4 : i32
    %scan3A_4 = arith.addi %scan3A, %scan3A_3 : i32
    %scan3A_5 = arith.constant 1 : i32
    scf.for %scan3A_15 = %scan3A to %scan3A_4 step %scan3A_5  : i32 {
      %mul3A_16 = arith.constant 1 : i32
      %mul3A_17 = arith.muli %scan3A_15, %mul3A_16 : i32
      %add3A_18 = arith.constant 0 : i32
      %add3A_19 = arith.addi %add3A_18, %mul3A_17 : i32
      "tpu.region"() ({
        %run_scoped3A = tpu.sem_alloc : memref<!tpu.dma_semaphore, #tpu.memory_space<semaphore_mem>>
        %dma_start3A = arith.constant 0 : i32
        %dma_start3A_20 = tpu.memref_slice %arg2[%add3A, %add3A_19, %dma_start3A] : memref<32x4x128xi32, #tpu.memory_space<hbm>> -> memref<1x1x128xi32, #tpu.memory_space<hbm>>
        %dma_start3A_21 = tpu.memref_squeeze %dma_start3A_20 : memref<1x1x128xi32, #tpu.memory_space<hbm>> -> memref<128xi32, #tpu.memory_space<hbm>>
        %dma_start3A_22 = arith.constant 0 : i32
        %dma_start3A_23 = tpu.memref_slice %arg2[%add3A, %add3A_19, %dma_start3A_22] : memref<32x4x128xi32, #tpu.memory_space<hbm>> -> memref<1x1x128xi32, #tpu.memory_space<hbm>>
        %dma_start3A_24 = tpu.memref_squeeze %dma_start3A_23 : memref<1x1x128xi32, #tpu.memory_space<hbm>> -> memref<128xi32, #tpu.memory_space<hbm>>
        tpu.enqueue_dma source(%dma_start3A_24 : memref<128xi32, #tpu.memory_space<hbm>>) target(%arg6 : memref<128xi32, #tpu.memory_space<vmem>>) target_semaphore(%run_scoped3A : memref<!tpu.dma_semaphore, #tpu.memory_space<semaphore_mem>>)
        %dma_wait3A = arith.constant 0 : i32
        %dma_wait3A_25 = tpu.memref_slice %arg2[%add3A, %add3A_19, %dma_wait3A] : memref<32x4x128xi32, #tpu.memory_space<hbm>> -> memref<1x1x128xi32, #tpu.memory_space<hbm>>
        %dma_wait3A_26 = tpu.memref_squeeze %dma_wait3A_25 : memref<1x1x128xi32, #tpu.memory_space<hbm>> -> memref<128xi32, #tpu.memory_space<hbm>>
        %dma_wait3A_27 = arith.constant 0 : i32
        %dma_wait3A_28 = tpu.memref_slice %arg2[%add3A, %add3A_19, %dma_wait3A_27] : memref<32x4x128xi32, #tpu.memory_space<hbm>> -> memref<1x1x128xi32, #tpu.memory_space<hbm>>
        %dma_wait3A_29 = tpu.memref_squeeze %dma_wait3A_28 : memref<1x1x128xi32, #tpu.memory_space<hbm>> -> memref<128xi32, #tpu.memory_space<hbm>>
        tpu.wait_dma2 semaphore(%run_scoped3A : memref<!tpu.dma_semaphore, #tpu.memory_space<semaphore_mem>>) src(%dma_wait3A_29 : memref<128xi32, #tpu.memory_space<hbm>>) dst(%arg6 : memref<128xi32, #tpu.memory_space<vmem>>)
        tpu.yield
      }) : () -> ()
      "tpu.region"() ({
        %run_scoped3A = tpu.sem_alloc : memref<!tpu.dma_semaphore, #tpu.memory_space<semaphore_mem>>
        %dma_start3A = arith.constant 0 : i32
        %dma_start3A_20 = tpu.memref_slice %arg9[%dma_start3A] : memref<2048xf32, #tpu.memory_space<vmem_shared>> -> memref<2048xf32, #tpu.memory_space<vmem_shared>>
        tpu.enqueue_indirect_dma source(%arg7 : memref<128xf32, #tpu.memory_space<vmem>>) target(%dma_start3A_20 : memref<2048xf32, #tpu.memory_space<vmem_shared>>) offsets(%arg6 : memref<128xi32, #tpu.memory_space<vmem>>) semaphore(%run_scoped3A : memref<!tpu.dma_semaphore, #tpu.memory_space<semaphore_mem>>) {add = true}
        %dma_wait3A = arith.constant 0 : i32
        %dma_wait3A_21 = tpu.memref_slice %arg9[%dma_wait3A] : memref<2048xf32, #tpu.memory_space<vmem_shared>> -> memref<2048xf32, #tpu.memory_space<vmem_shared>>
        tpu.wait_indirect_dma semaphore(%run_scoped3A : memref<!tpu.dma_semaphore, #tpu.memory_space<semaphore_mem>>) src(%arg7 : memref<128xf32, #tpu.memory_space<vmem>>) dst(%dma_wait3A_21 : memref<2048xf32, #tpu.memory_space<vmem_shared>>)
        tpu.yield
      }) : () -> ()
    }
    %scan3A_6 = arith.constant 4 : i32
    %barrier3A_7 = arith.constant 0 : index
    tpu.barrier barrier_id(%barrier3A_7)
    %mul3A_8 = arith.constant 128 : i32
    %mul3A_9 = arith.muli %arg1, %mul3A_8 : i32
    "tpu.region"() ({
      %run_scoped3A = tpu.sem_alloc : memref<!tpu.dma_semaphore, #tpu.memory_space<semaphore_mem>>
      %dma_start3A = tpu.memref_slice %arg9[%mul3A_9] : memref<2048xf32, #tpu.memory_space<vmem_shared>> -> memref<128xf32, #tpu.memory_space<vmem_shared>>
      %dma_start3A_15 = tpu.memref_slice %arg9[%mul3A_9] : memref<2048xf32, #tpu.memory_space<vmem_shared>> -> memref<128xf32, #tpu.memory_space<vmem_shared>>
      tpu.enqueue_dma source(%dma_start3A_15 : memref<128xf32, #tpu.memory_space<vmem_shared>>) target(%arg8 : memref<128xf32, #tpu.memory_space<vmem>>) target_semaphore(%run_scoped3A : memref<!tpu.dma_semaphore, #tpu.memory_space<semaphore_mem>>)
      %dma_wait3A = tpu.memref_slice %arg9[%mul3A_9] : memref<2048xf32, #tpu.memory_space<vmem_shared>> -> memref<128xf32, #tpu.memory_space<vmem_shared>>
      %dma_wait3A_16 = tpu.memref_slice %arg9[%mul3A_9] : memref<2048xf32, #tpu.memory_space<vmem_shared>> -> memref<128xf32, #tpu.memory_space<vmem_shared>>
      tpu.wait_dma2 semaphore(%run_scoped3A : memref<!tpu.dma_semaphore, #tpu.memory_space<semaphore_mem>>) src(%dma_wait3A_16 : memref<128xf32, #tpu.memory_space<vmem_shared>>) dst(%arg8 : memref<128xf32, #tpu.memory_space<vmem>>)
      tpu.yield
    }) : () -> ()
    %mul3A_10 = arith.constant 2048 : i32
    %mul3A_11 = arith.muli %arg0, %mul3A_10 : i32
    %mul3A_12 = arith.constant 128 : i32
    %mul3A_13 = arith.muli %arg1, %mul3A_12 : i32
    %add3A_14 = arith.addi %mul3A_11, %mul3A_13 : i32
    "tpu.region"() ({
      %run_scoped3A = tpu.sem_alloc : memref<!tpu.dma_semaphore, #tpu.memory_space<semaphore_mem>>
      %dma_start3A = tpu.memref_slice %arg5[%add3A_14] : memref<4096xf32, #tpu.memory_space<hbm>> -> memref<128xf32, #tpu.memory_space<hbm>>
      %dma_start3A_15 = tpu.memref_slice %arg5[%add3A_14] : memref<4096xf32, #tpu.memory_space<hbm>> -> memref<128xf32, #tpu.memory_space<hbm>>
      tpu.enqueue_dma source(%arg8 : memref<128xf32, #tpu.memory_space<vmem>>) target(%dma_start3A_15 : memref<128xf32, #tpu.memory_space<hbm>>) target_semaphore(%run_scoped3A : memref<!tpu.dma_semaphore, #tpu.memory_space<semaphore_mem>>)
      %dma_wait3A = tpu.memref_slice %arg5[%add3A_14] : memref<4096xf32, #tpu.memory_space<hbm>> -> memref<128xf32, #tpu.memory_space<hbm>>
      %dma_wait3A_16 = tpu.memref_slice %arg5[%add3A_14] : memref<4096xf32, #tpu.memory_space<hbm>> -> memref<128xf32, #tpu.memory_space<hbm>>
      tpu.wait_dma2 semaphore(%run_scoped3A : memref<!tpu.dma_semaphore, #tpu.memory_space<semaphore_mem>>) src(%arg8 : memref<128xf32, #tpu.memory_space<vmem>>) dst(%dma_wait3A_16 : memref<128xf32, #tpu.memory_space<hbm>>)
      tpu.yield
    }) : () -> ()
    return
  }
}

#map = affine_map<(d0, d1) -> (0, 0, 0)>
#map1 = affine_map<(d0, d1) -> (0)>
module attributes {stable_mosaic.version = 14 : i64} {
  func.func @hist_kernel(%arg0: i32, %arg1: i32, %arg2: memref<32x160x128xi32, #tpu.memory_space<hbm>>, %arg3: memref<128xf32, #tpu.memory_space<hbm>>, %arg4: memref<10112xf32, #tpu.memory_space<hbm>>, %arg5: memref<20224xf32, #tpu.memory_space<hbm>>, %arg6: memref<128xi32, #tpu.memory_space<vmem>>, %arg7: memref<128xf32, #tpu.memory_space<vmem>>, %arg8: memref<632xf32, #tpu.memory_space<vmem>>, %arg9: memref<10112xf32, #tpu.memory_space<vmem_shared>>) attributes {dimension_semantics = [#tpu.dimension_semantics<core_parallel>, #tpu.dimension_semantics<subcore_parallel>], iteration_bounds = array<i64: 2, 16>, scalar_prefetch = 0 : i64, scratch_operands = 4 : i64, tpu.core_type = #tpu.core_type<sc_vector_subcore>, window_params = [{transform_indices = #map}, {transform_indices = #map1}, {transform_indices = #map1}, {transform_indices = #map1}]} {
    %mul3A = arith.constant 16 : i32
    %mul3A_0 = arith.muli %arg0, %mul3A : i32
    %add3A = arith.addi %mul3A_0, %arg1 : i32
    "tpu.region"() ({
      %run_scoped3A = tpu.sem_alloc : memref<!tpu.dma_semaphore, #tpu.memory_space<semaphore_mem>>
      tpu.enqueue_dma source(%arg3 : memref<128xf32, #tpu.memory_space<hbm>>) target(%arg7 : memref<128xf32, #tpu.memory_space<vmem>>) target_semaphore(%run_scoped3A : memref<!tpu.dma_semaphore, #tpu.memory_space<semaphore_mem>>)
      tpu.wait_dma2 semaphore(%run_scoped3A : memref<!tpu.dma_semaphore, #tpu.memory_space<semaphore_mem>>) src(%arg3 : memref<128xf32, #tpu.memory_space<hbm>>) dst(%arg7 : memref<128xf32, #tpu.memory_space<vmem>>)
      tpu.yield
    }) : () -> ()
    %eq3A = arith.constant 0 : i32
    %eq3A_1 = arith.cmpi eq, %arg1, %eq3A : i32
    %convert_element_type3A = arith.extui %eq3A_1 : i1 to i32
    %cond3A = arith.constant 0 : i32
    %cond3A_2 = arith.cmpi ne, %convert_element_type3A, %cond3A : i32
    scf.if %cond3A_2 {
      "tpu.region"() ({
        %run_scoped3A = tpu.sem_alloc : memref<!tpu.dma_semaphore, #tpu.memory_space<semaphore_mem>>
        tpu.enqueue_dma source(%arg4 : memref<10112xf32, #tpu.memory_space<hbm>>) target(%arg9 : memref<10112xf32, #tpu.memory_space<vmem_shared>>) target_semaphore(%run_scoped3A : memref<!tpu.dma_semaphore, #tpu.memory_space<semaphore_mem>>)
        tpu.wait_dma2 semaphore(%run_scoped3A : memref<!tpu.dma_semaphore, #tpu.memory_space<semaphore_mem>>) src(%arg4 : memref<10112xf32, #tpu.memory_space<hbm>>) dst(%arg9 : memref<10112xf32, #tpu.memory_space<vmem_shared>>)
        tpu.yield
      }) : () -> ()
    } else {
    }
    %barrier3A = arith.constant 0 : index
    tpu.barrier barrier_id(%barrier3A)
    %scan3A = arith.constant 0 : i32
    %scan3A_3 = arith.constant 160 : i32
    %scan3A_4 = arith.addi %scan3A, %scan3A_3 : i32
    %scan3A_5 = arith.constant 1 : i32
    scf.for %scan3A_15 = %scan3A to %scan3A_4 step %scan3A_5  : i32 {
      %mul3A_16 = arith.constant 1 : i32
      %mul3A_17 = arith.muli %scan3A_15, %mul3A_16 : i32
      %add3A_18 = arith.constant 0 : i32
      %add3A_19 = arith.addi %add3A_18, %mul3A_17 : i32
      "tpu.region"() ({
        %run_scoped3A = tpu.sem_alloc : memref<!tpu.dma_semaphore, #tpu.memory_space<semaphore_mem>>
        %dma_start3A = arith.constant 0 : i32
        %dma_start3A_20 = tpu.memref_slice %arg2[%add3A, %add3A_19, %dma_start3A] : memref<32x160x128xi32, #tpu.memory_space<hbm>> -> memref<1x1x128xi32, #tpu.memory_space<hbm>>
        %dma_start3A_21 = tpu.memref_squeeze %dma_start3A_20 : memref<1x1x128xi32, #tpu.memory_space<hbm>> -> memref<128xi32, #tpu.memory_space<hbm>>
        %dma_start3A_22 = arith.constant 0 : i32
        %dma_start3A_23 = tpu.memref_slice %arg2[%add3A, %add3A_19, %dma_start3A_22] : memref<32x160x128xi32, #tpu.memory_space<hbm>> -> memref<1x1x128xi32, #tpu.memory_space<hbm>>
        %dma_start3A_24 = tpu.memref_squeeze %dma_start3A_23 : memref<1x1x128xi32, #tpu.memory_space<hbm>> -> memref<128xi32, #tpu.memory_space<hbm>>
        tpu.enqueue_dma source(%dma_start3A_24 : memref<128xi32, #tpu.memory_space<hbm>>) target(%arg6 : memref<128xi32, #tpu.memory_space<vmem>>) target_semaphore(%run_scoped3A : memref<!tpu.dma_semaphore, #tpu.memory_space<semaphore_mem>>)
        %dma_wait3A = arith.constant 0 : i32
        %dma_wait3A_25 = tpu.memref_slice %arg2[%add3A, %add3A_19, %dma_wait3A] : memref<32x160x128xi32, #tpu.memory_space<hbm>> -> memref<1x1x128xi32, #tpu.memory_space<hbm>>
        %dma_wait3A_26 = tpu.memref_squeeze %dma_wait3A_25 : memref<1x1x128xi32, #tpu.memory_space<hbm>> -> memref<128xi32, #tpu.memory_space<hbm>>
        %dma_wait3A_27 = arith.constant 0 : i32
        %dma_wait3A_28 = tpu.memref_slice %arg2[%add3A, %add3A_19, %dma_wait3A_27] : memref<32x160x128xi32, #tpu.memory_space<hbm>> -> memref<1x1x128xi32, #tpu.memory_space<hbm>>
        %dma_wait3A_29 = tpu.memref_squeeze %dma_wait3A_28 : memref<1x1x128xi32, #tpu.memory_space<hbm>> -> memref<128xi32, #tpu.memory_space<hbm>>
        tpu.wait_dma2 semaphore(%run_scoped3A : memref<!tpu.dma_semaphore, #tpu.memory_space<semaphore_mem>>) src(%dma_wait3A_29 : memref<128xi32, #tpu.memory_space<hbm>>) dst(%arg6 : memref<128xi32, #tpu.memory_space<vmem>>)
        tpu.yield
      }) : () -> ()
      "tpu.region"() ({
        %run_scoped3A = tpu.sem_alloc : memref<!tpu.dma_semaphore, #tpu.memory_space<semaphore_mem>>
        %dma_start3A = arith.constant 0 : i32
        %dma_start3A_20 = tpu.memref_slice %arg9[%dma_start3A] : memref<10112xf32, #tpu.memory_space<vmem_shared>> -> memref<10112xf32, #tpu.memory_space<vmem_shared>>
        tpu.enqueue_indirect_dma source(%arg7 : memref<128xf32, #tpu.memory_space<vmem>>) target(%dma_start3A_20 : memref<10112xf32, #tpu.memory_space<vmem_shared>>) offsets(%arg6 : memref<128xi32, #tpu.memory_space<vmem>>) semaphore(%run_scoped3A : memref<!tpu.dma_semaphore, #tpu.memory_space<semaphore_mem>>) {add = true}
        %dma_wait3A = arith.constant 0 : i32
        %dma_wait3A_21 = tpu.memref_slice %arg9[%dma_wait3A] : memref<10112xf32, #tpu.memory_space<vmem_shared>> -> memref<10112xf32, #tpu.memory_space<vmem_shared>>
        tpu.wait_indirect_dma semaphore(%run_scoped3A : memref<!tpu.dma_semaphore, #tpu.memory_space<semaphore_mem>>) src(%arg7 : memref<128xf32, #tpu.memory_space<vmem>>) dst(%dma_wait3A_21 : memref<10112xf32, #tpu.memory_space<vmem_shared>>)
        tpu.yield
      }) : () -> ()
    }
    %scan3A_6 = arith.constant 160 : i32
    %barrier3A_7 = arith.constant 0 : index
    tpu.barrier barrier_id(%barrier3A_7)
    %mul3A_8 = arith.constant 632 : i32
    %mul3A_9 = arith.muli %arg1, %mul3A_8 : i32
    "tpu.region"() ({
      %run_scoped3A = tpu.sem_alloc : memref<!tpu.dma_semaphore, #tpu.memory_space<semaphore_mem>>
      %dma_start3A = tpu.memref_slice %arg9[%mul3A_9] : memref<10112xf32, #tpu.memory_space<vmem_shared>> -> memref<632xf32, #tpu.memory_space<vmem_shared>>
      %dma_start3A_15 = tpu.memref_slice %arg9[%mul3A_9] : memref<10112xf32, #tpu.memory_space<vmem_shared>> -> memref<632xf32, #tpu.memory_space<vmem_shared>>
      tpu.enqueue_dma source(%dma_start3A_15 : memref<632xf32, #tpu.memory_space<vmem_shared>>) target(%arg8 : memref<632xf32, #tpu.memory_space<vmem>>) target_semaphore(%run_scoped3A : memref<!tpu.dma_semaphore, #tpu.memory_space<semaphore_mem>>)
      %dma_wait3A = tpu.memref_slice %arg9[%mul3A_9] : memref<10112xf32, #tpu.memory_space<vmem_shared>> -> memref<632xf32, #tpu.memory_space<vmem_shared>>
      %dma_wait3A_16 = tpu.memref_slice %arg9[%mul3A_9] : memref<10112xf32, #tpu.memory_space<vmem_shared>> -> memref<632xf32, #tpu.memory_space<vmem_shared>>
      tpu.wait_dma2 semaphore(%run_scoped3A : memref<!tpu.dma_semaphore, #tpu.memory_space<semaphore_mem>>) src(%dma_wait3A_16 : memref<632xf32, #tpu.memory_space<vmem_shared>>) dst(%arg8 : memref<632xf32, #tpu.memory_space<vmem>>)
      tpu.yield
    }) : () -> ()
    %mul3A_10 = arith.constant 10112 : i32
    %mul3A_11 = arith.muli %arg0, %mul3A_10 : i32
    %mul3A_12 = arith.constant 632 : i32
    %mul3A_13 = arith.muli %arg1, %mul3A_12 : i32
    %add3A_14 = arith.addi %mul3A_11, %mul3A_13 : i32
    "tpu.region"() ({
      %run_scoped3A = tpu.sem_alloc : memref<!tpu.dma_semaphore, #tpu.memory_space<semaphore_mem>>
      %dma_start3A = tpu.memref_slice %arg5[%add3A_14] : memref<20224xf32, #tpu.memory_space<hbm>> -> memref<632xf32, #tpu.memory_space<hbm>>
      %dma_start3A_15 = tpu.memref_slice %arg5[%add3A_14] : memref<20224xf32, #tpu.memory_space<hbm>> -> memref<632xf32, #tpu.memory_space<hbm>>
      tpu.enqueue_dma source(%arg8 : memref<632xf32, #tpu.memory_space<vmem>>) target(%dma_start3A_15 : memref<632xf32, #tpu.memory_space<hbm>>) target_semaphore(%run_scoped3A : memref<!tpu.dma_semaphore, #tpu.memory_space<semaphore_mem>>)
      %dma_wait3A = tpu.memref_slice %arg5[%add3A_14] : memref<20224xf32, #tpu.memory_space<hbm>> -> memref<632xf32, #tpu.memory_space<hbm>>
      %dma_wait3A_16 = tpu.memref_slice %arg5[%add3A_14] : memref<20224xf32, #tpu.memory_space<hbm>> -> memref<632xf32, #tpu.memory_space<hbm>>
      tpu.wait_dma2 semaphore(%run_scoped3A : memref<!tpu.dma_semaphore, #tpu.memory_space<semaphore_mem>>) src(%arg8 : memref<632xf32, #tpu.memory_space<vmem>>) dst(%dma_wait3A_16 : memref<632xf32, #tpu.memory_space<hbm>>)
      tpu.yield
    }) : () -> ()
    return
  }
}

#map = affine_map<(d0, d1) -> (0, 0, 0)>
#map1 = affine_map<(d0, d1) -> (0)>
module attributes {stable_mosaic.version = 14 : i64} {
  func.func @hist_kernel(%arg0: i32, %arg1: i32, %arg2: memref<32x3x128xi32, #tpu.memory_space<hbm>>, %arg3: memref<128xf32, #tpu.memory_space<hbm>>, %arg4: memref<2048xf32, #tpu.memory_space<hbm>>, %arg5: memref<4096xf32, #tpu.memory_space<hbm>>, %arg6: memref<128xi32, #tpu.memory_space<vmem>>, %arg7: memref<128xf32, #tpu.memory_space<vmem>>, %arg8: memref<128xf32, #tpu.memory_space<vmem>>, %arg9: memref<2048xf32, #tpu.memory_space<vmem_shared>>) attributes {dimension_semantics = [#tpu.dimension_semantics<core_parallel>, #tpu.dimension_semantics<subcore_parallel>], iteration_bounds = array<i64: 2, 16>, scalar_prefetch = 0 : i64, scratch_operands = 4 : i64, tpu.core_type = #tpu.core_type<sc_vector_subcore>, window_params = [{transform_indices = #map}, {transform_indices = #map1}, {transform_indices = #map1}, {transform_indices = #map1}]} {
    %mul3A = arith.constant 16 : i32
    %mul3A_0 = arith.muli %arg0, %mul3A : i32
    %add3A = arith.addi %mul3A_0, %arg1 : i32
    "tpu.region"() ({
      %run_scoped3A = tpu.sem_alloc : memref<!tpu.dma_semaphore, #tpu.memory_space<semaphore_mem>>
      tpu.enqueue_dma source(%arg3 : memref<128xf32, #tpu.memory_space<hbm>>) target(%arg7 : memref<128xf32, #tpu.memory_space<vmem>>) target_semaphore(%run_scoped3A : memref<!tpu.dma_semaphore, #tpu.memory_space<semaphore_mem>>)
      tpu.wait_dma2 semaphore(%run_scoped3A : memref<!tpu.dma_semaphore, #tpu.memory_space<semaphore_mem>>) src(%arg3 : memref<128xf32, #tpu.memory_space<hbm>>) dst(%arg7 : memref<128xf32, #tpu.memory_space<vmem>>)
      tpu.yield
    }) : () -> ()
    %eq3A = arith.constant 0 : i32
    %eq3A_1 = arith.cmpi eq, %arg1, %eq3A : i32
    %convert_element_type3A = arith.extui %eq3A_1 : i1 to i32
    %cond3A = arith.constant 0 : i32
    %cond3A_2 = arith.cmpi ne, %convert_element_type3A, %cond3A : i32
    scf.if %cond3A_2 {
      "tpu.region"() ({
        %run_scoped3A = tpu.sem_alloc : memref<!tpu.dma_semaphore, #tpu.memory_space<semaphore_mem>>
        tpu.enqueue_dma source(%arg4 : memref<2048xf32, #tpu.memory_space<hbm>>) target(%arg9 : memref<2048xf32, #tpu.memory_space<vmem_shared>>) target_semaphore(%run_scoped3A : memref<!tpu.dma_semaphore, #tpu.memory_space<semaphore_mem>>)
        tpu.wait_dma2 semaphore(%run_scoped3A : memref<!tpu.dma_semaphore, #tpu.memory_space<semaphore_mem>>) src(%arg4 : memref<2048xf32, #tpu.memory_space<hbm>>) dst(%arg9 : memref<2048xf32, #tpu.memory_space<vmem_shared>>)
        tpu.yield
      }) : () -> ()
    } else {
    }
    %barrier3A = arith.constant 0 : index
    tpu.barrier barrier_id(%barrier3A)
    %scan3A = arith.constant 0 : i32
    %scan3A_3 = arith.constant 3 : i32
    %scan3A_4 = arith.addi %scan3A, %scan3A_3 : i32
    %scan3A_5 = arith.constant 1 : i32
    scf.for %scan3A_15 = %scan3A to %scan3A_4 step %scan3A_5  : i32 {
      %mul3A_16 = arith.constant 1 : i32
      %mul3A_17 = arith.muli %scan3A_15, %mul3A_16 : i32
      %add3A_18 = arith.constant 0 : i32
      %add3A_19 = arith.addi %add3A_18, %mul3A_17 : i32
      "tpu.region"() ({
        %run_scoped3A = tpu.sem_alloc : memref<!tpu.dma_semaphore, #tpu.memory_space<semaphore_mem>>
        %dma_start3A = arith.constant 0 : i32
        %dma_start3A_20 = tpu.memref_slice %arg2[%add3A, %add3A_19, %dma_start3A] : memref<32x3x128xi32, #tpu.memory_space<hbm>> -> memref<1x1x128xi32, #tpu.memory_space<hbm>>
        %dma_start3A_21 = tpu.memref_squeeze %dma_start3A_20 : memref<1x1x128xi32, #tpu.memory_space<hbm>> -> memref<128xi32, #tpu.memory_space<hbm>>
        %dma_start3A_22 = arith.constant 0 : i32
        %dma_start3A_23 = tpu.memref_slice %arg2[%add3A, %add3A_19, %dma_start3A_22] : memref<32x3x128xi32, #tpu.memory_space<hbm>> -> memref<1x1x128xi32, #tpu.memory_space<hbm>>
        %dma_start3A_24 = tpu.memref_squeeze %dma_start3A_23 : memref<1x1x128xi32, #tpu.memory_space<hbm>> -> memref<128xi32, #tpu.memory_space<hbm>>
        tpu.enqueue_dma source(%dma_start3A_24 : memref<128xi32, #tpu.memory_space<hbm>>) target(%arg6 : memref<128xi32, #tpu.memory_space<vmem>>) target_semaphore(%run_scoped3A : memref<!tpu.dma_semaphore, #tpu.memory_space<semaphore_mem>>)
        %dma_wait3A = arith.constant 0 : i32
        %dma_wait3A_25 = tpu.memref_slice %arg2[%add3A, %add3A_19, %dma_wait3A] : memref<32x3x128xi32, #tpu.memory_space<hbm>> -> memref<1x1x128xi32, #tpu.memory_space<hbm>>
        %dma_wait3A_26 = tpu.memref_squeeze %dma_wait3A_25 : memref<1x1x128xi32, #tpu.memory_space<hbm>> -> memref<128xi32, #tpu.memory_space<hbm>>
        %dma_wait3A_27 = arith.constant 0 : i32
        %dma_wait3A_28 = tpu.memref_slice %arg2[%add3A, %add3A_19, %dma_wait3A_27] : memref<32x3x128xi32, #tpu.memory_space<hbm>> -> memref<1x1x128xi32, #tpu.memory_space<hbm>>
        %dma_wait3A_29 = tpu.memref_squeeze %dma_wait3A_28 : memref<1x1x128xi32, #tpu.memory_space<hbm>> -> memref<128xi32, #tpu.memory_space<hbm>>
        tpu.wait_dma2 semaphore(%run_scoped3A : memref<!tpu.dma_semaphore, #tpu.memory_space<semaphore_mem>>) src(%dma_wait3A_29 : memref<128xi32, #tpu.memory_space<hbm>>) dst(%arg6 : memref<128xi32, #tpu.memory_space<vmem>>)
        tpu.yield
      }) : () -> ()
      "tpu.region"() ({
        %run_scoped3A = tpu.sem_alloc : memref<!tpu.dma_semaphore, #tpu.memory_space<semaphore_mem>>
        %dma_start3A = arith.constant 0 : i32
        %dma_start3A_20 = tpu.memref_slice %arg9[%dma_start3A] : memref<2048xf32, #tpu.memory_space<vmem_shared>> -> memref<2048xf32, #tpu.memory_space<vmem_shared>>
        tpu.enqueue_indirect_dma source(%arg7 : memref<128xf32, #tpu.memory_space<vmem>>) target(%dma_start3A_20 : memref<2048xf32, #tpu.memory_space<vmem_shared>>) offsets(%arg6 : memref<128xi32, #tpu.memory_space<vmem>>) semaphore(%run_scoped3A : memref<!tpu.dma_semaphore, #tpu.memory_space<semaphore_mem>>) {add = true}
        %dma_wait3A = arith.constant 0 : i32
        %dma_wait3A_21 = tpu.memref_slice %arg9[%dma_wait3A] : memref<2048xf32, #tpu.memory_space<vmem_shared>> -> memref<2048xf32, #tpu.memory_space<vmem_shared>>
        tpu.wait_indirect_dma semaphore(%run_scoped3A : memref<!tpu.dma_semaphore, #tpu.memory_space<semaphore_mem>>) src(%arg7 : memref<128xf32, #tpu.memory_space<vmem>>) dst(%dma_wait3A_21 : memref<2048xf32, #tpu.memory_space<vmem_shared>>)
        tpu.yield
      }) : () -> ()
    }
    %scan3A_6 = arith.constant 3 : i32
    %barrier3A_7 = arith.constant 0 : index
    tpu.barrier barrier_id(%barrier3A_7)
    %mul3A_8 = arith.constant 128 : i32
    %mul3A_9 = arith.muli %arg1, %mul3A_8 : i32
    "tpu.region"() ({
      %run_scoped3A = tpu.sem_alloc : memref<!tpu.dma_semaphore, #tpu.memory_space<semaphore_mem>>
      %dma_start3A = tpu.memref_slice %arg9[%mul3A_9] : memref<2048xf32, #tpu.memory_space<vmem_shared>> -> memref<128xf32, #tpu.memory_space<vmem_shared>>
      %dma_start3A_15 = tpu.memref_slice %arg9[%mul3A_9] : memref<2048xf32, #tpu.memory_space<vmem_shared>> -> memref<128xf32, #tpu.memory_space<vmem_shared>>
      tpu.enqueue_dma source(%dma_start3A_15 : memref<128xf32, #tpu.memory_space<vmem_shared>>) target(%arg8 : memref<128xf32, #tpu.memory_space<vmem>>) target_semaphore(%run_scoped3A : memref<!tpu.dma_semaphore, #tpu.memory_space<semaphore_mem>>)
      %dma_wait3A = tpu.memref_slice %arg9[%mul3A_9] : memref<2048xf32, #tpu.memory_space<vmem_shared>> -> memref<128xf32, #tpu.memory_space<vmem_shared>>
      %dma_wait3A_16 = tpu.memref_slice %arg9[%mul3A_9] : memref<2048xf32, #tpu.memory_space<vmem_shared>> -> memref<128xf32, #tpu.memory_space<vmem_shared>>
      tpu.wait_dma2 semaphore(%run_scoped3A : memref<!tpu.dma_semaphore, #tpu.memory_space<semaphore_mem>>) src(%dma_wait3A_16 : memref<128xf32, #tpu.memory_space<vmem_shared>>) dst(%arg8 : memref<128xf32, #tpu.memory_space<vmem>>)
      tpu.yield
    }) : () -> ()
    %mul3A_10 = arith.constant 2048 : i32
    %mul3A_11 = arith.muli %arg0, %mul3A_10 : i32
    %mul3A_12 = arith.constant 128 : i32
    %mul3A_13 = arith.muli %arg1, %mul3A_12 : i32
    %add3A_14 = arith.addi %mul3A_11, %mul3A_13 : i32
    "tpu.region"() ({
      %run_scoped3A = tpu.sem_alloc : memref<!tpu.dma_semaphore, #tpu.memory_space<semaphore_mem>>
      %dma_start3A = tpu.memref_slice %arg5[%add3A_14] : memref<4096xf32, #tpu.memory_space<hbm>> -> memref<128xf32, #tpu.memory_space<hbm>>
      %dma_start3A_15 = tpu.memref_slice %arg5[%add3A_14] : memref<4096xf32, #tpu.memory_space<hbm>> -> memref<128xf32, #tpu.memory_space<hbm>>
      tpu.enqueue_dma source(%arg8 : memref<128xf32, #tpu.memory_space<vmem>>) target(%dma_start3A_15 : memref<128xf32, #tpu.memory_space<hbm>>) target_semaphore(%run_scoped3A : memref<!tpu.dma_semaphore, #tpu.memory_space<semaphore_mem>>)
      %dma_wait3A = tpu.memref_slice %arg5[%add3A_14] : memref<4096xf32, #tpu.memory_space<hbm>> -> memref<128xf32, #tpu.memory_space<hbm>>
      %dma_wait3A_16 = tpu.memref_slice %arg5[%add3A_14] : memref<4096xf32, #tpu.memory_space<hbm>> -> memref<128xf32, #tpu.memory_space<hbm>>
      tpu.wait_dma2 semaphore(%run_scoped3A : memref<!tpu.dma_semaphore, #tpu.memory_space<semaphore_mem>>) src(%arg8 : memref<128xf32, #tpu.memory_space<vmem>>) dst(%dma_wait3A_16 : memref<128xf32, #tpu.memory_space<hbm>>)
      tpu.yield
    }) : () -> ()
    return
  }
}

#map = affine_map<(d0, d1) -> (0, 0)>
#map1 = affine_map<(d0, d1) -> (0, 0, 0)>
module attributes {stable_mosaic.version = 14 : i64} {
  func.func @scatter_kernel(%arg0: i32, %arg1: i32, %arg2: memref<10000x128xf32, #tpu.memory_space<hbm>>, %arg3: memref<32x160x128xi32, #tpu.memory_space<hbm>>, %arg4: memref<32x160x128xi32, #tpu.memory_space<hbm>>, %arg5: memref<10112x128xf32, #tpu.memory_space<hbm>>, %arg6: memref<2x10112x128xf32, #tpu.memory_space<hbm>>, %arg7: memref<128xi32, #tpu.memory_space<vmem>>, %arg8: memref<128xi32, #tpu.memory_space<vmem>>, %arg9: memref<128x128xf32, #tpu.memory_space<vmem>>, %arg10: memref<10112x128xf32, #tpu.memory_space<vmem_shared>>) attributes {dimension_semantics = [#tpu.dimension_semantics<core_parallel>, #tpu.dimension_semantics<subcore_parallel>], iteration_bounds = array<i64: 2, 16>, scalar_prefetch = 0 : i64, scratch_operands = 4 : i64, tpu.core_type = #tpu.core_type<sc_vector_subcore>, window_params = [{transform_indices = #map}, {transform_indices = #map1}, {transform_indices = #map1}, {transform_indices = #map}, {transform_indices = #map1}]} {
    %mul3A = arith.constant 16 : i32
    %mul3A_0 = arith.muli %arg0, %mul3A : i32
    %add3A = arith.addi %mul3A_0, %arg1 : i32
    %mul3A_1 = arith.constant 632 : i32
    %mul3A_2 = arith.muli %arg1, %mul3A_1 : i32
    %mul3A_3 = arith.constant 632 : i32
    %mul3A_4 = arith.muli %arg1, %mul3A_3 : i32
    "tpu.region"() ({
      %run_scoped3A = tpu.sem_alloc : memref<!tpu.dma_semaphore, #tpu.memory_space<semaphore_mem>>
      %dma_start3A = arith.constant 0 : i32
      %dma_start3A_14 = tpu.memref_slice %arg10[%mul3A_4, %dma_start3A] : memref<10112x128xf32, #tpu.memory_space<vmem_shared>> -> memref<632x128xf32, #tpu.memory_space<vmem_shared>>
      %dma_start3A_15 = arith.constant 0 : i32
      %dma_start3A_16 = tpu.memref_slice %arg5[%mul3A_2, %dma_start3A_15] : memref<10112x128xf32, #tpu.memory_space<hbm>> -> memref<632x128xf32, #tpu.memory_space<hbm>>
      tpu.enqueue_dma source(%dma_start3A_16 : memref<632x128xf32, #tpu.memory_space<hbm>>) target(%dma_start3A_14 : memref<632x128xf32, #tpu.memory_space<vmem_shared>>) target_semaphore(%run_scoped3A : memref<!tpu.dma_semaphore, #tpu.memory_space<semaphore_mem>>)
      %dma_wait3A = arith.constant 0 : i32
      %dma_wait3A_17 = tpu.memref_slice %arg10[%mul3A_4, %dma_wait3A] : memref<10112x128xf32, #tpu.memory_space<vmem_shared>> -> memref<632x128xf32, #tpu.memory_space<vmem_shared>>
      %dma_wait3A_18 = arith.constant 0 : i32
      %dma_wait3A_19 = tpu.memref_slice %arg5[%mul3A_2, %dma_wait3A_18] : memref<10112x128xf32, #tpu.memory_space<hbm>> -> memref<632x128xf32, #tpu.memory_space<hbm>>
      tpu.wait_dma2 semaphore(%run_scoped3A : memref<!tpu.dma_semaphore, #tpu.memory_space<semaphore_mem>>) src(%dma_wait3A_19 : memref<632x128xf32, #tpu.memory_space<hbm>>) dst(%dma_wait3A_17 : memref<632x128xf32, #tpu.memory_space<vmem_shared>>)
      tpu.yield
    }) : () -> ()
    %barrier3A = arith.constant 0 : index
    tpu.barrier barrier_id(%barrier3A)
    %scan3A = arith.constant 0 : i32
    %scan3A_5 = arith.constant 160 : i32
    %scan3A_6 = arith.addi %scan3A, %scan3A_5 : i32
    %scan3A_7 = arith.constant 1 : i32
    scf.for %scan3A_14 = %scan3A to %scan3A_6 step %scan3A_7  : i32 {
      %mul3A_15 = arith.constant 1 : i32
      %mul3A_16 = arith.muli %scan3A_14, %mul3A_15 : i32
      %add3A_17 = arith.constant 0 : i32
      %add3A_18 = arith.addi %add3A_17, %mul3A_16 : i32
      "tpu.region"() ({
        %run_scoped3A = tpu.sem_alloc : memref<!tpu.dma_semaphore, #tpu.memory_space<semaphore_mem>>
        %dma_start3A = arith.constant 0 : i32
        %dma_start3A_19 = tpu.memref_slice %arg3[%add3A, %add3A_18, %dma_start3A] : memref<32x160x128xi32, #tpu.memory_space<hbm>> -> memref<1x1x128xi32, #tpu.memory_space<hbm>>
        %dma_start3A_20 = tpu.memref_squeeze %dma_start3A_19 : memref<1x1x128xi32, #tpu.memory_space<hbm>> -> memref<128xi32, #tpu.memory_space<hbm>>
        %dma_start3A_21 = arith.constant 0 : i32
        %dma_start3A_22 = tpu.memref_slice %arg3[%add3A, %add3A_18, %dma_start3A_21] : memref<32x160x128xi32, #tpu.memory_space<hbm>> -> memref<1x1x128xi32, #tpu.memory_space<hbm>>
        %dma_start3A_23 = tpu.memref_squeeze %dma_start3A_22 : memref<1x1x128xi32, #tpu.memory_space<hbm>> -> memref<128xi32, #tpu.memory_space<hbm>>
        tpu.enqueue_dma source(%dma_start3A_23 : memref<128xi32, #tpu.memory_space<hbm>>) target(%arg7 : memref<128xi32, #tpu.memory_space<vmem>>) target_semaphore(%run_scoped3A : memref<!tpu.dma_semaphore, #tpu.memory_space<semaphore_mem>>)
        %dma_wait3A = arith.constant 0 : i32
        %dma_wait3A_24 = tpu.memref_slice %arg3[%add3A, %add3A_18, %dma_wait3A] : memref<32x160x128xi32, #tpu.memory_space<hbm>> -> memref<1x1x128xi32, #tpu.memory_space<hbm>>
        %dma_wait3A_25 = tpu.memref_squeeze %dma_wait3A_24 : memref<1x1x128xi32, #tpu.memory_space<hbm>> -> memref<128xi32, #tpu.memory_space<hbm>>
        %dma_wait3A_26 = arith.constant 0 : i32
        %dma_wait3A_27 = tpu.memref_slice %arg3[%add3A, %add3A_18, %dma_wait3A_26] : memref<32x160x128xi32, #tpu.memory_space<hbm>> -> memref<1x1x128xi32, #tpu.memory_space<hbm>>
        %dma_wait3A_28 = tpu.memref_squeeze %dma_wait3A_27 : memref<1x1x128xi32, #tpu.memory_space<hbm>> -> memref<128xi32, #tpu.memory_space<hbm>>
        tpu.wait_dma2 semaphore(%run_scoped3A : memref<!tpu.dma_semaphore, #tpu.memory_space<semaphore_mem>>) src(%dma_wait3A_28 : memref<128xi32, #tpu.memory_space<hbm>>) dst(%arg7 : memref<128xi32, #tpu.memory_space<vmem>>)
        tpu.yield
      }) : () -> ()
      "tpu.region"() ({
        %run_scoped3A = tpu.sem_alloc : memref<!tpu.dma_semaphore, #tpu.memory_space<semaphore_mem>>
        %dma_start3A = arith.constant 0 : i32
        %dma_start3A_19 = tpu.memref_slice %arg4[%add3A, %add3A_18, %dma_start3A] : memref<32x160x128xi32, #tpu.memory_space<hbm>> -> memref<1x1x128xi32, #tpu.memory_space<hbm>>
        %dma_start3A_20 = tpu.memref_squeeze %dma_start3A_19 : memref<1x1x128xi32, #tpu.memory_space<hbm>> -> memref<128xi32, #tpu.memory_space<hbm>>
        %dma_start3A_21 = arith.constant 0 : i32
        %dma_start3A_22 = tpu.memref_slice %arg4[%add3A, %add3A_18, %dma_start3A_21] : memref<32x160x128xi32, #tpu.memory_space<hbm>> -> memref<1x1x128xi32, #tpu.memory_space<hbm>>
        %dma_start3A_23 = tpu.memref_squeeze %dma_start3A_22 : memref<1x1x128xi32, #tpu.memory_space<hbm>> -> memref<128xi32, #tpu.memory_space<hbm>>
        tpu.enqueue_dma source(%dma_start3A_23 : memref<128xi32, #tpu.memory_space<hbm>>) target(%arg8 : memref<128xi32, #tpu.memory_space<vmem>>) target_semaphore(%run_scoped3A : memref<!tpu.dma_semaphore, #tpu.memory_space<semaphore_mem>>)
        %dma_wait3A = arith.constant 0 : i32
        %dma_wait3A_24 = tpu.memref_slice %arg4[%add3A, %add3A_18, %dma_wait3A] : memref<32x160x128xi32, #tpu.memory_space<hbm>> -> memref<1x1x128xi32, #tpu.memory_space<hbm>>
        %dma_wait3A_25 = tpu.memref_squeeze %dma_wait3A_24 : memref<1x1x128xi32, #tpu.memory_space<hbm>> -> memref<128xi32, #tpu.memory_space<hbm>>
        %dma_wait3A_26 = arith.constant 0 : i32
        %dma_wait3A_27 = tpu.memref_slice %arg4[%add3A, %add3A_18, %dma_wait3A_26] : memref<32x160x128xi32, #tpu.memory_space<hbm>> -> memref<1x1x128xi32, #tpu.memory_space<hbm>>
        %dma_wait3A_28 = tpu.memref_squeeze %dma_wait3A_27 : memref<1x1x128xi32, #tpu.memory_space<hbm>> -> memref<128xi32, #tpu.memory_space<hbm>>
        tpu.wait_dma2 semaphore(%run_scoped3A : memref<!tpu.dma_semaphore, #tpu.memory_space<semaphore_mem>>) src(%dma_wait3A_28 : memref<128xi32, #tpu.memory_space<hbm>>) dst(%arg8 : memref<128xi32, #tpu.memory_space<vmem>>)
        tpu.yield
      }) : () -> ()
      "tpu.region"() ({
        %run_scoped3A = tpu.sem_alloc : memref<!tpu.dma_semaphore, #tpu.memory_space<semaphore_mem>>
        %dma_start3A = arith.constant 0 : i32
        %dma_start3A_19 = arith.constant 0 : i32
        %dma_start3A_20 = tpu.memref_slice %arg2[%dma_start3A, %dma_start3A_19] : memref<10000x128xf32, #tpu.memory_space<hbm>> -> memref<10000x128xf32, #tpu.memory_space<hbm>>
        tpu.enqueue_indirect_dma source(%dma_start3A_20 : memref<10000x128xf32, #tpu.memory_space<hbm>>) target(%arg9 : memref<128x128xf32, #tpu.memory_space<vmem>>) offsets(%arg7 : memref<128xi32, #tpu.memory_space<vmem>>) semaphore(%run_scoped3A : memref<!tpu.dma_semaphore, #tpu.memory_space<semaphore_mem>>)
        %dma_wait3A = arith.constant 0 : i32
        %dma_wait3A_21 = arith.constant 0 : i32
        %dma_wait3A_22 = tpu.memref_slice %arg2[%dma_wait3A, %dma_wait3A_21] : memref<10000x128xf32, #tpu.memory_space<hbm>> -> memref<10000x128xf32, #tpu.memory_space<hbm>>
        tpu.wait_indirect_dma semaphore(%run_scoped3A : memref<!tpu.dma_semaphore, #tpu.memory_space<semaphore_mem>>) src(%dma_wait3A_22 : memref<10000x128xf32, #tpu.memory_space<hbm>>) dst(%arg9 : memref<128x128xf32, #tpu.memory_space<vmem>>)
        tpu.yield
      }) : () -> ()
      "tpu.region"() ({
        %run_scoped3A = tpu.sem_alloc : memref<!tpu.dma_semaphore, #tpu.memory_space<semaphore_mem>>
        %dma_start3A = arith.constant 0 : i32
        %dma_start3A_19 = arith.constant 0 : i32
        %dma_start3A_20 = tpu.memref_slice %arg10[%dma_start3A, %dma_start3A_19] : memref<10112x128xf32, #tpu.memory_space<vmem_shared>> -> memref<10112x128xf32, #tpu.memory_space<vmem_shared>>
        tpu.enqueue_indirect_dma source(%arg9 : memref<128x128xf32, #tpu.memory_space<vmem>>) target(%dma_start3A_20 : memref<10112x128xf32, #tpu.memory_space<vmem_shared>>) offsets(%arg8 : memref<128xi32, #tpu.memory_space<vmem>>) semaphore(%run_scoped3A : memref<!tpu.dma_semaphore, #tpu.memory_space<semaphore_mem>>) {add = true}
        %dma_wait3A = arith.constant 0 : i32
        %dma_wait3A_21 = arith.constant 0 : i32
        %dma_wait3A_22 = tpu.memref_slice %arg10[%dma_wait3A, %dma_wait3A_21] : memref<10112x128xf32, #tpu.memory_space<vmem_shared>> -> memref<10112x128xf32, #tpu.memory_space<vmem_shared>>
        tpu.wait_indirect_dma semaphore(%run_scoped3A : memref<!tpu.dma_semaphore, #tpu.memory_space<semaphore_mem>>) src(%arg9 : memref<128x128xf32, #tpu.memory_space<vmem>>) dst(%dma_wait3A_22 : memref<10112x128xf32, #tpu.memory_space<vmem_shared>>)
        tpu.yield
      }) : () -> ()
    }
    %scan3A_8 = arith.constant 160 : i32
    %barrier3A_9 = arith.constant 0 : index
    tpu.barrier barrier_id(%barrier3A_9)
    %mul3A_10 = arith.constant 632 : i32
    %mul3A_11 = arith.muli %arg1, %mul3A_10 : i32
    %mul3A_12 = arith.constant 632 : i32
    %mul3A_13 = arith.muli %arg1, %mul3A_12 : i32
    "tpu.region"() ({
      %run_scoped3A = tpu.sem_alloc : memref<!tpu.dma_semaphore, #tpu.memory_space<semaphore_mem>>
      %dma_start3A = arith.constant 0 : i32
      %dma_start3A_14 = tpu.memref_slice %arg6[%arg0, %mul3A_13, %dma_start3A] : memref<2x10112x128xf32, #tpu.memory_space<hbm>> -> memref<1x632x128xf32, #tpu.memory_space<hbm>>
      %dma_start3A_15 = tpu.memref_squeeze %dma_start3A_14 : memref<1x632x128xf32, #tpu.memory_space<hbm>> -> memref<632x128xf32, #tpu.memory_space<hbm>>
      %dma_start3A_16 = arith.constant 0 : i32
      %dma_start3A_17 = tpu.memref_slice %arg10[%mul3A_11, %dma_start3A_16] : memref<10112x128xf32, #tpu.memory_space<vmem_shared>> -> memref<632x128xf32, #tpu.memory_space<vmem_shared>>
      tpu.enqueue_dma source(%dma_start3A_17 : memref<632x128xf32, #tpu.memory_space<vmem_shared>>) target(%dma_start3A_15 : memref<632x128xf32, #tpu.memory_space<hbm>>) target_semaphore(%run_scoped3A : memref<!tpu.dma_semaphore, #tpu.memory_space<semaphore_mem>>)
      %dma_wait3A = arith.constant 0 : i32
      %dma_wait3A_18 = tpu.memref_slice %arg6[%arg0, %mul3A_13, %dma_wait3A] : memref<2x10112x128xf32, #tpu.memory_space<hbm>> -> memref<1x632x128xf32, #tpu.memory_space<hbm>>
      %dma_wait3A_19 = tpu.memref_squeeze %dma_wait3A_18 : memref<1x632x128xf32, #tpu.memory_space<hbm>> -> memref<632x128xf32, #tpu.memory_space<hbm>>
      %dma_wait3A_20 = arith.constant 0 : i32
      %dma_wait3A_21 = tpu.memref_slice %arg10[%mul3A_11, %dma_wait3A_20] : memref<10112x128xf32, #tpu.memory_space<vmem_shared>> -> memref<632x128xf32, #tpu.memory_space<vmem_shared>>
      tpu.wait_dma2 semaphore(%run_scoped3A : memref<!tpu.dma_semaphore, #tpu.memory_space<semaphore_mem>>) src(%dma_wait3A_21 : memref<632x128xf32, #tpu.memory_space<vmem_shared>>) dst(%dma_wait3A_19 : memref<632x128xf32, #tpu.memory_space<hbm>>)
      tpu.yield
    }) : () -> ()
    return
  }
}

#map = affine_map<(d0, d1) -> (0, 0)>
#map1 = affine_map<(d0, d1) -> (0, 0, 0)>
module attributes {stable_mosaic.version = 14 : i64} {
  func.func @scatter_kernel(%arg0: i32, %arg1: i32, %arg2: memref<2000x128xf32, #tpu.memory_space<hbm>>, %arg3: memref<32x4x128xi32, #tpu.memory_space<hbm>>, %arg4: memref<32x4x128xi32, #tpu.memory_space<hbm>>, %arg5: memref<2048x128xf32, #tpu.memory_space<hbm>>, %arg6: memref<2x2048x128xf32, #tpu.memory_space<hbm>>, %arg7: memref<128xi32, #tpu.memory_space<vmem>>, %arg8: memref<128xi32, #tpu.memory_space<vmem>>, %arg9: memref<128x128xf32, #tpu.memory_space<vmem>>, %arg10: memref<2048x128xf32, #tpu.memory_space<vmem_shared>>) attributes {dimension_semantics = [#tpu.dimension_semantics<core_parallel>, #tpu.dimension_semantics<subcore_parallel>], iteration_bounds = array<i64: 2, 16>, scalar_prefetch = 0 : i64, scratch_operands = 4 : i64, tpu.core_type = #tpu.core_type<sc_vector_subcore>, window_params = [{transform_indices = #map}, {transform_indices = #map1}, {transform_indices = #map1}, {transform_indices = #map}, {transform_indices = #map1}]} {
    %mul3A = arith.constant 16 : i32
    %mul3A_0 = arith.muli %arg0, %mul3A : i32
    %add3A = arith.addi %mul3A_0, %arg1 : i32
    %mul3A_1 = arith.constant 128 : i32
    %mul3A_2 = arith.muli %arg1, %mul3A_1 : i32
    %mul3A_3 = arith.constant 128 : i32
    %mul3A_4 = arith.muli %arg1, %mul3A_3 : i32
    "tpu.region"() ({
      %run_scoped3A = tpu.sem_alloc : memref<!tpu.dma_semaphore, #tpu.memory_space<semaphore_mem>>
      %dma_start3A = arith.constant 0 : i32
      %dma_start3A_14 = tpu.memref_slice %arg10[%mul3A_4, %dma_start3A] : memref<2048x128xf32, #tpu.memory_space<vmem_shared>> -> memref<128x128xf32, #tpu.memory_space<vmem_shared>>
      %dma_start3A_15 = arith.constant 0 : i32
      %dma_start3A_16 = tpu.memref_slice %arg5[%mul3A_2, %dma_start3A_15] : memref<2048x128xf32, #tpu.memory_space<hbm>> -> memref<128x128xf32, #tpu.memory_space<hbm>>
      tpu.enqueue_dma source(%dma_start3A_16 : memref<128x128xf32, #tpu.memory_space<hbm>>) target(%dma_start3A_14 : memref<128x128xf32, #tpu.memory_space<vmem_shared>>) target_semaphore(%run_scoped3A : memref<!tpu.dma_semaphore, #tpu.memory_space<semaphore_mem>>)
      %dma_wait3A = arith.constant 0 : i32
      %dma_wait3A_17 = tpu.memref_slice %arg10[%mul3A_4, %dma_wait3A] : memref<2048x128xf32, #tpu.memory_space<vmem_shared>> -> memref<128x128xf32, #tpu.memory_space<vmem_shared>>
      %dma_wait3A_18 = arith.constant 0 : i32
      %dma_wait3A_19 = tpu.memref_slice %arg5[%mul3A_2, %dma_wait3A_18] : memref<2048x128xf32, #tpu.memory_space<hbm>> -> memref<128x128xf32, #tpu.memory_space<hbm>>
      tpu.wait_dma2 semaphore(%run_scoped3A : memref<!tpu.dma_semaphore, #tpu.memory_space<semaphore_mem>>) src(%dma_wait3A_19 : memref<128x128xf32, #tpu.memory_space<hbm>>) dst(%dma_wait3A_17 : memref<128x128xf32, #tpu.memory_space<vmem_shared>>)
      tpu.yield
    }) : () -> ()
    %barrier3A = arith.constant 0 : index
    tpu.barrier barrier_id(%barrier3A)
    %scan3A = arith.constant 0 : i32
    %scan3A_5 = arith.constant 4 : i32
    %scan3A_6 = arith.addi %scan3A, %scan3A_5 : i32
    %scan3A_7 = arith.constant 1 : i32
    scf.for %scan3A_14 = %scan3A to %scan3A_6 step %scan3A_7  : i32 {
      %mul3A_15 = arith.constant 1 : i32
      %mul3A_16 = arith.muli %scan3A_14, %mul3A_15 : i32
      %add3A_17 = arith.constant 0 : i32
      %add3A_18 = arith.addi %add3A_17, %mul3A_16 : i32
      "tpu.region"() ({
        %run_scoped3A = tpu.sem_alloc : memref<!tpu.dma_semaphore, #tpu.memory_space<semaphore_mem>>
        %dma_start3A = arith.constant 0 : i32
        %dma_start3A_19 = tpu.memref_slice %arg3[%add3A, %add3A_18, %dma_start3A] : memref<32x4x128xi32, #tpu.memory_space<hbm>> -> memref<1x1x128xi32, #tpu.memory_space<hbm>>
        %dma_start3A_20 = tpu.memref_squeeze %dma_start3A_19 : memref<1x1x128xi32, #tpu.memory_space<hbm>> -> memref<128xi32, #tpu.memory_space<hbm>>
        %dma_start3A_21 = arith.constant 0 : i32
        %dma_start3A_22 = tpu.memref_slice %arg3[%add3A, %add3A_18, %dma_start3A_21] : memref<32x4x128xi32, #tpu.memory_space<hbm>> -> memref<1x1x128xi32, #tpu.memory_space<hbm>>
        %dma_start3A_23 = tpu.memref_squeeze %dma_start3A_22 : memref<1x1x128xi32, #tpu.memory_space<hbm>> -> memref<128xi32, #tpu.memory_space<hbm>>
        tpu.enqueue_dma source(%dma_start3A_23 : memref<128xi32, #tpu.memory_space<hbm>>) target(%arg7 : memref<128xi32, #tpu.memory_space<vmem>>) target_semaphore(%run_scoped3A : memref<!tpu.dma_semaphore, #tpu.memory_space<semaphore_mem>>)
        %dma_wait3A = arith.constant 0 : i32
        %dma_wait3A_24 = tpu.memref_slice %arg3[%add3A, %add3A_18, %dma_wait3A] : memref<32x4x128xi32, #tpu.memory_space<hbm>> -> memref<1x1x128xi32, #tpu.memory_space<hbm>>
        %dma_wait3A_25 = tpu.memref_squeeze %dma_wait3A_24 : memref<1x1x128xi32, #tpu.memory_space<hbm>> -> memref<128xi32, #tpu.memory_space<hbm>>
        %dma_wait3A_26 = arith.constant 0 : i32
        %dma_wait3A_27 = tpu.memref_slice %arg3[%add3A, %add3A_18, %dma_wait3A_26] : memref<32x4x128xi32, #tpu.memory_space<hbm>> -> memref<1x1x128xi32, #tpu.memory_space<hbm>>
        %dma_wait3A_28 = tpu.memref_squeeze %dma_wait3A_27 : memref<1x1x128xi32, #tpu.memory_space<hbm>> -> memref<128xi32, #tpu.memory_space<hbm>>
        tpu.wait_dma2 semaphore(%run_scoped3A : memref<!tpu.dma_semaphore, #tpu.memory_space<semaphore_mem>>) src(%dma_wait3A_28 : memref<128xi32, #tpu.memory_space<hbm>>) dst(%arg7 : memref<128xi32, #tpu.memory_space<vmem>>)
        tpu.yield
      }) : () -> ()
      "tpu.region"() ({
        %run_scoped3A = tpu.sem_alloc : memref<!tpu.dma_semaphore, #tpu.memory_space<semaphore_mem>>
        %dma_start3A = arith.constant 0 : i32
        %dma_start3A_19 = tpu.memref_slice %arg4[%add3A, %add3A_18, %dma_start3A] : memref<32x4x128xi32, #tpu.memory_space<hbm>> -> memref<1x1x128xi32, #tpu.memory_space<hbm>>
        %dma_start3A_20 = tpu.memref_squeeze %dma_start3A_19 : memref<1x1x128xi32, #tpu.memory_space<hbm>> -> memref<128xi32, #tpu.memory_space<hbm>>
        %dma_start3A_21 = arith.constant 0 : i32
        %dma_start3A_22 = tpu.memref_slice %arg4[%add3A, %add3A_18, %dma_start3A_21] : memref<32x4x128xi32, #tpu.memory_space<hbm>> -> memref<1x1x128xi32, #tpu.memory_space<hbm>>
        %dma_start3A_23 = tpu.memref_squeeze %dma_start3A_22 : memref<1x1x128xi32, #tpu.memory_space<hbm>> -> memref<128xi32, #tpu.memory_space<hbm>>
        tpu.enqueue_dma source(%dma_start3A_23 : memref<128xi32, #tpu.memory_space<hbm>>) target(%arg8 : memref<128xi32, #tpu.memory_space<vmem>>) target_semaphore(%run_scoped3A : memref<!tpu.dma_semaphore, #tpu.memory_space<semaphore_mem>>)
        %dma_wait3A = arith.constant 0 : i32
        %dma_wait3A_24 = tpu.memref_slice %arg4[%add3A, %add3A_18, %dma_wait3A] : memref<32x4x128xi32, #tpu.memory_space<hbm>> -> memref<1x1x128xi32, #tpu.memory_space<hbm>>
        %dma_wait3A_25 = tpu.memref_squeeze %dma_wait3A_24 : memref<1x1x128xi32, #tpu.memory_space<hbm>> -> memref<128xi32, #tpu.memory_space<hbm>>
        %dma_wait3A_26 = arith.constant 0 : i32
        %dma_wait3A_27 = tpu.memref_slice %arg4[%add3A, %add3A_18, %dma_wait3A_26] : memref<32x4x128xi32, #tpu.memory_space<hbm>> -> memref<1x1x128xi32, #tpu.memory_space<hbm>>
        %dma_wait3A_28 = tpu.memref_squeeze %dma_wait3A_27 : memref<1x1x128xi32, #tpu.memory_space<hbm>> -> memref<128xi32, #tpu.memory_space<hbm>>
        tpu.wait_dma2 semaphore(%run_scoped3A : memref<!tpu.dma_semaphore, #tpu.memory_space<semaphore_mem>>) src(%dma_wait3A_28 : memref<128xi32, #tpu.memory_space<hbm>>) dst(%arg8 : memref<128xi32, #tpu.memory_space<vmem>>)
        tpu.yield
      }) : () -> ()
      "tpu.region"() ({
        %run_scoped3A = tpu.sem_alloc : memref<!tpu.dma_semaphore, #tpu.memory_space<semaphore_mem>>
        %dma_start3A = arith.constant 0 : i32
        %dma_start3A_19 = arith.constant 0 : i32
        %dma_start3A_20 = tpu.memref_slice %arg2[%dma_start3A, %dma_start3A_19] : memref<2000x128xf32, #tpu.memory_space<hbm>> -> memref<2000x128xf32, #tpu.memory_space<hbm>>
        tpu.enqueue_indirect_dma source(%dma_start3A_20 : memref<2000x128xf32, #tpu.memory_space<hbm>>) target(%arg9 : memref<128x128xf32, #tpu.memory_space<vmem>>) offsets(%arg7 : memref<128xi32, #tpu.memory_space<vmem>>) semaphore(%run_scoped3A : memref<!tpu.dma_semaphore, #tpu.memory_space<semaphore_mem>>)
        %dma_wait3A = arith.constant 0 : i32
        %dma_wait3A_21 = arith.constant 0 : i32
        %dma_wait3A_22 = tpu.memref_slice %arg2[%dma_wait3A, %dma_wait3A_21] : memref<2000x128xf32, #tpu.memory_space<hbm>> -> memref<2000x128xf32, #tpu.memory_space<hbm>>
        tpu.wait_indirect_dma semaphore(%run_scoped3A : memref<!tpu.dma_semaphore, #tpu.memory_space<semaphore_mem>>) src(%dma_wait3A_22 : memref<2000x128xf32, #tpu.memory_space<hbm>>) dst(%arg9 : memref<128x128xf32, #tpu.memory_space<vmem>>)
        tpu.yield
      }) : () -> ()
      "tpu.region"() ({
        %run_scoped3A = tpu.sem_alloc : memref<!tpu.dma_semaphore, #tpu.memory_space<semaphore_mem>>
        %dma_start3A = arith.constant 0 : i32
        %dma_start3A_19 = arith.constant 0 : i32
        %dma_start3A_20 = tpu.memref_slice %arg10[%dma_start3A, %dma_start3A_19] : memref<2048x128xf32, #tpu.memory_space<vmem_shared>> -> memref<2048x128xf32, #tpu.memory_space<vmem_shared>>
        tpu.enqueue_indirect_dma source(%arg9 : memref<128x128xf32, #tpu.memory_space<vmem>>) target(%dma_start3A_20 : memref<2048x128xf32, #tpu.memory_space<vmem_shared>>) offsets(%arg8 : memref<128xi32, #tpu.memory_space<vmem>>) semaphore(%run_scoped3A : memref<!tpu.dma_semaphore, #tpu.memory_space<semaphore_mem>>) {add = true}
        %dma_wait3A = arith.constant 0 : i32
        %dma_wait3A_21 = arith.constant 0 : i32
        %dma_wait3A_22 = tpu.memref_slice %arg10[%dma_wait3A, %dma_wait3A_21] : memref<2048x128xf32, #tpu.memory_space<vmem_shared>> -> memref<2048x128xf32, #tpu.memory_space<vmem_shared>>
        tpu.wait_indirect_dma semaphore(%run_scoped3A : memref<!tpu.dma_semaphore, #tpu.memory_space<semaphore_mem>>) src(%arg9 : memref<128x128xf32, #tpu.memory_space<vmem>>) dst(%dma_wait3A_22 : memref<2048x128xf32, #tpu.memory_space<vmem_shared>>)
        tpu.yield
      }) : () -> ()
    }
    %scan3A_8 = arith.constant 4 : i32
    %barrier3A_9 = arith.constant 0 : index
    tpu.barrier barrier_id(%barrier3A_9)
    %mul3A_10 = arith.constant 128 : i32
    %mul3A_11 = arith.muli %arg1, %mul3A_10 : i32
    %mul3A_12 = arith.constant 128 : i32
    %mul3A_13 = arith.muli %arg1, %mul3A_12 : i32
    "tpu.region"() ({
      %run_scoped3A = tpu.sem_alloc : memref<!tpu.dma_semaphore, #tpu.memory_space<semaphore_mem>>
      %dma_start3A = arith.constant 0 : i32
      %dma_start3A_14 = tpu.memref_slice %arg6[%arg0, %mul3A_13, %dma_start3A] : memref<2x2048x128xf32, #tpu.memory_space<hbm>> -> memref<1x128x128xf32, #tpu.memory_space<hbm>>
      %dma_start3A_15 = tpu.memref_squeeze %dma_start3A_14 : memref<1x128x128xf32, #tpu.memory_space<hbm>> -> memref<128x128xf32, #tpu.memory_space<hbm>>
      %dma_start3A_16 = arith.constant 0 : i32
      %dma_start3A_17 = tpu.memref_slice %arg10[%mul3A_11, %dma_start3A_16] : memref<2048x128xf32, #tpu.memory_space<vmem_shared>> -> memref<128x128xf32, #tpu.memory_space<vmem_shared>>
      tpu.enqueue_dma source(%dma_start3A_17 : memref<128x128xf32, #tpu.memory_space<vmem_shared>>) target(%dma_start3A_15 : memref<128x128xf32, #tpu.memory_space<hbm>>) target_semaphore(%run_scoped3A : memref<!tpu.dma_semaphore, #tpu.memory_space<semaphore_mem>>)
      %dma_wait3A = arith.constant 0 : i32
      %dma_wait3A_18 = tpu.memref_slice %arg6[%arg0, %mul3A_13, %dma_wait3A] : memref<2x2048x128xf32, #tpu.memory_space<hbm>> -> memref<1x128x128xf32, #tpu.memory_space<hbm>>
      %dma_wait3A_19 = tpu.memref_squeeze %dma_wait3A_18 : memref<1x128x128xf32, #tpu.memory_space<hbm>> -> memref<128x128xf32, #tpu.memory_space<hbm>>
      %dma_wait3A_20 = arith.constant 0 : i32
      %dma_wait3A_21 = tpu.memref_slice %arg10[%mul3A_11, %dma_wait3A_20] : memref<2048x128xf32, #tpu.memory_space<vmem_shared>> -> memref<128x128xf32, #tpu.memory_space<vmem_shared>>
      tpu.wait_dma2 semaphore(%run_scoped3A : memref<!tpu.dma_semaphore, #tpu.memory_space<semaphore_mem>>) src(%dma_wait3A_21 : memref<128x128xf32, #tpu.memory_space<vmem_shared>>) dst(%dma_wait3A_19 : memref<128x128xf32, #tpu.memory_space<hbm>>)
      tpu.yield
    }) : () -> ()
    return
  }
}

#map = affine_map<(d0, d1) -> (0, 0)>
#map1 = affine_map<(d0, d1) -> (0, 0, 0)>
module attributes {stable_mosaic.version = 14 : i64} {
  func.func @scatter_kernel(%arg0: i32, %arg1: i32, %arg2: memref<10000x128xf32, #tpu.memory_space<hbm>>, %arg3: memref<32x3x128xi32, #tpu.memory_space<hbm>>, %arg4: memref<32x3x128xi32, #tpu.memory_space<hbm>>, %arg5: memref<2048x128xf32, #tpu.memory_space<hbm>>, %arg6: memref<2x2048x128xf32, #tpu.memory_space<hbm>>, %arg7: memref<128xi32, #tpu.memory_space<vmem>>, %arg8: memref<128xi32, #tpu.memory_space<vmem>>, %arg9: memref<128x128xf32, #tpu.memory_space<vmem>>, %arg10: memref<2048x128xf32, #tpu.memory_space<vmem_shared>>) attributes {dimension_semantics = [#tpu.dimension_semantics<core_parallel>, #tpu.dimension_semantics<subcore_parallel>], iteration_bounds = array<i64: 2, 16>, scalar_prefetch = 0 : i64, scratch_operands = 4 : i64, tpu.core_type = #tpu.core_type<sc_vector_subcore>, window_params = [{transform_indices = #map}, {transform_indices = #map1}, {transform_indices = #map1}, {transform_indices = #map}, {transform_indices = #map1}]} {
    %mul3A = arith.constant 16 : i32
    %mul3A_0 = arith.muli %arg0, %mul3A : i32
    %add3A = arith.addi %mul3A_0, %arg1 : i32
    %mul3A_1 = arith.constant 128 : i32
    %mul3A_2 = arith.muli %arg1, %mul3A_1 : i32
    %mul3A_3 = arith.constant 128 : i32
    %mul3A_4 = arith.muli %arg1, %mul3A_3 : i32
    "tpu.region"() ({
      %run_scoped3A = tpu.sem_alloc : memref<!tpu.dma_semaphore, #tpu.memory_space<semaphore_mem>>
      %dma_start3A = arith.constant 0 : i32
      %dma_start3A_14 = tpu.memref_slice %arg10[%mul3A_4, %dma_start3A] : memref<2048x128xf32, #tpu.memory_space<vmem_shared>> -> memref<128x128xf32, #tpu.memory_space<vmem_shared>>
      %dma_start3A_15 = arith.constant 0 : i32
      %dma_start3A_16 = tpu.memref_slice %arg5[%mul3A_2, %dma_start3A_15] : memref<2048x128xf32, #tpu.memory_space<hbm>> -> memref<128x128xf32, #tpu.memory_space<hbm>>
      tpu.enqueue_dma source(%dma_start3A_16 : memref<128x128xf32, #tpu.memory_space<hbm>>) target(%dma_start3A_14 : memref<128x128xf32, #tpu.memory_space<vmem_shared>>) target_semaphore(%run_scoped3A : memref<!tpu.dma_semaphore, #tpu.memory_space<semaphore_mem>>)
      %dma_wait3A = arith.constant 0 : i32
      %dma_wait3A_17 = tpu.memref_slice %arg10[%mul3A_4, %dma_wait3A] : memref<2048x128xf32, #tpu.memory_space<vmem_shared>> -> memref<128x128xf32, #tpu.memory_space<vmem_shared>>
      %dma_wait3A_18 = arith.constant 0 : i32
      %dma_wait3A_19 = tpu.memref_slice %arg5[%mul3A_2, %dma_wait3A_18] : memref<2048x128xf32, #tpu.memory_space<hbm>> -> memref<128x128xf32, #tpu.memory_space<hbm>>
      tpu.wait_dma2 semaphore(%run_scoped3A : memref<!tpu.dma_semaphore, #tpu.memory_space<semaphore_mem>>) src(%dma_wait3A_19 : memref<128x128xf32, #tpu.memory_space<hbm>>) dst(%dma_wait3A_17 : memref<128x128xf32, #tpu.memory_space<vmem_shared>>)
      tpu.yield
    }) : () -> ()
    %barrier3A = arith.constant 0 : index
    tpu.barrier barrier_id(%barrier3A)
    %scan3A = arith.constant 0 : i32
    %scan3A_5 = arith.constant 3 : i32
    %scan3A_6 = arith.addi %scan3A, %scan3A_5 : i32
    %scan3A_7 = arith.constant 1 : i32
    scf.for %scan3A_14 = %scan3A to %scan3A_6 step %scan3A_7  : i32 {
      %mul3A_15 = arith.constant 1 : i32
      %mul3A_16 = arith.muli %scan3A_14, %mul3A_15 : i32
      %add3A_17 = arith.constant 0 : i32
      %add3A_18 = arith.addi %add3A_17, %mul3A_16 : i32
      "tpu.region"() ({
        %run_scoped3A = tpu.sem_alloc : memref<!tpu.dma_semaphore, #tpu.memory_space<semaphore_mem>>
        %dma_start3A = arith.constant 0 : i32
        %dma_start3A_19 = tpu.memref_slice %arg3[%add3A, %add3A_18, %dma_start3A] : memref<32x3x128xi32, #tpu.memory_space<hbm>> -> memref<1x1x128xi32, #tpu.memory_space<hbm>>
        %dma_start3A_20 = tpu.memref_squeeze %dma_start3A_19 : memref<1x1x128xi32, #tpu.memory_space<hbm>> -> memref<128xi32, #tpu.memory_space<hbm>>
        %dma_start3A_21 = arith.constant 0 : i32
        %dma_start3A_22 = tpu.memref_slice %arg3[%add3A, %add3A_18, %dma_start3A_21] : memref<32x3x128xi32, #tpu.memory_space<hbm>> -> memref<1x1x128xi32, #tpu.memory_space<hbm>>
        %dma_start3A_23 = tpu.memref_squeeze %dma_start3A_22 : memref<1x1x128xi32, #tpu.memory_space<hbm>> -> memref<128xi32, #tpu.memory_space<hbm>>
        tpu.enqueue_dma source(%dma_start3A_23 : memref<128xi32, #tpu.memory_space<hbm>>) target(%arg7 : memref<128xi32, #tpu.memory_space<vmem>>) target_semaphore(%run_scoped3A : memref<!tpu.dma_semaphore, #tpu.memory_space<semaphore_mem>>)
        %dma_wait3A = arith.constant 0 : i32
        %dma_wait3A_24 = tpu.memref_slice %arg3[%add3A, %add3A_18, %dma_wait3A] : memref<32x3x128xi32, #tpu.memory_space<hbm>> -> memref<1x1x128xi32, #tpu.memory_space<hbm>>
        %dma_wait3A_25 = tpu.memref_squeeze %dma_wait3A_24 : memref<1x1x128xi32, #tpu.memory_space<hbm>> -> memref<128xi32, #tpu.memory_space<hbm>>
        %dma_wait3A_26 = arith.constant 0 : i32
        %dma_wait3A_27 = tpu.memref_slice %arg3[%add3A, %add3A_18, %dma_wait3A_26] : memref<32x3x128xi32, #tpu.memory_space<hbm>> -> memref<1x1x128xi32, #tpu.memory_space<hbm>>
        %dma_wait3A_28 = tpu.memref_squeeze %dma_wait3A_27 : memref<1x1x128xi32, #tpu.memory_space<hbm>> -> memref<128xi32, #tpu.memory_space<hbm>>
        tpu.wait_dma2 semaphore(%run_scoped3A : memref<!tpu.dma_semaphore, #tpu.memory_space<semaphore_mem>>) src(%dma_wait3A_28 : memref<128xi32, #tpu.memory_space<hbm>>) dst(%arg7 : memref<128xi32, #tpu.memory_space<vmem>>)
        tpu.yield
      }) : () -> ()
      "tpu.region"() ({
        %run_scoped3A = tpu.sem_alloc : memref<!tpu.dma_semaphore, #tpu.memory_space<semaphore_mem>>
        %dma_start3A = arith.constant 0 : i32
        %dma_start3A_19 = tpu.memref_slice %arg4[%add3A, %add3A_18, %dma_start3A] : memref<32x3x128xi32, #tpu.memory_space<hbm>> -> memref<1x1x128xi32, #tpu.memory_space<hbm>>
        %dma_start3A_20 = tpu.memref_squeeze %dma_start3A_19 : memref<1x1x128xi32, #tpu.memory_space<hbm>> -> memref<128xi32, #tpu.memory_space<hbm>>
        %dma_start3A_21 = arith.constant 0 : i32
        %dma_start3A_22 = tpu.memref_slice %arg4[%add3A, %add3A_18, %dma_start3A_21] : memref<32x3x128xi32, #tpu.memory_space<hbm>> -> memref<1x1x128xi32, #tpu.memory_space<hbm>>
        %dma_start3A_23 = tpu.memref_squeeze %dma_start3A_22 : memref<1x1x128xi32, #tpu.memory_space<hbm>> -> memref<128xi32, #tpu.memory_space<hbm>>
        tpu.enqueue_dma source(%dma_start3A_23 : memref<128xi32, #tpu.memory_space<hbm>>) target(%arg8 : memref<128xi32, #tpu.memory_space<vmem>>) target_semaphore(%run_scoped3A : memref<!tpu.dma_semaphore, #tpu.memory_space<semaphore_mem>>)
        %dma_wait3A = arith.constant 0 : i32
        %dma_wait3A_24 = tpu.memref_slice %arg4[%add3A, %add3A_18, %dma_wait3A] : memref<32x3x128xi32, #tpu.memory_space<hbm>> -> memref<1x1x128xi32, #tpu.memory_space<hbm>>
        %dma_wait3A_25 = tpu.memref_squeeze %dma_wait3A_24 : memref<1x1x128xi32, #tpu.memory_space<hbm>> -> memref<128xi32, #tpu.memory_space<hbm>>
        %dma_wait3A_26 = arith.constant 0 : i32
        %dma_wait3A_27 = tpu.memref_slice %arg4[%add3A, %add3A_18, %dma_wait3A_26] : memref<32x3x128xi32, #tpu.memory_space<hbm>> -> memref<1x1x128xi32, #tpu.memory_space<hbm>>
        %dma_wait3A_28 = tpu.memref_squeeze %dma_wait3A_27 : memref<1x1x128xi32, #tpu.memory_space<hbm>> -> memref<128xi32, #tpu.memory_space<hbm>>
        tpu.wait_dma2 semaphore(%run_scoped3A : memref<!tpu.dma_semaphore, #tpu.memory_space<semaphore_mem>>) src(%dma_wait3A_28 : memref<128xi32, #tpu.memory_space<hbm>>) dst(%arg8 : memref<128xi32, #tpu.memory_space<vmem>>)
        tpu.yield
      }) : () -> ()
      "tpu.region"() ({
        %run_scoped3A = tpu.sem_alloc : memref<!tpu.dma_semaphore, #tpu.memory_space<semaphore_mem>>
        %dma_start3A = arith.constant 0 : i32
        %dma_start3A_19 = arith.constant 0 : i32
        %dma_start3A_20 = tpu.memref_slice %arg2[%dma_start3A, %dma_start3A_19] : memref<10000x128xf32, #tpu.memory_space<hbm>> -> memref<10000x128xf32, #tpu.memory_space<hbm>>
        tpu.enqueue_indirect_dma source(%dma_start3A_20 : memref<10000x128xf32, #tpu.memory_space<hbm>>) target(%arg9 : memref<128x128xf32, #tpu.memory_space<vmem>>) offsets(%arg7 : memref<128xi32, #tpu.memory_space<vmem>>) semaphore(%run_scoped3A : memref<!tpu.dma_semaphore, #tpu.memory_space<semaphore_mem>>)
        %dma_wait3A = arith.constant 0 : i32
        %dma_wait3A_21 = arith.constant 0 : i32
        %dma_wait3A_22 = tpu.memref_slice %arg2[%dma_wait3A, %dma_wait3A_21] : memref<10000x128xf32, #tpu.memory_space<hbm>> -> memref<10000x128xf32, #tpu.memory_space<hbm>>
        tpu.wait_indirect_dma semaphore(%run_scoped3A : memref<!tpu.dma_semaphore, #tpu.memory_space<semaphore_mem>>) src(%dma_wait3A_22 : memref<10000x128xf32, #tpu.memory_space<hbm>>) dst(%arg9 : memref<128x128xf32, #tpu.memory_space<vmem>>)
        tpu.yield
      }) : () -> ()
      "tpu.region"() ({
        %run_scoped3A = tpu.sem_alloc : memref<!tpu.dma_semaphore, #tpu.memory_space<semaphore_mem>>
        %dma_start3A = arith.constant 0 : i32
        %dma_start3A_19 = arith.constant 0 : i32
        %dma_start3A_20 = tpu.memref_slice %arg10[%dma_start3A, %dma_start3A_19] : memref<2048x128xf32, #tpu.memory_space<vmem_shared>> -> memref<2048x128xf32, #tpu.memory_space<vmem_shared>>
        tpu.enqueue_indirect_dma source(%arg9 : memref<128x128xf32, #tpu.memory_space<vmem>>) target(%dma_start3A_20 : memref<2048x128xf32, #tpu.memory_space<vmem_shared>>) offsets(%arg8 : memref<128xi32, #tpu.memory_space<vmem>>) semaphore(%run_scoped3A : memref<!tpu.dma_semaphore, #tpu.memory_space<semaphore_mem>>) {add = true}
        %dma_wait3A = arith.constant 0 : i32
        %dma_wait3A_21 = arith.constant 0 : i32
        %dma_wait3A_22 = tpu.memref_slice %arg10[%dma_wait3A, %dma_wait3A_21] : memref<2048x128xf32, #tpu.memory_space<vmem_shared>> -> memref<2048x128xf32, #tpu.memory_space<vmem_shared>>
        tpu.wait_indirect_dma semaphore(%run_scoped3A : memref<!tpu.dma_semaphore, #tpu.memory_space<semaphore_mem>>) src(%arg9 : memref<128x128xf32, #tpu.memory_space<vmem>>) dst(%dma_wait3A_22 : memref<2048x128xf32, #tpu.memory_space<vmem_shared>>)
        tpu.yield
      }) : () -> ()
    }
    %scan3A_8 = arith.constant 3 : i32
    %barrier3A_9 = arith.constant 0 : index
    tpu.barrier barrier_id(%barrier3A_9)
    %mul3A_10 = arith.constant 128 : i32
    %mul3A_11 = arith.muli %arg1, %mul3A_10 : i32
    %mul3A_12 = arith.constant 128 : i32
    %mul3A_13 = arith.muli %arg1, %mul3A_12 : i32
    "tpu.region"() ({
      %run_scoped3A = tpu.sem_alloc : memref<!tpu.dma_semaphore, #tpu.memory_space<semaphore_mem>>
      %dma_start3A = arith.constant 0 : i32
      %dma_start3A_14 = tpu.memref_slice %arg6[%arg0, %mul3A_13, %dma_start3A] : memref<2x2048x128xf32, #tpu.memory_space<hbm>> -> memref<1x128x128xf32, #tpu.memory_space<hbm>>
      %dma_start3A_15 = tpu.memref_squeeze %dma_start3A_14 : memref<1x128x128xf32, #tpu.memory_space<hbm>> -> memref<128x128xf32, #tpu.memory_space<hbm>>
      %dma_start3A_16 = arith.constant 0 : i32
      %dma_start3A_17 = tpu.memref_slice %arg10[%mul3A_11, %dma_start3A_16] : memref<2048x128xf32, #tpu.memory_space<vmem_shared>> -> memref<128x128xf32, #tpu.memory_space<vmem_shared>>
      tpu.enqueue_dma source(%dma_start3A_17 : memref<128x128xf32, #tpu.memory_space<vmem_shared>>) target(%dma_start3A_15 : memref<128x128xf32, #tpu.memory_space<hbm>>) target_semaphore(%run_scoped3A : memref<!tpu.dma_semaphore, #tpu.memory_space<semaphore_mem>>)
      %dma_wait3A = arith.constant 0 : i32
      %dma_wait3A_18 = tpu.memref_slice %arg6[%arg0, %mul3A_13, %dma_wait3A] : memref<2x2048x128xf32, #tpu.memory_space<hbm>> -> memref<1x128x128xf32, #tpu.memory_space<hbm>>
      %dma_wait3A_19 = tpu.memref_squeeze %dma_wait3A_18 : memref<1x128x128xf32, #tpu.memory_space<hbm>> -> memref<128x128xf32, #tpu.memory_space<hbm>>
      %dma_wait3A_20 = arith.constant 0 : i32
      %dma_wait3A_21 = tpu.memref_slice %arg10[%mul3A_11, %dma_wait3A_20] : memref<2048x128xf32, #tpu.memory_space<vmem_shared>> -> memref<128x128xf32, #tpu.memory_space<vmem_shared>>
      tpu.wait_dma2 semaphore(%run_scoped3A : memref<!tpu.dma_semaphore, #tpu.memory_space<semaphore_mem>>) src(%dma_wait3A_21 : memref<128x128xf32, #tpu.memory_space<vmem_shared>>) dst(%dma_wait3A_19 : memref<128x128xf32, #tpu.memory_space<hbm>>)
      tpu.yield
    }) : () -> ()
    return
  }
}

#map = affine_map<(d0, d1) -> (0, 0)>
#map1 = affine_map<(d0, d1) -> (0, 0, 0)>
module attributes {stable_mosaic.version = 14 : i64} {
  func.func @gather_kernel(%arg0: i32, %arg1: i32, %arg2: memref<2000x128xf32, #tpu.memory_space<hbm>>, %arg3: memref<32x3x128xi32, #tpu.memory_space<hbm>>, %arg4: memref<12288x128xf32, #tpu.memory_space<hbm>>, %arg5: memref<128xi32, #tpu.memory_space<vmem>>, %arg6: memref<128x128xf32, #tpu.memory_space<vmem>>) attributes {dimension_semantics = [#tpu.dimension_semantics<core_parallel>, #tpu.dimension_semantics<subcore_parallel>], iteration_bounds = array<i64: 2, 16>, scalar_prefetch = 0 : i64, scratch_operands = 2 : i64, tpu.core_type = #tpu.core_type<sc_vector_subcore>, window_params = [{transform_indices = #map}, {transform_indices = #map1}, {transform_indices = #map}]} {
    %mul3A = arith.constant 16 : i32
    %mul3A_0 = arith.muli %arg0, %mul3A : i32
    %add3A = arith.addi %mul3A_0, %arg1 : i32
    %scan3A = arith.constant 0 : i32
    %scan3A_1 = arith.constant 3 : i32
    %scan3A_2 = arith.addi %scan3A, %scan3A_1 : i32
    %scan3A_3 = arith.constant 1 : i32
    scf.for %scan3A_5 = %scan3A to %scan3A_2 step %scan3A_3  : i32 {
      %mul3A_6 = arith.constant 1 : i32
      %mul3A_7 = arith.muli %scan3A_5, %mul3A_6 : i32
      %add3A_8 = arith.constant 0 : i32
      %add3A_9 = arith.addi %add3A_8, %mul3A_7 : i32
      "tpu.region"() ({
        %run_scoped3A = tpu.sem_alloc : memref<!tpu.dma_semaphore, #tpu.memory_space<semaphore_mem>>
        %dma_start3A = arith.constant 0 : i32
        %dma_start3A_15 = tpu.memref_slice %arg3[%add3A, %add3A_9, %dma_start3A] : memref<32x3x128xi32, #tpu.memory_space<hbm>> -> memref<1x1x128xi32, #tpu.memory_space<hbm>>
        %dma_start3A_16 = tpu.memref_squeeze %dma_start3A_15 : memref<1x1x128xi32, #tpu.memory_space<hbm>> -> memref<128xi32, #tpu.memory_space<hbm>>
        %dma_start3A_17 = arith.constant 0 : i32
        %dma_start3A_18 = tpu.memref_slice %arg3[%add3A, %add3A_9, %dma_start3A_17] : memref<32x3x128xi32, #tpu.memory_space<hbm>> -> memref<1x1x128xi32, #tpu.memory_space<hbm>>
        %dma_start3A_19 = tpu.memref_squeeze %dma_start3A_18 : memref<1x1x128xi32, #tpu.memory_space<hbm>> -> memref<128xi32, #tpu.memory_space<hbm>>
        tpu.enqueue_dma source(%dma_start3A_19 : memref<128xi32, #tpu.memory_space<hbm>>) target(%arg5 : memref<128xi32, #tpu.memory_space<vmem>>) target_semaphore(%run_scoped3A : memref<!tpu.dma_semaphore, #tpu.memory_space<semaphore_mem>>)
        %dma_wait3A = arith.constant 0 : i32
        %dma_wait3A_20 = tpu.memref_slice %arg3[%add3A, %add3A_9, %dma_wait3A] : memref<32x3x128xi32, #tpu.memory_space<hbm>> -> memref<1x1x128xi32, #tpu.memory_space<hbm>>
        %dma_wait3A_21 = tpu.memref_squeeze %dma_wait3A_20 : memref<1x1x128xi32, #tpu.memory_space<hbm>> -> memref<128xi32, #tpu.memory_space<hbm>>
        %dma_wait3A_22 = arith.constant 0 : i32
        %dma_wait3A_23 = tpu.memref_slice %arg3[%add3A, %add3A_9, %dma_wait3A_22] : memref<32x3x128xi32, #tpu.memory_space<hbm>> -> memref<1x1x128xi32, #tpu.memory_space<hbm>>
        %dma_wait3A_24 = tpu.memref_squeeze %dma_wait3A_23 : memref<1x1x128xi32, #tpu.memory_space<hbm>> -> memref<128xi32, #tpu.memory_space<hbm>>
        tpu.wait_dma2 semaphore(%run_scoped3A : memref<!tpu.dma_semaphore, #tpu.memory_space<semaphore_mem>>) src(%dma_wait3A_24 : memref<128xi32, #tpu.memory_space<hbm>>) dst(%arg5 : memref<128xi32, #tpu.memory_space<vmem>>)
        tpu.yield
      }) : () -> ()
      "tpu.region"() ({
        %run_scoped3A = tpu.sem_alloc : memref<!tpu.dma_semaphore, #tpu.memory_space<semaphore_mem>>
        %dma_start3A = arith.constant 0 : i32
        %dma_start3A_15 = arith.constant 0 : i32
        %dma_start3A_16 = tpu.memref_slice %arg2[%dma_start3A, %dma_start3A_15] : memref<2000x128xf32, #tpu.memory_space<hbm>> -> memref<2000x128xf32, #tpu.memory_space<hbm>>
        tpu.enqueue_indirect_dma source(%dma_start3A_16 : memref<2000x128xf32, #tpu.memory_space<hbm>>) target(%arg6 : memref<128x128xf32, #tpu.memory_space<vmem>>) offsets(%arg5 : memref<128xi32, #tpu.memory_space<vmem>>) semaphore(%run_scoped3A : memref<!tpu.dma_semaphore, #tpu.memory_space<semaphore_mem>>)
        %dma_wait3A = arith.constant 0 : i32
        %dma_wait3A_17 = arith.constant 0 : i32
        %dma_wait3A_18 = tpu.memref_slice %arg2[%dma_wait3A, %dma_wait3A_17] : memref<2000x128xf32, #tpu.memory_space<hbm>> -> memref<2000x128xf32, #tpu.memory_space<hbm>>
        tpu.wait_indirect_dma semaphore(%run_scoped3A : memref<!tpu.dma_semaphore, #tpu.memory_space<semaphore_mem>>) src(%dma_wait3A_18 : memref<2000x128xf32, #tpu.memory_space<hbm>>) dst(%arg6 : memref<128x128xf32, #tpu.memory_space<vmem>>)
        tpu.yield
      }) : () -> ()
      %mul3A_10 = arith.constant 384 : i32
      %mul3A_11 = arith.muli %add3A, %mul3A_10 : i32
      %mul3A_12 = arith.constant 128 : i32
      %mul3A_13 = arith.muli %add3A_9, %mul3A_12 : i32
      %add3A_14 = arith.addi %mul3A_11, %mul3A_13 : i32
      "tpu.region"() ({
        %run_scoped3A = tpu.sem_alloc : memref<!tpu.dma_semaphore, #tpu.memory_space<semaphore_mem>>
        %dma_start3A = arith.constant 0 : i32
        %dma_start3A_15 = tpu.memref_slice %arg4[%add3A_14, %dma_start3A] : memref<12288x128xf32, #tpu.memory_space<hbm>> -> memref<128x128xf32, #tpu.memory_space<hbm>>
        %dma_start3A_16 = arith.constant 0 : i32
        %dma_start3A_17 = tpu.memref_slice %arg4[%add3A_14, %dma_start3A_16] : memref<12288x128xf32, #tpu.memory_space<hbm>> -> memref<128x128xf32, #tpu.memory_space<hbm>>
        tpu.enqueue_dma source(%arg6 : memref<128x128xf32, #tpu.memory_space<vmem>>) target(%dma_start3A_17 : memref<128x128xf32, #tpu.memory_space<hbm>>) target_semaphore(%run_scoped3A : memref<!tpu.dma_semaphore, #tpu.memory_space<semaphore_mem>>)
        %dma_wait3A = arith.constant 0 : i32
        %dma_wait3A_18 = tpu.memref_slice %arg4[%add3A_14, %dma_wait3A] : memref<12288x128xf32, #tpu.memory_space<hbm>> -> memref<128x128xf32, #tpu.memory_space<hbm>>
        %dma_wait3A_19 = arith.constant 0 : i32
        %dma_wait3A_20 = tpu.memref_slice %arg4[%add3A_14, %dma_wait3A_19] : memref<12288x128xf32, #tpu.memory_space<hbm>> -> memref<128x128xf32, #tpu.memory_space<hbm>>
        tpu.wait_dma2 semaphore(%run_scoped3A : memref<!tpu.dma_semaphore, #tpu.memory_space<semaphore_mem>>) src(%arg6 : memref<128x128xf32, #tpu.memory_space<vmem>>) dst(%dma_wait3A_20 : memref<128x128xf32, #tpu.memory_space<hbm>>)
        tpu.yield
      }) : () -> ()
    }
    %scan3A_4 = arith.constant 3 : i32
    return
  }
}

module attributes {stable_mosaic.version = 14 : i64} {
  func.func @_mm_kernel(%arg0: i32, %arg1: memref<1000x128xf32, #tpu.memory_space<vmem>>, %arg2: memref<128x128xf32, #tpu.memory_space<vmem>>, %arg3: memref<1x128xf32, #tpu.memory_space<vmem>>, %arg4: memref<1000x128xf32, #tpu.memory_space<vmem>>) attributes {dimension_semantics = [#tpu.dimension_semantics<arbitrary>], iteration_bounds = array<i64: 10>, scalar_prefetch = 0 : i64, scratch_operands = 0 : i64, tpu.core_type = #tpu.core_type<tc>, window_params = [{transform_indices = @transform_0, window_bounds = array<i64: 1000, 128>}, {pipeline_mode = #tpu.pipeline_mode<synchronous>, transform_indices = @transform_1, window_bounds = array<i64: 128, 128>}, {pipeline_mode = #tpu.pipeline_mode<synchronous>, transform_indices = @transform_2, window_bounds = array<i64: 1, 128>}, {transform_indices = @transform_3, window_bounds = array<i64: 1000, 128>}]} {
    %get3A = arith.constant 0 : index
    %get3A_0 = arith.constant 0 : index
    %get3A_1 = vector.load %arg1[%get3A, %get3A_0] : memref<1000x128xf32, #tpu.memory_space<vmem>>, vector<1000x128xf32>
    %get3A_2 = arith.constant 0 : index
    %get3A_3 = arith.constant 0 : index
    %get3A_4 = vector.load %arg2[%get3A_2, %get3A_3] : memref<128x128xf32, #tpu.memory_space<vmem>>, vector<128x128xf32>
    %dot_general3A = arith.constant dense<0.000000e+00> : vector<1000x128xf32>
    %dot_general3A_5 = tpu.matmul %get3A_1, %get3A_4, %dot_general3A {dimension_numbers = #tpu.dot_dimension_numbers<[1], [0], [0], [1], [0, 0, 1, 1], [], []>, transpose_lhs_hint = false} : vector<1000x128xf32>, vector<128x128xf32>, vector<1000x128xf32> -> vector<1000x128xf32>
    %get3A_6 = arith.constant 0 : index
    %get3A_7 = arith.constant 0 : index
    %get3A_8 = vector.load %arg3[%get3A_6, %get3A_7] : memref<1x128xf32, #tpu.memory_space<vmem>>, vector<1x128xf32>
    %add3A = vector.broadcast %get3A_8 : vector<1x128xf32> to vector<1000x128xf32>
    %add3A_9 = arith.addf %dot_general3A_5, %add3A : vector<1000x128xf32>
    %swap3A = arith.constant 0 : index
    %swap3A_10 = arith.constant 0 : index
    %swap3A_11 = vector.load %arg4[%swap3A, %swap3A_10] : memref<1000x128xf32, #tpu.memory_space<vmem>>, vector<1000x128xf32>
    tpu.vector_store %arg4[%swap3A, %swap3A_10], %add3A_9 {strides = array<i32>} : memref<1000x128xf32, #tpu.memory_space<vmem>>, vector<1000x128xf32>,
    return
  }
  func.func @transform_0(%arg0: i32) -> (i32, i32) {
    %c0_i32 = arith.constant 0 : i32
    %c0_i32_0 = arith.constant 0 : i32
    return %arg0, %c0_i32 : i32, i32
  }
  func.func @transform_1(%arg0: i32) -> (i32, i32) {
    %c0_i32 = arith.constant 0 : i32
    %c0_i32_0 = arith.constant 0 : i32
    %c0_i32_1 = arith.constant 0 : i32
    return %c0_i32, %c0_i32_0 : i32, i32
  }
  func.func @transform_2(%arg0: i32) -> (i32, i32) {
    %c0_i32 = arith.constant 0 : i32
    %c0_i32_0 = arith.constant 0 : i32
    %c0_i32_1 = arith.constant 0 : i32
    return %c0_i32, %c0_i32_0 : i32, i32
  }
  func.func @transform_3(%arg0: i32) -> (i32, i32) {
    %c0_i32 = arith.constant 0 : i32
    %c0_i32_0 = arith.constant 0 : i32
    return %arg0, %c0_i32 : i32, i32
  }
}

module attributes {stable_mosaic.version = 14 : i64} {
  func.func @_mm_kernel(%arg0: i32, %arg1: memref<1000x128xf32, #tpu.memory_space<vmem>>, %arg2: memref<128x128xf32, #tpu.memory_space<vmem>>, %arg3: memref<1x128xf32, #tpu.memory_space<vmem>>, %arg4: memref<1000x128xf32, #tpu.memory_space<vmem>>) attributes {dimension_semantics = [#tpu.dimension_semantics<arbitrary>], iteration_bounds = array<i64: 2>, scalar_prefetch = 0 : i64, scratch_operands = 0 : i64, tpu.core_type = #tpu.core_type<tc>, window_params = [{transform_indices = @transform_0, window_bounds = array<i64: 1000, 128>}, {pipeline_mode = #tpu.pipeline_mode<synchronous>, transform_indices = @transform_1, window_bounds = array<i64: 128, 128>}, {pipeline_mode = #tpu.pipeline_mode<synchronous>, transform_indices = @transform_2, window_bounds = array<i64: 1, 128>}, {transform_indices = @transform_3, window_bounds = array<i64: 1000, 128>}]} {
    %get3A = arith.constant 0 : index
    %get3A_0 = arith.constant 0 : index
    %get3A_1 = vector.load %arg1[%get3A, %get3A_0] : memref<1000x128xf32, #tpu.memory_space<vmem>>, vector<1000x128xf32>
    %get3A_2 = arith.constant 0 : index
    %get3A_3 = arith.constant 0 : index
    %get3A_4 = vector.load %arg2[%get3A_2, %get3A_3] : memref<128x128xf32, #tpu.memory_space<vmem>>, vector<128x128xf32>
    %dot_general3A = arith.constant dense<0.000000e+00> : vector<1000x128xf32>
    %dot_general3A_5 = tpu.matmul %get3A_1, %get3A_4, %dot_general3A {dimension_numbers = #tpu.dot_dimension_numbers<[1], [0], [0], [1], [0, 0, 1, 1], [], []>, transpose_lhs_hint = false} : vector<1000x128xf32>, vector<128x128xf32>, vector<1000x128xf32> -> vector<1000x128xf32>
    %get3A_6 = arith.constant 0 : index
    %get3A_7 = arith.constant 0 : index
    %get3A_8 = vector.load %arg3[%get3A_6, %get3A_7] : memref<1x128xf32, #tpu.memory_space<vmem>>, vector<1x128xf32>
    %add3A = vector.broadcast %get3A_8 : vector<1x128xf32> to vector<1000x128xf32>
    %add3A_9 = arith.addf %dot_general3A_5, %add3A : vector<1000x128xf32>
    %swap3A = arith.constant 0 : index
    %swap3A_10 = arith.constant 0 : index
    %swap3A_11 = vector.load %arg4[%swap3A, %swap3A_10] : memref<1000x128xf32, #tpu.memory_space<vmem>>, vector<1000x128xf32>
    tpu.vector_store %arg4[%swap3A, %swap3A_10], %add3A_9 {strides = array<i32>} : memref<1000x128xf32, #tpu.memory_space<vmem>>, vector<1000x128xf32>,
    return
  }
  func.func @transform_0(%arg0: i32) -> (i32, i32) {
    %c0_i32 = arith.constant 0 : i32
    %c0_i32_0 = arith.constant 0 : i32
    return %arg0, %c0_i32 : i32, i32
  }
  func.func @transform_1(%arg0: i32) -> (i32, i32) {
    %c0_i32 = arith.constant 0 : i32
    %c0_i32_0 = arith.constant 0 : i32
    %c0_i32_1 = arith.constant 0 : i32
    return %c0_i32, %c0_i32_0 : i32, i32
  }
  func.func @transform_2(%arg0: i32) -> (i32, i32) {
    %c0_i32 = arith.constant 0 : i32
    %c0_i32_0 = arith.constant 0 : i32
    %c0_i32_1 = arith.constant 0 : i32
    return %c0_i32, %c0_i32_0 : i32, i32
  }
  func.func @transform_3(%arg0: i32) -> (i32, i32) {
    %c0_i32 = arith.constant 0 : i32
    %c0_i32_0 = arith.constant 0 : i32
    return %arg0, %c0_i32 : i32, i32
  }
}

</mosaic_0001>

<sc_bundles>
// kernel: kernel.11.cloned.1.call-start
scs
__scs_entry_jumppad:
0x0: {  	(pc) =	sbr.rel $0x88, $3  }
0x1: {  	(tag) =	ssettag $0x0;
	lr =	simm.s32 $0x1  }
0x2: {  	[smem:$0x3F8F] =	sst lr;
	_ =	strace $0xD0000000  }
0x3: {  	_ = 	snop  }
0x4: {  	_ = 	snop  }
0x5: {  	_ = 	snop  }
0x6: {  	_ = 	snop  }
0x7: {  	_ = 	snop  }
__scs_overlays_trampoline_lowered:
0x8: {  	[smem:$0x3F9E] =	sst s0  }
0x9: {  	[smem:$0x3F9F] =	sst s1  }
0xa: {  	[smem:$0x3FA0] =	sst s2  }
0xb: {  	[smem:$0x3FA1] =	sst s3  }
0xc: {  	[smem:$0x3FA2] =	sst s4  }
0xd: {  	[smem:$0x3FA3] =	sst s5  }
0xe: {  	[smem:$0x3FA4] =	sst s6  }
0xf: {  	[smem:$0x3FA5] =	sst s7  }
0x10: {  	[smem:$0x3FA6] =	sst s8  }
0x11: {  	[smem:$0x3FA7] =	sst s9;
	s0 =	simm.s32 @!p0 $0x0  }
0x12: {  	s1 =	sld [smem:$0x3F8D];
	s0 =	simm.s32 @p0 $0x1  }
0x13: {  	[smem:$0x3FA8] =	sst s0;
	s0 =	simm.s32 @!p1 $0x0  }
0x14: {  	s2 =	sld [smem:$0x3F8C];
	s0 =	simm.s32 @p1 $0x1  }
0x15: {  	[smem:$0x3FA9] =	sst s0;
	s0 =	simm.s32 @!p2 $0x0  }
0x16: {  	s3 =	sld [smem:$0x3FDB];
	s0 =	simm.s32 @p2 $0x1  }
0x17: {  	s4 =	simm.s32 $0x1BF5;
	[smem:$0x3FAB] =	sst s0  }
0x18: {  	s0 =	sld [smem:$0x3F8E];
	_ =	swait.ge [sflag:s4], $0x0  }
0x19: {  	s7 =	sld [smem:$0x3F8F]  }
0x1a: {  	s8 =	sadd.s32 $0xFFFFE003, lr  }
0x1b: {  	s9 =	sadd.s32 $0xFFFFFEF7, lr;
	s5 =	simm.s32 $0xFFFFFFFF;
	p2 =	slt.u32 s8, $0xFFFFF086  }
0x1c: {  	p1 =	slt.u32 s9, $0xF7A;
	s5 =	simm.s32 @!p2 $0x0  }
0x1d: {  	s5 =	simm.s32 @p1 $0x1;
	p0 =	seq.s32 s7, s2  }
0x1e: {  	s7 =	smul.u32 @!p0 $0xF7A, s2;
	p2 =	seq.s32 @!p0 s5, $0x0  }
0x1f: {  	s9 =	smul.u32 $0xF7A, s1;
	s8 =	simm.s32 @!p0 $0x1BF5;
	p2 =	por !p2, p0  }
0x20: {  	[sflag:s8] =	ssyncset.s32 @!p0 $0xFFFFF086;
	s6 =	sadd.s32 @!p0 s3, s7;
	s7 =	simm.s32 @!p0 $0x108  }
0x21: {  	s3 =	sadd.s32 s3, s9;
	s6 =	sadd.s32 @!p0 $0x88, s6;
	s7 =	simm.s32 @p2 $0x1082  }
0x22: {  	[simem:s7], [sflag:s8] =	dma.local @!p0 [hbm:s6], $0xF7A  }
0x23: {  	s9 =	sor.u32 $0xD0000000, s2;
	s6 =	simm.s32 $0x108;
	_ =	swait.ge @!p0 [sflag:s8], $0x0  }
0x24: {  	s3 =	sadd.s32 $0x88, s3;
	s6 =	simm.s32 @!p1 $0x1082;
	[sflag:s4] =	ssyncset.s32 $0xFFFFF086  }
0x25: {  	[simem:s6], [sflag:s4] =	dma.local [hbm:s3], $0xF7A  }
0x26: {  	[smem:$0x3F8F] =	sst s1;
	(tag) =	ssettag s2;
	_ =	strace s9  }
0x27: {  	s1 =	sld [smem:$0x3F9F]  }
0x28: {  	s2 =	sld [smem:$0x3FA0]  }
0x29: {  	s4 =	sld [smem:$0x3FA2]  }
0x2a: {  	p0 =	seq.s32 s5, $0x0;
	s5 =	sld [smem:$0x3FA3]  }
0x2b: {  	s6 =	sld [smem:$0x3FA4]  }
0x2c: {  	s7 =	sld [smem:$0x3FA5]  }
0x2d: {  	s3 =	simm.s32 $0x108;
	s8 =	sld [smem:$0x3FA6]  }
0x2e: {  	s3 =	simm.s32 @!p0 $0x1082;
	s9 =	sld [smem:$0x3FA7]  }
0x2f: {  	lr =	sadd.s32 s0, s3;
	s0 =	sld [smem:$0x3F9E]  }
0x30: {  	s3 =	sld [smem:$0x3FA1]  }
0x31: {  	[smem:$0x3FAA] =	sst s10  }
0x32: {  	s10 =	sld [smem:$0x3FA8];
	_ =	sdelay $0x3  }
0x33: {  	p0 =	seq.s32 s10, $0x1;
	s10 =	sld [smem:$0x3FAA];
	_ =	sdelay $0x3  }
0x34: {  	[smem:$0x3FAA] =	sst s10  }
0x35: {  	s10 =	sld [smem:$0x3FA9];
	_ =	sdelay $0x3  }
0x36: {  	p1 =	seq.s32 s10, $0x1;
	s10 =	sld [smem:$0x3FAA];
	_ =	sdelay $0x3  }
0x37: {  	[smem:$0x3FAA] =	sst s10  }
0x38: {  	s10 =	sld [smem:$0x3FAB]  }
0x39: {  	_ = 	snop;
	(pc) =	sbr.ind lr, $3  }
0x3a: {  	_ = 	snop  }
0x3b: {  	_ = 	snop  }
0x3c: {  	p2 =	seq.s32 s10, $0x1;
	s10 =	sld [smem:$0x3FAA]  }
0x3d: {  	_ =	shalt  }
0x3e: {  	_ =	shalt  }
0x3f: {  	_ =	shalt  }
0x40: {  	_ =	shalt  }
0x41: {  	_ =	shalt  }
0x42: {  	_ =	shalt  }
0x43: {  	_ =	shalt  }
0x44: {  	_ =	shalt  }
0x45: {  	_ =	shalt  }
0x46: {  	_ =	shalt  }
0x47: {  	_ =	shalt  }
0x48: {  	_ =	shalt  }
0x49: {  	_ =	shalt  }
0x4a: {  	_ =	shalt  }
0x4b: {  	_ =	shalt  }
0x4c: {  	_ =	shalt  }
0x4d: {  	_ =	shalt  }
0x4e: {  	_ =	shalt  }
0x4f: {  	_ =	shalt  }
0x50: {  	_ =	shalt  }
0x51: {  	_ =	shalt  }
0x52: {  	_ =	shalt  }
0x53: {  	_ =	shalt  }
0x54: {  	_ =	shalt  }
0x55: {  	_ =	shalt  }
0x56: {  	_ =	shalt  }
0x57: {  	_ =	shalt  }
0x58: {  	_ =	shalt  }
0x59: {  	_ =	shalt  }
0x5a: {  	_ =	shalt  }
0x5b: {  	_ =	shalt  }
0x5c: {  	_ =	shalt  }
0x5d: {  	_ =	shalt  }
0x5e: {  	_ =	shalt  }
0x5f: {  	_ =	shalt  }
0x60: {  	_ =	shalt  }
0x61: {  	_ =	shalt  }
0x62: {  	_ =	shalt  }
0x63: {  	_ =	shalt  }
0x64: {  	_ =	shalt  }
0x65: {  	_ =	shalt  }
0x66: {  	_ =	shalt  }
0x67: {  	_ =	shalt  }
0x68: {  	_ =	shalt  }
0x69: {  	_ =	shalt  }
0x6a: {  	_ =	shalt  }
0x6b: {  	_ =	shalt  }
0x6c: {  	_ =	shalt  }
0x6d: {  	_ =	shalt  }
0x6e: {  	_ =	shalt  }
0x6f: {  	_ =	shalt  }
0x70: {  	_ =	shalt  }
0x71: {  	_ =	shalt  }
0x72: {  	_ =	shalt  }
0x73: {  	_ =	shalt  }
0x74: {  	_ =	shalt  }
0x75: {  	_ =	shalt  }
0x76: {  	_ =	shalt  }
0x77: {  	_ =	shalt  }
0x78: {  	_ =	shalt  }
0x79: {  	_ =	shalt  }
0x7a: {  	_ =	shalt  }
0x7b: {  	_ =	shalt  }
0x7c: {  	_ =	shalt  }
0x7d: {  	_ =	shalt  }
0x7e: {  	_ =	shalt  }
0x7f: {  	_ =	shalt  }
0x80: {  	_ =	shalt  }
0x81: {  	_ =	shalt  }
0x82: {  	_ =	shalt  }
0x83: {  	_ =	shalt  }
0x84: {  	_ =	shalt  }
0x85: {  	_ =	shalt  }
0x86: {  	_ =	shalt  }
0x87: {  	_ =	shalt  }
.Lfunc_end0:
.L_simem_size_0:
called_computation_lowered:
.L_overlay_start_0:
0x88: {  	s2 =	sld [smem:$0x3FD9]  }
0x89: {  	s3 =	sld [smem:$0x3FFE];
	_ =	sdelay $0x1  }
0x8a: {  	s1 =	srdreg.scid  }
0x8b: {  	s0 =	sand.u32 $0x1, s1  }
0x8c: {  	s14 =	sshll.u32 s0, $0xA;
	s2 =	sadd.s32 s3, s2  }
0x8d: {  	s2 =	sadd.s32 s2, s14  }
0x8e: {  	[smem:$0x3FB6] =	sst s2  }
0x8f: {  	_ = 	snop  }
0x90: {  	s2 =	sld [smem:$0x3FD0];
	_ =	sdelay $0x2  }
0x91: {  	s15 =	simm.s32 $0xC;
	s4 =	simm.s32 $0x10  }
0x92: {  	[smem:s4], [sflag:s15] =	dma.local [hbm:s2], $0x1  }
0x93: {  	_ =	swait.eq [sflag:s15], $0x1  }
0x94: {  	[sflag:s15] =	ssyncset.done $0x0  }
0x95: {  	s16 =	sld [smem:$0x10];
	[sflag:s15] =	ssyncadd.s32 $0xFFFFFFFF  }
0x96: {  	s17 =	sld [smem:$0x11];
	(tm) =	ssettm $0x1  }
0x97: {  	s18 =	sld [smem:$0x3FFB];
	_ =	sdelay $0x3  }
0x98: {  	_ =	strace s18  }
0x99: {  	s4 =	sld [smem:$0x3FFC];
	_ =	sdelay $0x3  }
0x9a: {  	_ =	strace s4  }
0x9b: {  	s4 =	sld [smem:$0x3FFD];
	_ =	sdelay $0x3  }
0x9c: {  	_ =	strace s4  }
0x9d: {  	_ =	strace $0x8FFFFFFF  }
0x9e: {  	s19 =	sld [smem:$0x3FDB];
	_ =	sdelay $0x1  }
0x9f: {  	s5 =	simm.s32 $_scs_section_size  }
0xa0: {  	s6 =	simm.s32 $_size__tile_overlayer_lowered;
	s7 =	simm.s32 $_tile_overlayer_lowered  }
0xa1: {  	s22 =	simm.s32 $0x1BFF;
	s21 =	sshll.u32 s7, $0x1;
	s4 =	sadd.s32 s5, s19  }
0xa2: {  	s8 =	simm.s32 $0x0;
	s20 =	sshll.u32 s6, $0x1;
	s6 =	sadd.s32 s21, s4  }
0xa3: {  	[timem:s8], [sflag:s22] =	dma.local [hbm:s6], s20  }
0xa4: {  	_ =	swait.ge [sflag:s22], s20  }
0xa5: {  	s5 =	ssub.s32 $0x0, s20;
	[sflag:s22] =	ssyncset.done $0x0  }
0xa6: {  	[sflag:s22] =	ssyncadd.s32 s5;
	_ =	sdelay $0x1  }
0xa7: {  	s23 =	simm.s32 $0x1B8B  }
0xa8: {  	_ =	swait.ge [sflag:s23], $0x1  }
0xa9: {  	[sflag:s23] =	ssyncset.done $0x0  }
0xaa: {  	s25 =	simm.s32 $0x1B8E;
	s24 =	sld [smem:$0x3FFE];
	[sflag:s23] =	ssyncadd.s32 $0xFFFFFFFF  }
0xab: {  	s26 =	simm.s32 $execute0_lowered;
	[smem:$0x3FD2] =	sst s25  }
0xac: {  	s6 =	sshll.u32 s26, $0x1;
	_ =	strace $0x80000046;
	[dreg:$0x1] =	wrdreg $0xFFFFFFFF  }
0xad: {  	s28 =	simm.s32 $_size_execute0_lowered;
	s4 =	sadd.s32 s4, s6;
	[dreg:$0x0] =	wrdreg $0x0  }
0xae: {  	s6 =	sshll.u32 s28, $0x1;
	[dreg:$0x2] =	wrdreg s4  }
0xaf: {  	[dreg:$0x3] =	wrdreg s6  }
0xb0: {  	[dreg:$0x4] =	wrdreg $0xC0  }
0xb1: {  	_ =	task [dreg:s8], $0x5FFFF  }
0xb2: {  	[dreg:$0x1] =	wrdreg $0xFFFFFFFF  }
0xb3: {  	[dreg:$0x0] =	wrdreg $0x60  }
0xb4: {  	[dreg:$0x2] =	wrdreg s24  }
0xb5: {  	[dreg:$0x3] =	wrdreg s16  }
0xb6: {  	[dreg:$0x4] =	wrdreg s17  }
0xb7: {  	[dreg:$0x5] =	wrdreg $0x3800  }
0xb8: {  	[dreg:$0x6] =	wrdreg $0x9  }
0xb9: {  	_ =	task.clear_ibuf [dreg:s8], $0x7FFFF;
	_ =	strace $0x90000046  }
0xba: {  	s29 =	simm.s32 $0x9;
	_ =	strace $0x80000048  }
0xbb: {  	_ =	swait.ge [sflag:s29], $0x1  }
0xbc: {  	[sflag:s29] =	ssyncadd.s32 $0xFFFFFFFF  }
0xbd: {  	_ =	strace $0x90000048  }
0xbe: {  	_ =	sfence  }
0xbf: {  	s30 =	sld [smem:$0x0];
	_ =	sdelay $0x2  }
0xc0: {  	s31 =	sshll.u32 s1, $0xD;
	s1 =	sshrl.u32 s1, $0x2  }
0xc1: {  	s3 =	sand.u32 $0x4000, s31;
	s1 =	sadd.s32 s1, s30  }
0xc2: {  	s0 =	sor.u32 s3, s0;
	s1 =	sshll.u32 s1, $0x11  }
0xc3: {  	s0 =	sor.u32 s1, s0  }
0xc4: {  	s0 =	sadd.s32 $0x8F2B, s0  }
0xc5: {  	[sflag:s0] =	ssyncadd.remote.s32 $0x1  }
0xc6: {  	_ =	sfence.sel $0xFFFF  }
0xc7: {  	[dreg:$0x0] =	wrdreg $0xFFFFFFFF;
	(pc) =	sbr.abs _section_cstart, $3  }
0xc8: {  	[dreg:$0x1] =	wrdreg $0xFFFFFFFF  }
0xc9: {  	_ =	task.clear_ibuf [dreg:s8], $0x2FFFF;
	_ =	strace $0x9FFFFFFF  }
0xca: {  	(tm) =	ssettm $0x7FFFFFFF  }
0xcb: {  	_ =	shalt  }
tec
execute0_lowered:
.L_overlay_start_1:
0x0: {  	(tag) =	ssettag $0x1  }
0x1: {  	s5 =	rddreg [dreg:$0x0]  }
0x2: {  	s1 =	rddreg [dreg:$0x1]  }
0x3: {  	s8 =	rddreg [dreg:$0x2]  }
0x4: {  	s2 =	rddreg [dreg:$0x3]  }
0x5: {  	s0 =	rddreg [dreg:$0x4]  }
0x6: {  	s3 =	simm.s32 $0x0;
	s4 =	srdreg.scid;
	s10 =	stileid.u32  }
0x7: {  	s13 =	simm.s32 $0x100;
	s14 =	simm.s32 $0x0;
	[smem:$0x7FF] =	sst s3  }
0x8: {  	s6 =	sand.u32 $0x1, s4;
	s7 =	smul.u32 $0x278, s10;
	s4 =	sadd.s32 $0x4E00, s5  }
0x9: {  	s5 =	sadd.s32 $0x18E00, s5;
	p0 =	sne.s32 s10, $0x0;
	_ =	strace $0x80000047  }
0xa: {  	s9 =	smul.u32 $0x2780, s6;
	s11 =	ssub.s32 $0x2, s6;
	s6 =	sshll.u32 s6, $0x4  }
0xb: {  	s12 =	sshrl.u32 s11, $0x1;
	s6 =	sor.u32 s10, s6;
	s10 =	simm.s32 $0x80  }
0xc: {  	s9 =	sadd.s32 s7, s9;
	s11 =	ssub.s32 s11, s12;
	s6 =	smul.u32 $0x5000, s6  }
0xd: {  	s7 =	sadd.s32 s7, s2;
	s12 =	sshrl.u32 @!p0 s2, $0x3;
	s9 =	sshrl.u32 s9, $0x3  }
0xe: {  	s8 =	sadd.s32 s8, s9;
	s9 =	smax.u32 s11, $0x1;
	s11 =	simm.s32 $0x1  }
.LBB2_1:
0xf: {  	[tilespmem:s10], [sflag:$0x1] =	stream.linear.gather [hbm4b:s5+s3], $0x80, $0x38;
	[tilespmem:$0x5F8] =	vst v63  }
0x10: {  	_ =	swait.ge [sflag:s11], $0x80  }
0x11: {  	[sflag:s11] =	ssyncset.done $0x0  }
0x12: {  	s15 =	simm.s32 @!p0 $0x1C01;
	[sflag:s11] =	ssyncadd.s32 $0xFFFFFF80  }
0x13: {  	[spmem:s12], [sflag:s15] =	dma.local @!p0 [hbm:s1], $0x4F0  }
0x14: {  	s16 =	sand.u32 $0x7C00, s3;
	s15 =	simm.s32 @!p0 $0x1  }
0x15: {  	s17 =	sand.u32 $0x380, s3;
	s16 =	sadd.s32 s6, s16;
	_ =	swait.ge @!p0 [sflag:s15], $0x4F0  }
0x16: {  	s16 =	sor.u32 s17, s16;
	[sflag:s15] =	ssyncset.done @!p0 $0x0  }
0x17: {  	s28 =	sshrl.u32 s16, $0x3;
	[sflag:s15] =	ssyncadd.s32 @!p0 $0xFFFFFB10  }
0x18: {  	s15 =	sadd.s32 s4, s28;
	[bflag:$0x0] =	sbarrier.arrive $0xFFFF  }
0x19: {  	[tilespmem:s3], [sflag:$0x1] =	stream.linear.gather [hbm4b:s15+s3], $0x80, $0x38;
	[tilespmem:$0x5F8] =	vst v63  }
0x1a: {  	_ =	swait.ge [sflag:s11], $0x80  }
0x1b: {  	s29 =	simm.s32 $0x80;
	[sflag:s11] =	ssyncset.done $0x0  }
0x1c: {  	s30 =	sand.u32 $0x7C00, s29;
	[sflag:s11] =	ssyncadd.s32 $0xFFFFFF80  }
0x1d: {  	[spmem:s2] =	stream.indirect.scatter.add.f32 [tilespmem:s10], [sflag:$0x1], $0x1, s3, s10, $0xb8;
	[tilespmem:$0x5F8] =	vst v63  }
0x1e: {  	s31 =	sand.u32 $0x380, s29;
	s16 =	sadd.s32 s6, s30;
	_ =	swait.ge [sflag:s11], $0x80  }
0x1f: {  	s16 =	sor.u32 s31, s16;
	s15 =	simm.s32 $0x100;
	[sflag:s11] =	ssyncset.done $0x0  }
.LBB2_2:
0x20: {  	s16 =	sshrl.u32 s16, $0x3  }
0x21: {  	[sflag:s11] =	ssyncadd.s32 $0xFFFFFF80;
	s17 =	smov.u32 s15;
	s18 =	sadd.s32 $0x80, s15  }
0x22: {  	p1 =	sne.s32 s15, $0x4F80;
	s15 =	sadd.s32 s4, s16  }
0x23: {  	[tilespmem:s3], [sflag:$0x1] =	stream.linear.gather [hbm4b:s15+s3], $0x80, $0x38;
	[tilespmem:$0x5F8] =	vst v63  }
0x24: {  	_ =	swait.ge [sflag:s11], $0x80  }
.Ltmp0:
0x25: {  	[sflag:s11] =	ssyncset.done $0x0;
	(pc) =	sbr.rel @p1 .LBB2_2-.Ltmp0, $4  }
0x26: {  	s15 =	sand.u32 $0x7C00, s17;
	[sflag:s11] =	ssyncadd.s32 $0xFFFFFF80  }
0x27: {  	[spmem:s2] =	stream.indirect.scatter.add.f32 [tilespmem:s10], [sflag:$0x1], $0x1, s3, s10, $0xb8;
	[tilespmem:$0x5F8] =	vst v63  }
0x28: {  	s16 =	sand.u32 $0x380, s17;
	s15 =	sadd.s32 s6, s15;
	_ =	swait.ge [sflag:s11], $0x80  }
0x29: {  	s16 =	sor.u32 s16, s15;
	s15 =	smov.u32 s18;
	[sflag:s11] =	ssyncset.done $0x0  }
0x2a: {  	s15 =	sshrl.u32 s16, $0x3  }
0x2b: {  	[sflag:s11] =	ssyncadd.s32 $0xFFFFFF80;
	s15 =	sadd.s32 s4, s15  }
0x2c: {  	[tilespmem:s3], [sflag:$0x1] =	stream.linear.gather [hbm4b:s15+s3], $0x80, $0x38;
	[tilespmem:$0x5F8] =	vst v63  }
0x2d: {  	_ =	swait.ge [sflag:s11], $0x80  }
0x2e: {  	[sflag:s11] =	ssyncset.done $0x0  }
0x2f: {  	[sflag:s11] =	ssyncadd.s32 $0xFFFFFF80  }
0x30: {  	[spmem:s2] =	stream.indirect.scatter.add.f32 [tilespmem:s10], [sflag:$0x1], $0x1, s3, s10, $0xb8;
	[tilespmem:$0x5F8] =	vst v63  }
0x31: {  	_ =	swait.ge [sflag:s11], $0x80  }
0x32: {  	[sflag:s11] =	ssyncset.done $0x0  }
0x33: {  	[sflag:s11] =	ssyncadd.s32 $0xFFFFFF80  }
0x34: {  	[bflag:$0x0] =	sbarrier.arrive $0xFFFF  }
0x35: {  	[tilespmem:s13], [sflag:$0x1] =	stream.linear.gather [spmem:s7], $0x278, $0x38;
	[tilespmem:$0x5F8] =	vst v63  }
0x36: {  	s14 =	sadd.s32 $0x1, s14;
	_ =	swait.ge [sflag:s11], $0x278  }
0x37: {  	p1 =	sne.s32 s14, s9;
	[sflag:s11] =	ssyncset.done $0x0  }
.Ltmp1:
0x38: {  	[sflag:s11] =	ssyncadd.s32 $0xFFFFFD88;
	(pc) =	sbr.rel @p1 .LBB2_1-.Ltmp1, $4  }
0x39: {  	[hbm4b:s8+s3] =	stream.linear.scatter [tilespmem:s13], [sflag:$0x1], $0x278, $0x38;
	[tilespmem:$0x5F8] =	vst v63  }
0x3a: {  	_ =	swait.ge [sflag:s11], $0x278  }
0x3b: {  	[sflag:s11] =	ssyncset.done $0x0  }
0x3c: {  	[sflag:s11] =	ssyncadd.s32 $0xFFFFFD88  }
0x3d: {  	_ =	sfence.sel $0x180000  }
0x3e: {  	[bflag:$0x0] =	sbarrier.arrive $0xFFFF  }
0x3f: {  	_ =	strace $0x90000047  }
0x40: {  	s0 =	sadd.s32 @!p0 $0x100000, s0;
	[bflag:$0x2] =	sbarrier.arrive $0xFFFF  }
0x41: {  	[sflag:s0] =	ssyncadd.tile.s32 @!p0 $0x1;
	_ =	shalt  }
.Lfunc_end2:
_tile_overlayer_lowered:
.L_overlay_start_2:
0x42: {  	(tag) =	ssettag $0x2  }
0x43: {  	s0 =	rddreg [dreg:$0x0];
	s2 =	stileid.u32  }
0x44: {  	s1 =	rddreg [dreg:$0x1];
	p0 =	sne.s32 s2, $0x0  }
0x45: {  	s3 =	rddreg [dreg:$0x2];
	[bflag:$0x3] =	sbarrier.arrive $0xFFFF;
	s2 =	simm.s32 @!p0 $0x1C01  }
0x46: {  	[timem:s3], [sflag:s2] =	dma.local @!p0 [hbm:s0], s1  }
0x47: {  	s0 =	simm.s32 @!p0 $0x1  }
0x48: {  	_ =	swait.ge @!p0 [sflag:s0], s1  }
0x49: {  	s1 =	ssub.s32 @!p0 $0x0, s1;
	[sflag:s0] =	ssyncset.done @!p0 $0x0  }
0x4a: {  	[sflag:s0] =	ssyncadd.s32 @!p0 s1  }
0x4b: {  	[bflag:$0x3] =	sbarrier.arrive $0xFFFF  }
0x4c: {  	_ =	shalt  }

// kernel: kernel.14.cloned.1.call-start
scs
__scs_entry_jumppad:
0x0: {  	(pc) =	sbr.rel $0x88, $3  }
0x1: {  	(tag) =	ssettag $0x0;
	lr =	simm.s32 $0x1  }
0x2: {  	[smem:$0x3F8F] =	sst lr;
	_ =	strace $0xD0000000  }
0x3: {  	_ = 	snop  }
0x4: {  	_ = 	snop  }
0x5: {  	_ = 	snop  }
0x6: {  	_ = 	snop  }
0x7: {  	_ = 	snop  }
__scs_overlays_trampoline_lowered:
0x8: {  	[smem:$0x3F9E] =	sst s0  }
0x9: {  	[smem:$0x3F9F] =	sst s1  }
0xa: {  	[smem:$0x3FA0] =	sst s2  }
0xb: {  	[smem:$0x3FA1] =	sst s3  }
0xc: {  	[smem:$0x3FA2] =	sst s4  }
0xd: {  	[smem:$0x3FA3] =	sst s5  }
0xe: {  	[smem:$0x3FA4] =	sst s6  }
0xf: {  	[smem:$0x3FA5] =	sst s7  }
0x10: {  	[smem:$0x3FA6] =	sst s8  }
0x11: {  	[smem:$0x3FA7] =	sst s9;
	s0 =	simm.s32 @!p0 $0x0  }
0x12: {  	s1 =	sld [smem:$0x3F8D];
	s0 =	simm.s32 @p0 $0x1  }
0x13: {  	[smem:$0x3FA8] =	sst s0;
	s0 =	simm.s32 @!p1 $0x0  }
0x14: {  	s2 =	sld [smem:$0x3F8C];
	s0 =	simm.s32 @p1 $0x1  }
0x15: {  	[smem:$0x3FA9] =	sst s0;
	s0 =	simm.s32 @!p2 $0x0  }
0x16: {  	s3 =	sld [smem:$0x3FDB];
	s0 =	simm.s32 @p2 $0x1  }
0x17: {  	s4 =	simm.s32 $0x1BF5;
	[smem:$0x3FAB] =	sst s0  }
0x18: {  	s0 =	sld [smem:$0x3F8E];
	_ =	swait.ge [sflag:s4], $0x0  }
0x19: {  	s7 =	sld [smem:$0x3F8F]  }
0x1a: {  	s8 =	sadd.s32 $0xFFFFE003, lr  }
0x1b: {  	s9 =	sadd.s32 $0xFFFFFEF7, lr;
	s5 =	simm.s32 $0xFFFFFFFF;
	p2 =	slt.u32 s8, $0xFFFFF086  }
0x1c: {  	p1 =	slt.u32 s9, $0xF7A;
	s5 =	simm.s32 @!p2 $0x0  }
0x1d: {  	s5 =	simm.s32 @p1 $0x1;
	p0 =	seq.s32 s7, s2  }
0x1e: {  	s7 =	smul.u32 @!p0 $0xF7A, s2;
	p2 =	seq.s32 @!p0 s5, $0x0  }
0x1f: {  	s9 =	smul.u32 $0xF7A, s1;
	s8 =	simm.s32 @!p0 $0x1BF5;
	p2 =	por !p2, p0  }
0x20: {  	[sflag:s8] =	ssyncset.s32 @!p0 $0xFFFFF086;
	s6 =	sadd.s32 @!p0 s3, s7;
	s7 =	simm.s32 @!p0 $0x108  }
0x21: {  	s3 =	sadd.s32 s3, s9;
	s6 =	sadd.s32 @!p0 $0x88, s6;
	s7 =	simm.s32 @p2 $0x1082  }
0x22: {  	[simem:s7], [sflag:s8] =	dma.local @!p0 [hbm:s6], $0xF7A  }
0x23: {  	s9 =	sor.u32 $0xD0000000, s2;
	s6 =	simm.s32 $0x108;
	_ =	swait.ge @!p0 [sflag:s8], $0x0  }
0x24: {  	s3 =	sadd.s32 $0x88, s3;
	s6 =	simm.s32 @!p1 $0x1082;
	[sflag:s4] =	ssyncset.s32 $0xFFFFF086  }
0x25: {  	[simem:s6], [sflag:s4] =	dma.local [hbm:s3], $0xF7A  }
0x26: {  	[smem:$0x3F8F] =	sst s1;
	(tag) =	ssettag s2;
	_ =	strace s9  }
0x27: {  	s1 =	sld [smem:$0x3F9F]  }
0x28: {  	s2 =	sld [smem:$0x3FA0]  }
0x29: {  	s4 =	sld [smem:$0x3FA2]  }
0x2a: {  	p0 =	seq.s32 s5, $0x0;
	s5 =	sld [smem:$0x3FA3]  }
0x2b: {  	s6 =	sld [smem:$0x3FA4]  }
0x2c: {  	s7 =	sld [smem:$0x3FA5]  }
0x2d: {  	s3 =	simm.s32 $0x108;
	s8 =	sld [smem:$0x3FA6]  }
0x2e: {  	s3 =	simm.s32 @!p0 $0x1082;
	s9 =	sld [smem:$0x3FA7]  }
0x2f: {  	lr =	sadd.s32 s0, s3;
	s0 =	sld [smem:$0x3F9E]  }
0x30: {  	s3 =	sld [smem:$0x3FA1]  }
0x31: {  	[smem:$0x3FAA] =	sst s10  }
0x32: {  	s10 =	sld [smem:$0x3FA8];
	_ =	sdelay $0x3  }
0x33: {  	p0 =	seq.s32 s10, $0x1;
	s10 =	sld [smem:$0x3FAA];
	_ =	sdelay $0x3  }
0x34: {  	[smem:$0x3FAA] =	sst s10  }
0x35: {  	s10 =	sld [smem:$0x3FA9];
	_ =	sdelay $0x3  }
0x36: {  	p1 =	seq.s32 s10, $0x1;
	s10 =	sld [smem:$0x3FAA];
	_ =	sdelay $0x3  }
0x37: {  	[smem:$0x3FAA] =	sst s10  }
0x38: {  	s10 =	sld [smem:$0x3FAB]  }
0x39: {  	_ = 	snop;
	(pc) =	sbr.ind lr, $3  }
0x3a: {  	_ = 	snop  }
0x3b: {  	_ = 	snop  }
0x3c: {  	p2 =	seq.s32 s10, $0x1;
	s10 =	sld [smem:$0x3FAA]  }
0x3d: {  	_ =	shalt  }
0x3e: {  	_ =	shalt  }
0x3f: {  	_ =	shalt  }
0x40: {  	_ =	shalt  }
0x41: {  	_ =	shalt  }
0x42: {  	_ =	shalt  }
0x43: {  	_ =	shalt  }
0x44: {  	_ =	shalt  }
0x45: {  	_ =	shalt  }
0x46: {  	_ =	shalt  }
0x47: {  	_ =	shalt  }
0x48: {  	_ =	shalt  }
0x49: {  	_ =	shalt  }
0x4a: {  	_ =	shalt  }
0x4b: {  	_ =	shalt  }
0x4c: {  	_ =	shalt  }
0x4d: {  	_ =	shalt  }
0x4e: {  	_ =	shalt  }
0x4f: {  	_ =	shalt  }
0x50: {  	_ =	shalt  }
0x51: {  	_ =	shalt  }
0x52: {  	_ =	shalt  }
0x53: {  	_ =	shalt  }
0x54: {  	_ =	shalt  }
0x55: {  	_ =	shalt  }
0x56: {  	_ =	shalt  }
0x57: {  	_ =	shalt  }
0x58: {  	_ =	shalt  }
0x59: {  	_ =	shalt  }
0x5a: {  	_ =	shalt  }
0x5b: {  	_ =	shalt  }
0x5c: {  	_ =	shalt  }
0x5d: {  	_ =	shalt  }
0x5e: {  	_ =	shalt  }
0x5f: {  	_ =	shalt  }
0x60: {  	_ =	shalt  }
0x61: {  	_ =	shalt  }
0x62: {  	_ =	shalt  }
0x63: {  	_ =	shalt  }
0x64: {  	_ =	shalt  }
0x65: {  	_ =	shalt  }
0x66: {  	_ =	shalt  }
0x67: {  	_ =	shalt  }
0x68: {  	_ =	shalt  }
0x69: {  	_ =	shalt  }
0x6a: {  	_ =	shalt  }
0x6b: {  	_ =	shalt  }
0x6c: {  	_ =	shalt  }
0x6d: {  	_ =	shalt  }
0x6e: {  	_ =	shalt  }
0x6f: {  	_ =	shalt  }
0x70: {  	_ =	shalt  }
0x71: {  	_ =	shalt  }
0x72: {  	_ =	shalt  }
0x73: {  	_ =	shalt  }
0x74: {  	_ =	shalt  }
0x75: {  	_ =	shalt  }
0x76: {  	_ =	shalt  }
0x77: {  	_ =	shalt  }
0x78: {  	_ =	shalt  }
0x79: {  	_ =	shalt  }
0x7a: {  	_ =	shalt  }
0x7b: {  	_ =	shalt  }
0x7c: {  	_ =	shalt  }
0x7d: {  	_ =	shalt  }
0x7e: {  	_ =	shalt  }
0x7f: {  	_ =	shalt  }
0x80: {  	_ =	shalt  }
0x81: {  	_ =	shalt  }
0x82: {  	_ =	shalt  }
0x83: {  	_ =	shalt  }
0x84: {  	_ =	shalt  }
0x85: {  	_ =	shalt  }
0x86: {  	_ =	shalt  }
0x87: {  	_ =	shalt  }
.Lfunc_end0:
.L_simem_size_0:
called_computation.1_lowered:
.L_overlay_start_0:
0x88: {  	s2 =	sld [smem:$0x3FD9]  }
0x89: {  	s3 =	sld [smem:$0x3FFE];
	_ =	sdelay $0x1  }
0x8a: {  	s1 =	srdreg.scid  }
0x8b: {  	s0 =	sand.u32 $0x1, s1  }
0x8c: {  	s17 =	sshll.u32 s0, $0xA;
	s2 =	sadd.s32 s3, s2  }
0x8d: {  	s2 =	sadd.s32 s2, s17  }
0x8e: {  	[smem:$0x3FB6] =	sst s2  }
0x8f: {  	_ = 	snop  }
0x90: {  	(tm) =	ssettm $0x1  }
0x91: {  	s18 =	sld [smem:$0x3FFB];
	_ =	sdelay $0x3  }
0x92: {  	_ =	strace s18  }
0x93: {  	s2 =	sld [smem:$0x3FFC];
	_ =	sdelay $0x3  }
0x94: {  	_ =	strace s2  }
0x95: {  	s2 =	sld [smem:$0x3FFD];
	_ =	sdelay $0x3  }
0x96: {  	_ =	strace s2  }
0x97: {  	_ =	strace $0x8FFFFFFF  }
0x98: {  	s19 =	sld [smem:$0x3FDB];
	_ =	sdelay $0x1  }
0x99: {  	s20 =	simm.s32 $_scs_section_size  }
0x9a: {  	s4 =	simm.s32 $_size__tile_overlayer_lowered;
	s5 =	simm.s32 $_tile_overlayer_lowered  }
0x9b: {  	s6 =	simm.s32 $0x1BFF;
	s21 =	sshll.u32 s5, $0x1;
	s3 =	sadd.s32 s20, s19  }
0x9c: {  	s22 =	simm.s32 $0x0;
	s4 =	sshll.u32 s4, $0x1;
	s5 =	sadd.s32 s21, s3  }
0x9d: {  	[timem:s22], [sflag:s6] =	dma.local [hbm:s5], s4  }
0x9e: {  	_ =	swait.ge [sflag:s6], s4  }
0x9f: {  	s4 =	ssub.s32 $0x0, s4;
	[sflag:s6] =	ssyncset.done $0x0  }
0xa0: {  	[sflag:s6] =	ssyncadd.s32 s4;
	_ =	sdelay $0x1  }
0xa1: {  	s23 =	simm.s32 $0x1B8B  }
0xa2: {  	_ =	swait.ge [sflag:s23], $0x1  }
0xa3: {  	[sflag:s23] =	ssyncset.done $0x0  }
0xa4: {  	[sflag:s23] =	ssyncadd.s32 $0xFFFFFFFF  }
0xa5: {  	s4 =	sld [smem:$0x0]  }
0xa6: {  	s5 =	sand.u32 $0xFFFFFFFE, s1  }
0xa7: {  	p0 =	sne.s32 s1, s5  }
0xa8: {  	s5 =	sshll.u32 @p0 s5, $0xE  }
0xa9: {  	s5 =	sadd.s32 @p0 $0x11B8D, s5;
	s6 =	sshll.u32 @p0 s4, $0x11  }
0xaa: {  	s5 =	sor.u32 @p0 s6, s5  }
0xab: {  	[sflag:s5] =	ssyncadd.remote.s32 @p0 $0x1;
	_ =	sdelay $0x1  }
0xac: {  	s5 =	simm.s32 @p0 $0x1B8D  }
0xad: {  	_ =	swait.eq @p0 [sflag:s5], $0x1  }
0xae: {  	[sflag:s5] =	ssyncadd.s32 @p0 $0xFFFFFFFF  }
0xaf: {  	s6 =	sshll.u32 @!p0 s1, $0xE  }
0xb0: {  	s6 =	sor.u32 @!p0 $0x4000, s6;
	s5 =	simm.s32 @!p0 $0x1B8D  }
0xb1: {  	s4 =	sshll.u32 @!p0 s4, $0x11;
	s6 =	sadd.s32 @!p0 $0x11B8D, s6;
	_ =	swait.eq @!p0 [sflag:s5], $0x1  }
0xb2: {  	s4 =	sor.u32 @!p0 s4, s6;
	[sflag:s5] =	ssyncadd.s32 @!p0 $0xFFFFFFFF  }
0xb3: {  	s25 =	simm.s32 $0x1B8E;
	s24 =	sld [smem:$0x3FFE];
	[sflag:s4] =	ssyncadd.remote.s32 @!p0 $0x1  }
0xb4: {  	s26 =	simm.s32 $execute0_lowered;
	[smem:$0x3FD2] =	sst s25  }
0xb5: {  	s5 =	sshll.u32 s26, $0x1;
	_ =	strace $0x8000004F;
	[dreg:$0x1] =	wrdreg $0xFFFFFFFF  }
0xb6: {  	s28 =	simm.s32 $_size_execute0_lowered;
	s3 =	sadd.s32 s3, s5;
	[dreg:$0x0] =	wrdreg $0x0  }
0xb7: {  	s5 =	sshll.u32 s28, $0x1;
	[dreg:$0x2] =	wrdreg s3  }
0xb8: {  	[dreg:$0x3] =	wrdreg s5  }
0xb9: {  	[dreg:$0x4] =	wrdreg $0xC0  }
0xba: {  	_ =	task [dreg:s22], $0x5FFFF  }
0xbb: {  	[dreg:$0x1] =	wrdreg $0xFFFFFFFF  }
0xbc: {  	[dreg:$0x0] =	wrdreg $0x60  }
0xbd: {  	[dreg:$0x2] =	wrdreg s24  }
0xbe: {  	[dreg:$0x3] =	wrdreg $0x1800  }
0xbf: {  	[dreg:$0x4] =	wrdreg $0x9  }
0xc0: {  	_ =	task.clear_ibuf [dreg:s22], $0x5FFFF;
	_ =	strace $0x9000004F  }
0xc1: {  	s29 =	simm.s32 $0x9;
	_ =	strace $0x80000051  }
0xc2: {  	_ =	swait.ge [sflag:s29], $0x1  }
0xc3: {  	[sflag:s29] =	ssyncadd.s32 $0xFFFFFFFF  }
0xc4: {  	_ =	strace $0x90000051  }
0xc5: {  	_ =	sfence  }
0xc6: {  	s30 =	sld [smem:$0x0];
	_ =	sdelay $0x2  }
0xc7: {  	s31 =	sshll.u32 s1, $0xD;
	s1 =	sshrl.u32 s1, $0x2  }
0xc8: {  	s4 =	sand.u32 $0x4000, s31;
	s1 =	sadd.s32 s1, s30  }
0xc9: {  	s0 =	sor.u32 s4, s0;
	s1 =	sshll.u32 s1, $0x11  }
0xca: {  	s0 =	sor.u32 s1, s0  }
0xcb: {  	s0 =	sadd.s32 $0x8F2B, s0  }
0xcc: {  	[sflag:s0] =	ssyncadd.remote.s32 $0x1  }
0xcd: {  	_ =	sfence.sel $0xFFFF  }
0xce: {  	[dreg:$0x0] =	wrdreg $0xFFFFFFFF;
	(pc) =	sbr.abs _section_cstart, $3  }
0xcf: {  	[dreg:$0x1] =	wrdreg $0xFFFFFFFF  }
0xd0: {  	_ =	task.clear_ibuf [dreg:s22], $0x2FFFF;
	_ =	strace $0x9FFFFFFF  }
0xd1: {  	(tm) =	ssettm $0x7FFFFFFF  }
tec
execute0_lowered:
.L_overlay_start_1:
0x0: {  	(tag) =	ssettag $0x1  }
0x1: {  	s13 =	rddreg [dreg:$0x0]  }
0x2: {  	s1 =	rddreg [dreg:$0x1]  }
0x3: {  	s0 =	rddreg [dreg:$0x2];
	s2 =	simm.s32 $0x0  }
0x4: {  	s14 =	stileid.u32;
	s5 =	simm.s32 $0x80;
	[smem:$0x7FF] =	sst s2  }
0x5: {  	s4 =	simm.s32 $0x1;
	s3 =	sadd.s32 $0x18E00, s13;
	_ =	strace $0x80000050  }
0x6: {  	[tilespmem:s5], [sflag:$0x1] =	stream.linear.gather [hbm4b:s3+s2], $0x80, $0x38;
	[tilespmem:$0x200] =	vst v63  }
0x7: {  	s10 =	srdreg.scid;
	p0 =	sne.s32 s14, $0x0;
	_ =	swait.ge [sflag:s4], $0x80  }
0x8: {  	s6 =	sadd.s32 $0xA4000, s13;
	s7 =	sshrl.u32 @!p0 s1, $0x3;
	[sflag:s4] =	ssyncset.done $0x0  }
0x9: {  	s8 =	simm.s32 @!p0 $0x1C01;
	s9 =	simm.s32 @!p0 $0x1;
	[sflag:s4] =	ssyncadd.s32 $0xFFFFFF80  }
0xa: {  	[spmem:s7], [sflag:s8] =	dma.local @!p0 [hbm:s6], $0x100  }
0xb: {  	s11 =	sshll.u32 s14, $0x6;
	s15 =	sand.u32 $0x1, s10;
	_ =	swait.ge @!p0 [sflag:s9], $0x100  }
0xc: {  	s28 =	sadd.s32 s11, s13;
	s29 =	sshll.u32 s15, $0xA;
	[sflag:s9] =	ssyncset.done @!p0 $0x0  }
0xd: {  	s12 =	sadd.s32 s29, s28;
	[sflag:s9] =	ssyncadd.s32 @!p0 $0xFFFFFF00  }
0xe: {  	s10 =	sadd.s32 $0xA4400, s12;
	[bflag:$0x0] =	sbarrier.arrive $0xFFFF  }
0xf: {  	[tilespmem:s2], [sflag:$0x1] =	stream.linear.gather [hbm4b:s10+s2], $0x80, $0x38;
	[tilespmem:$0x200] =	vst v63  }
0x10: {  	_ =	swait.ge [sflag:s4], $0x80  }
0x11: {  	[sflag:s4] =	ssyncset.done $0x0  }
0x12: {  	[sflag:s4] =	ssyncadd.s32 $0xFFFFFF80  }
0x13: {  	[spmem:s1] =	stream.indirect.scatter.add.f32 [tilespmem:s5], [sflag:$0x1], $0x1, s2, s5, $0xb8;
	[tilespmem:$0x200] =	vst v63  }
0x14: {  	_ =	swait.ge [sflag:s4], $0x80  }
0x15: {  	[sflag:s4] =	ssyncset.done $0x0  }
0x16: {  	s11 =	sadd.s32 $0xA4410, s12;
	[sflag:s4] =	ssyncadd.s32 $0xFFFFFF80  }
0x17: {  	[tilespmem:s2], [sflag:$0x1] =	stream.linear.gather [hbm4b:s11+s2], $0x80, $0x38;
	[tilespmem:$0x200] =	vst v63  }
0x18: {  	_ =	swait.ge [sflag:s4], $0x80  }
0x19: {  	[sflag:s4] =	ssyncset.done $0x0  }
0x1a: {  	[sflag:s4] =	ssyncadd.s32 $0xFFFFFF80  }
0x1b: {  	[spmem:s1] =	stream.indirect.scatter.add.f32 [tilespmem:s5], [sflag:$0x1], $0x1, s2, s5, $0xb8;
	[tilespmem:$0x200] =	vst v63  }
0x1c: {  	_ =	swait.ge [sflag:s4], $0x80  }
0x1d: {  	[sflag:s4] =	ssyncset.done $0x0  }
0x1e: {  	s12 =	sadd.s32 $0xA4420, s12;
	[sflag:s4] =	ssyncadd.s32 $0xFFFFFF80  }
0x1f: {  	[tilespmem:s2], [sflag:$0x1] =	stream.linear.gather [hbm4b:s12+s2], $0x80, $0x38;
	[tilespmem:$0x200] =	vst v63  }
0x20: {  	_ =	swait.ge [sflag:s4], $0x80  }
0x21: {  	s16 =	sshll.u32 s14, $0x4;
	s30 =	sshll.u32 s14, $0x7;
	[sflag:s4] =	ssyncset.done $0x0  }
0x22: {  	s14 =	simm.s32 $0x100;
	s17 =	ssub.s32 $0x2, s15;
	[sflag:s4] =	ssyncadd.s32 $0xFFFFFF80  }
0x23: {  	[spmem:s1] =	stream.indirect.scatter.add.f32 [tilespmem:s5], [sflag:$0x1], $0x1, s2, s5, $0xb8;
	[tilespmem:$0x200] =	vst v63  }
0x24: {  	s16 =	sadd.s32 s16, s13;
	s18 =	sshrl.u32 s17, $0x1;
	_ =	swait.ge [sflag:s4], $0x80  }
0x25: {  	s13 =	sadd.s32 s30, s1;
	s17 =	ssub.s32 s17, s18;
	[sflag:s4] =	ssyncset.done $0x0  }
0x26: {  	s15 =	sshll.u32 s15, $0x8;
	s31 =	smax.u32 s17, $0x1;
	[sflag:s4] =	ssyncadd.s32 $0xFFFFFF80  }
0x27: {  	s15 =	sadd.s32 s15, s16;
	s16 =	sadd.s32 $0xFFFFFFFF, s31;
	[bflag:$0x0] =	sbarrier.arrive $0xFFFF  }
0x28: {  	[tilespmem:s14], [sflag:$0x1] =	stream.linear.gather [spmem:s13], $0x80, $0x38;
	[tilespmem:$0x200] =	vst v63  }
0x29: {  	p1 =	sne.s32 s16, $0x0;
	_ =	swait.ge [sflag:s4], $0x80  }
.Ltmp0:
0x2a: {  	[sflag:s4] =	ssyncset.done $0x0;
	(pc) =	sbr.rel @!p1 .LBB2_2-.Ltmp0, $4  }
0x2b: {  	s15 =	sadd.s32 $0xA4C00, s15;
	[sflag:s4] =	ssyncadd.s32 $0xFFFFFF80  }
0x2c: {  	[hbm4b:s15+s2] =	stream.linear.scatter [tilespmem:s14], [sflag:$0x1], $0x80, $0x38;
	[tilespmem:$0x200] =	vst v63  }
0x2d: {  	_ =	swait.ge [sflag:s4], $0x80  }
0x2e: {  	[sflag:s4] =	ssyncset.done $0x0  }
.LBB2_1:
0x2f: {  	s16 =	sadd.s32 $0xFFFFFFFF, s16;
	[sflag:s4] =	ssyncadd.s32 $0xFFFFFF80  }
0x30: {  	[tilespmem:s5], [sflag:$0x1] =	stream.linear.gather [hbm4b:s3+s2], $0x80, $0x38;
	[tilespmem:$0x200] =	vst v63  }
0x31: {  	p1 =	sne.s32 s16, $0x0;
	_ =	swait.ge [sflag:s4], $0x80  }
0x32: {  	[sflag:s4] =	ssyncset.done $0x0  }
0x33: {  	[sflag:s4] =	ssyncadd.s32 $0xFFFFFF80  }
0x34: {  	[spmem:s7], [sflag:s8] =	dma.local @!p0 [hbm:s6], $0x100  }
0x35: {  	_ =	swait.ge @!p0 [sflag:s9], $0x100  }
0x36: {  	[sflag:s9] =	ssyncset.done @!p0 $0x0  }
0x37: {  	[sflag:s9] =	ssyncadd.s32 @!p0 $0xFFFFFF00  }
0x38: {  	[bflag:$0x0] =	sbarrier.arrive $0xFFFF  }
0x39: {  	[tilespmem:s2], [sflag:$0x1] =	stream.linear.gather [hbm4b:s10+s2], $0x80, $0x38;
	[tilespmem:$0x200] =	vst v63  }
0x3a: {  	_ =	swait.ge [sflag:s4], $0x80  }
0x3b: {  	[sflag:s4] =	ssyncset.done $0x0  }
0x3c: {  	[sflag:s4] =	ssyncadd.s32 $0xFFFFFF80  }
0x3d: {  	[spmem:s1] =	stream.indirect.scatter.add.f32 [tilespmem:s5], [sflag:$0x1], $0x1, s2, s5, $0xb8;
	[tilespmem:$0x200] =	vst v63  }
0x3e: {  	_ =	swait.ge [sflag:s4], $0x80  }
0x3f: {  	[sflag:s4] =	ssyncset.done $0x0  }
0x40: {  	[sflag:s4] =	ssyncadd.s32 $0xFFFFFF80  }
0x41: {  	[tilespmem:s2], [sflag:$0x1] =	stream.linear.gather [hbm4b:s11+s2], $0x80, $0x38;
	[tilespmem:$0x200] =	vst v63  }
0x42: {  	_ =	swait.ge [sflag:s4], $0x80  }
0x43: {  	[sflag:s4] =	ssyncset.done $0x0  }
0x44: {  	[sflag:s4] =	ssyncadd.s32 $0xFFFFFF80  }
0x45: {  	[spmem:s1] =	stream.indirect.scatter.add.f32 [tilespmem:s5], [sflag:$0x1], $0x1, s2, s5, $0xb8;
	[tilespmem:$0x200] =	vst v63  }
0x46: {  	_ =	swait.ge [sflag:s4], $0x80  }
0x47: {  	[sflag:s4] =	ssyncset.done $0x0  }
0x48: {  	[sflag:s4] =	ssyncadd.s32 $0xFFFFFF80  }
0x49: {  	[tilespmem:s2], [sflag:$0x1] =	stream.linear.gather [hbm4b:s12+s2], $0x80, $0x38;
	[tilespmem:$0x200] =	vst v63  }
0x4a: {  	_ =	swait.ge [sflag:s4], $0x80  }
0x4b: {  	[sflag:s4] =	ssyncset.done $0x0  }
0x4c: {  	[sflag:s4] =	ssyncadd.s32 $0xFFFFFF80  }
0x4d: {  	[spmem:s1] =	stream.indirect.scatter.add.f32 [tilespmem:s5], [sflag:$0x1], $0x1, s2, s5, $0xb8;
	[tilespmem:$0x200] =	vst v63  }
0x4e: {  	_ =	swait.ge [sflag:s4], $0x80  }
0x4f: {  	[sflag:s4] =	ssyncset.done $0x0  }
0x50: {  	[sflag:s4] =	ssyncadd.s32 $0xFFFFFF80  }
0x51: {  	[bflag:$0x0] =	sbarrier.arrive $0xFFFF  }
0x52: {  	[tilespmem:s14], [sflag:$0x1] =	stream.linear.gather [spmem:s13], $0x80, $0x38;
	[tilespmem:$0x200] =	vst v63  }
0x53: {  	_ =	swait.ge [sflag:s4], $0x80  }
.Ltmp1:
0x54: {  	[sflag:s4] =	ssyncset.done $0x0;
	(pc) =	sbr.rel @p1 .LBB2_1-.Ltmp1, $4  }
0x55: {  	[sflag:s4] =	ssyncadd.s32 $0xFFFFFF80  }
0x56: {  	[hbm4b:s15+s2] =	stream.linear.scatter [tilespmem:s14], [sflag:$0x1], $0x80, $0x38;
	[tilespmem:$0x200] =	vst v63  }
0x57: {  	_ =	swait.ge [sflag:s4], $0x80  }
0x58: {  	[sflag:s4] =	ssyncset.done $0x0  }
.LBB2_2:
0x59: {  	[sflag:s4] =	ssyncadd.s32 $0xFFFFFF80  }
0x5a: {  	_ =	sfence.sel $0x180000  }
0x5b: {  	[bflag:$0x0] =	sbarrier.arrive $0xFFFF  }
0x5c: {  	_ =	strace $0x90000050  }
0x5d: {  	s0 =	sadd.s32 @!p0 $0x100000, s0;
	[bflag:$0x2] =	sbarrier.arrive $0xFFFF  }
0x5e: {  	[sflag:s0] =	ssyncadd.tile.s32 @!p0 $0x1;
	_ =	shalt  }
.Lfunc_end2:
_tile_overlayer_lowered:
.L_overlay_start_2:
0x5f: {  	(tag) =	ssettag $0x2  }
0x60: {  	s0 =	rddreg [dreg:$0x0];
	s2 =	stileid.u32  }
0x61: {  	s1 =	rddreg [dreg:$0x1];
	p0 =	sne.s32 s2, $0x0  }
0x62: {  	s3 =	rddreg [dreg:$0x2];
	[bflag:$0x3] =	sbarrier.arrive $0xFFFF;
	s2 =	simm.s32 @!p0 $0x1C01  }
0x63: {  	[timem:s3], [sflag:s2] =	dma.local @!p0 [hbm:s0], s1  }
0x64: {  	s0 =	simm.s32 @!p0 $0x1  }
0x65: {  	_ =	swait.ge @!p0 [sflag:s0], s1  }
0x66: {  	s1 =	ssub.s32 @!p0 $0x0, s1;
	[sflag:s0] =	ssyncset.done @!p0 $0x0  }
0x67: {  	[sflag:s0] =	ssyncadd.s32 @!p0 s1  }
0x68: {  	[bflag:$0x3] =	sbarrier.arrive $0xFFFF  }
0x69: {  	_ =	shalt  }

// kernel: kernel.17.cloned.1.call-start
scs
__scs_entry_jumppad:
0x0: {  	(pc) =	sbr.rel $0x88, $3  }
0x1: {  	(tag) =	ssettag $0x0;
	lr =	simm.s32 $0x1  }
0x2: {  	[smem:$0x3F8F] =	sst lr;
	_ =	strace $0xD0000000  }
0x3: {  	_ = 	snop  }
0x4: {  	_ = 	snop  }
0x5: {  	_ = 	snop  }
0x6: {  	_ = 	snop  }
0x7: {  	_ = 	snop  }
__scs_overlays_trampoline_lowered:
0x8: {  	[smem:$0x3F9E] =	sst s0  }
0x9: {  	[smem:$0x3F9F] =	sst s1  }
0xa: {  	[smem:$0x3FA0] =	sst s2  }
0xb: {  	[smem:$0x3FA1] =	sst s3  }
0xc: {  	[smem:$0x3FA2] =	sst s4  }
0xd: {  	[smem:$0x3FA3] =	sst s5  }
0xe: {  	[smem:$0x3FA4] =	sst s6  }
0xf: {  	[smem:$0x3FA5] =	sst s7  }
0x10: {  	[smem:$0x3FA6] =	sst s8  }
0x11: {  	[smem:$0x3FA7] =	sst s9;
	s0 =	simm.s32 @!p0 $0x0  }
0x12: {  	s1 =	sld [smem:$0x3F8D];
	s0 =	simm.s32 @p0 $0x1  }
0x13: {  	[smem:$0x3FA8] =	sst s0;
	s0 =	simm.s32 @!p1 $0x0  }
0x14: {  	s2 =	sld [smem:$0x3F8C];
	s0 =	simm.s32 @p1 $0x1  }
0x15: {  	[smem:$0x3FA9] =	sst s0;
	s0 =	simm.s32 @!p2 $0x0  }
0x16: {  	s3 =	sld [smem:$0x3FDB];
	s0 =	simm.s32 @p2 $0x1  }
0x17: {  	s4 =	simm.s32 $0x1BF5;
	[smem:$0x3FAB] =	sst s0  }
0x18: {  	s0 =	sld [smem:$0x3F8E];
	_ =	swait.ge [sflag:s4], $0x0  }
0x19: {  	s7 =	sld [smem:$0x3F8F]  }
0x1a: {  	s8 =	sadd.s32 $0xFFFFE003, lr  }
0x1b: {  	s9 =	sadd.s32 $0xFFFFFEF7, lr;
	s5 =	simm.s32 $0xFFFFFFFF;
	p2 =	slt.u32 s8, $0xFFFFF086  }
0x1c: {  	p1 =	slt.u32 s9, $0xF7A;
	s5 =	simm.s32 @!p2 $0x0  }
0x1d: {  	s5 =	simm.s32 @p1 $0x1;
	p0 =	seq.s32 s7, s2  }
0x1e: {  	s7 =	smul.u32 @!p0 $0xF7A, s2;
	p2 =	seq.s32 @!p0 s5, $0x0  }
0x1f: {  	s9 =	smul.u32 $0xF7A, s1;
	s8 =	simm.s32 @!p0 $0x1BF5;
	p2 =	por !p2, p0  }
0x20: {  	[sflag:s8] =	ssyncset.s32 @!p0 $0xFFFFF086;
	s6 =	sadd.s32 @!p0 s3, s7;
	s7 =	simm.s32 @!p0 $0x108  }
0x21: {  	s3 =	sadd.s32 s3, s9;
	s6 =	sadd.s32 @!p0 $0x88, s6;
	s7 =	simm.s32 @p2 $0x1082  }
0x22: {  	[simem:s7], [sflag:s8] =	dma.local @!p0 [hbm:s6], $0xF7A  }
0x23: {  	s9 =	sor.u32 $0xD0000000, s2;
	s6 =	simm.s32 $0x108;
	_ =	swait.ge @!p0 [sflag:s8], $0x0  }
0x24: {  	s3 =	sadd.s32 $0x88, s3;
	s6 =	simm.s32 @!p1 $0x1082;
	[sflag:s4] =	ssyncset.s32 $0xFFFFF086  }
0x25: {  	[simem:s6], [sflag:s4] =	dma.local [hbm:s3], $0xF7A  }
0x26: {  	[smem:$0x3F8F] =	sst s1;
	(tag) =	ssettag s2;
	_ =	strace s9  }
0x27: {  	s1 =	sld [smem:$0x3F9F]  }
0x28: {  	s2 =	sld [smem:$0x3FA0]  }
0x29: {  	s4 =	sld [smem:$0x3FA2]  }
0x2a: {  	p0 =	seq.s32 s5, $0x0;
	s5 =	sld [smem:$0x3FA3]  }
0x2b: {  	s6 =	sld [smem:$0x3FA4]  }
0x2c: {  	s7 =	sld [smem:$0x3FA5]  }
0x2d: {  	s3 =	simm.s32 $0x108;
	s8 =	sld [smem:$0x3FA6]  }
0x2e: {  	s3 =	simm.s32 @!p0 $0x1082;
	s9 =	sld [smem:$0x3FA7]  }
0x2f: {  	lr =	sadd.s32 s0, s3;
	s0 =	sld [smem:$0x3F9E]  }
0x30: {  	s3 =	sld [smem:$0x3FA1]  }
0x31: {  	[smem:$0x3FAA] =	sst s10  }
0x32: {  	s10 =	sld [smem:$0x3FA8];
	_ =	sdelay $0x3  }
0x33: {  	p0 =	seq.s32 s10, $0x1;
	s10 =	sld [smem:$0x3FAA];
	_ =	sdelay $0x3  }
0x34: {  	[smem:$0x3FAA] =	sst s10  }
0x35: {  	s10 =	sld [smem:$0x3FA9];
	_ =	sdelay $0x3  }
0x36: {  	p1 =	seq.s32 s10, $0x1;
	s10 =	sld [smem:$0x3FAA];
	_ =	sdelay $0x3  }
0x37: {  	[smem:$0x3FAA] =	sst s10  }
0x38: {  	s10 =	sld [smem:$0x3FAB]  }
0x39: {  	_ = 	snop;
	(pc) =	sbr.ind lr, $3  }
0x3a: {  	_ = 	snop  }
0x3b: {  	_ = 	snop  }
0x3c: {  	p2 =	seq.s32 s10, $0x1;
	s10 =	sld [smem:$0x3FAA]  }
0x3d: {  	_ =	shalt  }
0x3e: {  	_ =	shalt  }
0x3f: {  	_ =	shalt  }
0x40: {  	_ =	shalt  }
0x41: {  	_ =	shalt  }
0x42: {  	_ =	shalt  }
0x43: {  	_ =	shalt  }
0x44: {  	_ =	shalt  }
0x45: {  	_ =	shalt  }
0x46: {  	_ =	shalt  }
0x47: {  	_ =	shalt  }
0x48: {  	_ =	shalt  }
0x49: {  	_ =	shalt  }
0x4a: {  	_ =	shalt  }
0x4b: {  	_ =	shalt  }
0x4c: {  	_ =	shalt  }
0x4d: {  	_ =	shalt  }
0x4e: {  	_ =	shalt  }
0x4f: {  	_ =	shalt  }
0x50: {  	_ =	shalt  }
0x51: {  	_ =	shalt  }
0x52: {  	_ =	shalt  }
0x53: {  	_ =	shalt  }
0x54: {  	_ =	shalt  }
0x55: {  	_ =	shalt  }
0x56: {  	_ =	shalt  }
0x57: {  	_ =	shalt  }
0x58: {  	_ =	shalt  }
0x59: {  	_ =	shalt  }
0x5a: {  	_ =	shalt  }
0x5b: {  	_ =	shalt  }
0x5c: {  	_ =	shalt  }
0x5d: {  	_ =	shalt  }
0x5e: {  	_ =	shalt  }
0x5f: {  	_ =	shalt  }
0x60: {  	_ =	shalt  }
0x61: {  	_ =	shalt  }
0x62: {  	_ =	shalt  }
0x63: {  	_ =	shalt  }
0x64: {  	_ =	shalt  }
0x65: {  	_ =	shalt  }
0x66: {  	_ =	shalt  }
0x67: {  	_ =	shalt  }
0x68: {  	_ =	shalt  }
0x69: {  	_ =	shalt  }
0x6a: {  	_ =	shalt  }
0x6b: {  	_ =	shalt  }
0x6c: {  	_ =	shalt  }
0x6d: {  	_ =	shalt  }
0x6e: {  	_ =	shalt  }
0x6f: {  	_ =	shalt  }
0x70: {  	_ =	shalt  }
0x71: {  	_ =	shalt  }
0x72: {  	_ =	shalt  }
0x73: {  	_ =	shalt  }
0x74: {  	_ =	shalt  }
0x75: {  	_ =	shalt  }
0x76: {  	_ =	shalt  }
0x77: {  	_ =	shalt  }
0x78: {  	_ =	shalt  }
0x79: {  	_ =	shalt  }
0x7a: {  	_ =	shalt  }
0x7b: {  	_ =	shalt  }
0x7c: {  	_ =	shalt  }
0x7d: {  	_ =	shalt  }
0x7e: {  	_ =	shalt  }
0x7f: {  	_ =	shalt  }
0x80: {  	_ =	shalt  }
0x81: {  	_ =	shalt  }
0x82: {  	_ =	shalt  }
0x83: {  	_ =	shalt  }
0x84: {  	_ =	shalt  }
0x85: {  	_ =	shalt  }
0x86: {  	_ =	shalt  }
0x87: {  	_ =	shalt  }
.Lfunc_end0:
.L_simem_size_0:
called_computation.2_lowered:
.L_overlay_start_0:
0x88: {  	s2 =	sld [smem:$0x3FD9]  }
0x89: {  	s3 =	sld [smem:$0x3FFE];
	_ =	sdelay $0x1  }
0x8a: {  	s1 =	srdreg.scid  }
0x8b: {  	s0 =	sand.u32 $0x1, s1  }
0x8c: {  	s17 =	sshll.u32 s0, $0xA;
	s2 =	sadd.s32 s3, s2  }
0x8d: {  	s2 =	sadd.s32 s2, s17  }
0x8e: {  	[smem:$0x3FB6] =	sst s2  }
0x8f: {  	_ = 	snop  }
0x90: {  	(tm) =	ssettm $0x1  }
0x91: {  	s18 =	sld [smem:$0x3FFB];
	_ =	sdelay $0x3  }
0x92: {  	_ =	strace s18  }
0x93: {  	s2 =	sld [smem:$0x3FFC];
	_ =	sdelay $0x3  }
0x94: {  	_ =	strace s2  }
0x95: {  	s2 =	sld [smem:$0x3FFD];
	_ =	sdelay $0x3  }
0x96: {  	_ =	strace s2  }
0x97: {  	_ =	strace $0x8FFFFFFF  }
0x98: {  	s19 =	sld [smem:$0x3FDB];
	_ =	sdelay $0x1  }
0x99: {  	s20 =	simm.s32 $_scs_section_size  }
0x9a: {  	s4 =	simm.s32 $_size__tile_overlayer_lowered;
	s5 =	simm.s32 $_tile_overlayer_lowered  }
0x9b: {  	s6 =	simm.s32 $0x1BFF;
	s21 =	sshll.u32 s5, $0x1;
	s3 =	sadd.s32 s20, s19  }
0x9c: {  	s22 =	simm.s32 $0x0;
	s4 =	sshll.u32 s4, $0x1;
	s5 =	sadd.s32 s21, s3  }
0x9d: {  	[timem:s22], [sflag:s6] =	dma.local [hbm:s5], s4  }
0x9e: {  	_ =	swait.ge [sflag:s6], s4  }
0x9f: {  	s4 =	ssub.s32 $0x0, s4;
	[sflag:s6] =	ssyncset.done $0x0  }
0xa0: {  	[sflag:s6] =	ssyncadd.s32 s4;
	_ =	sdelay $0x1  }
0xa1: {  	s23 =	simm.s32 $0x1B8B  }
0xa2: {  	_ =	swait.ge [sflag:s23], $0x1  }
0xa3: {  	[sflag:s23] =	ssyncset.done $0x0  }
0xa4: {  	[sflag:s23] =	ssyncadd.s32 $0xFFFFFFFF  }
0xa5: {  	s4 =	sld [smem:$0x0]  }
0xa6: {  	s5 =	sand.u32 $0xFFFFFFFE, s1  }
0xa7: {  	p0 =	sne.s32 s1, s5  }
0xa8: {  	s5 =	sshll.u32 @p0 s5, $0xE  }
0xa9: {  	s5 =	sadd.s32 @p0 $0x11B8D, s5;
	s6 =	sshll.u32 @p0 s4, $0x11  }
0xaa: {  	s5 =	sor.u32 @p0 s6, s5  }
0xab: {  	[sflag:s5] =	ssyncadd.remote.s32 @p0 $0x1;
	_ =	sdelay $0x1  }
0xac: {  	s5 =	simm.s32 @p0 $0x1B8D  }
0xad: {  	_ =	swait.eq @p0 [sflag:s5], $0x1  }
0xae: {  	[sflag:s5] =	ssyncadd.s32 @p0 $0xFFFFFFFF  }
0xaf: {  	s6 =	sshll.u32 @!p0 s1, $0xE  }
0xb0: {  	s6 =	sor.u32 @!p0 $0x4000, s6;
	s5 =	simm.s32 @!p0 $0x1B8D  }
0xb1: {  	s4 =	sshll.u32 @!p0 s4, $0x11;
	s6 =	sadd.s32 @!p0 $0x11B8D, s6;
	_ =	swait.eq @!p0 [sflag:s5], $0x1  }
0xb2: {  	s4 =	sor.u32 @!p0 s4, s6;
	[sflag:s5] =	ssyncadd.s32 @!p0 $0xFFFFFFFF  }
0xb3: {  	s25 =	simm.s32 $0x1B8E;
	s24 =	sld [smem:$0x3FFE];
	[sflag:s4] =	ssyncadd.remote.s32 @!p0 $0x1  }
0xb4: {  	s26 =	simm.s32 $execute0_lowered;
	[smem:$0x3FD2] =	sst s25  }
0xb5: {  	s5 =	sshll.u32 s26, $0x1;
	_ =	strace $0x8000004C;
	[dreg:$0x1] =	wrdreg $0xFFFFFFFF  }
0xb6: {  	s28 =	simm.s32 $_size_execute0_lowered;
	s3 =	sadd.s32 s3, s5;
	[dreg:$0x0] =	wrdreg $0x0  }
0xb7: {  	s5 =	sshll.u32 s28, $0x1;
	[dreg:$0x2] =	wrdreg s3  }
0xb8: {  	[dreg:$0x3] =	wrdreg s5  }
0xb9: {  	[dreg:$0x4] =	wrdreg $0xC0  }
0xba: {  	_ =	task [dreg:s22], $0x5FFFF  }
0xbb: {  	[dreg:$0x1] =	wrdreg $0xFFFFFFFF  }
0xbc: {  	[dreg:$0x0] =	wrdreg $0x60  }
0xbd: {  	[dreg:$0x2] =	wrdreg s24  }
0xbe: {  	[dreg:$0x3] =	wrdreg $0x1800  }
0xbf: {  	[dreg:$0x4] =	wrdreg $0xA  }
0xc0: {  	_ =	task.clear_ibuf [dreg:s22], $0x5FFFF;
	_ =	strace $0x9000004C  }
0xc1: {  	s29 =	simm.s32 $0xA;
	_ =	strace $0x8000004E  }
0xc2: {  	_ =	swait.ge [sflag:s29], $0x1  }
0xc3: {  	[sflag:s29] =	ssyncadd.s32 $0xFFFFFFFF  }
0xc4: {  	_ =	strace $0x9000004E  }
0xc5: {  	_ =	sfence  }
0xc6: {  	s30 =	sld [smem:$0x0];
	_ =	sdelay $0x2  }
0xc7: {  	s31 =	sshll.u32 s1, $0xD;
	s1 =	sshrl.u32 s1, $0x2  }
0xc8: {  	s4 =	sand.u32 $0x4000, s31;
	s1 =	sadd.s32 s1, s30  }
0xc9: {  	s0 =	sor.u32 s4, s0;
	s1 =	sshll.u32 s1, $0x11  }
0xca: {  	s0 =	sor.u32 s1, s0  }
0xcb: {  	s0 =	sadd.s32 $0x8F2B, s0  }
0xcc: {  	[sflag:s0] =	ssyncadd.remote.s32 $0x1  }
0xcd: {  	_ =	sfence.sel $0xFFFF  }
0xce: {  	[dreg:$0x0] =	wrdreg $0xFFFFFFFF;
	(pc) =	sbr.abs _section_cstart, $3  }
0xcf: {  	[dreg:$0x1] =	wrdreg $0xFFFFFFFF  }
0xd0: {  	_ =	task.clear_ibuf [dreg:s22], $0x2FFFF;
	_ =	strace $0x9FFFFFFF  }
0xd1: {  	(tm) =	ssettm $0x7FFFFFFF  }
tec
execute0_lowered:
.L_overlay_start_1:
0x0: {  	(tag) =	ssettag $0x1  }
0x1: {  	s14 =	rddreg [dreg:$0x0]  }
0x2: {  	s1 =	rddreg [dreg:$0x1]  }
0x3: {  	s0 =	rddreg [dreg:$0x2];
	s2 =	simm.s32 $0x0  }
0x4: {  	s15 =	stileid.u32;
	s5 =	simm.s32 $0x80;
	[smem:$0x7FF] =	sst s2  }
0x5: {  	s4 =	simm.s32 $0x1;
	s3 =	sadd.s32 $0x18E00, s14;
	_ =	strace $0x8000004D  }
0x6: {  	[tilespmem:s5], [sflag:$0x1] =	stream.linear.gather [hbm4b:s3+s2], $0x80, $0x38;
	[tilespmem:$0x200] =	vst v63  }
0x7: {  	s10 =	srdreg.scid;
	p0 =	sne.s32 s15, $0x0;
	_ =	swait.ge [sflag:s4], $0x80  }
0x8: {  	s6 =	sadd.s32 $0xA4000, s14;
	s7 =	sshrl.u32 @!p0 s1, $0x3;
	[sflag:s4] =	ssyncset.done $0x0  }
0x9: {  	s8 =	simm.s32 @!p0 $0x1C01;
	s9 =	simm.s32 @!p0 $0x1;
	[sflag:s4] =	ssyncadd.s32 $0xFFFFFF80  }
0xa: {  	[spmem:s7], [sflag:s8] =	dma.local @!p0 [hbm:s6], $0x100  }
0xb: {  	s11 =	sshll.u32 s15, $0x6;
	s16 =	sand.u32 $0x1, s10;
	_ =	swait.ge @!p0 [sflag:s9], $0x100  }
0xc: {  	s28 =	sadd.s32 s11, s14;
	s29 =	sshll.u32 s16, $0xA;
	[sflag:s9] =	ssyncset.done @!p0 $0x0  }
0xd: {  	s13 =	sadd.s32 s29, s28;
	[sflag:s9] =	ssyncadd.s32 @!p0 $0xFFFFFF00  }
0xe: {  	s10 =	sadd.s32 $0xA3800, s13;
	[bflag:$0x0] =	sbarrier.arrive $0xFFFF  }
0xf: {  	[tilespmem:s2], [sflag:$0x1] =	stream.linear.gather [hbm4b:s10+s2], $0x80, $0x38;
	[tilespmem:$0x200] =	vst v63  }
0x10: {  	_ =	swait.ge [sflag:s4], $0x80  }
0x11: {  	[sflag:s4] =	ssyncset.done $0x0  }
0x12: {  	[sflag:s4] =	ssyncadd.s32 $0xFFFFFF80  }
0x13: {  	[spmem:s1] =	stream.indirect.scatter.add.f32 [tilespmem:s5], [sflag:$0x1], $0x1, s2, s5, $0xb8;
	[tilespmem:$0x200] =	vst v63  }
0x14: {  	_ =	swait.ge [sflag:s4], $0x80  }
0x15: {  	[sflag:s4] =	ssyncset.done $0x0  }
0x16: {  	s11 =	sadd.s32 $0xA3810, s13;
	[sflag:s4] =	ssyncadd.s32 $0xFFFFFF80  }
0x17: {  	[tilespmem:s2], [sflag:$0x1] =	stream.linear.gather [hbm4b:s11+s2], $0x80, $0x38;
	[tilespmem:$0x200] =	vst v63  }
0x18: {  	_ =	swait.ge [sflag:s4], $0x80  }
0x19: {  	[sflag:s4] =	ssyncset.done $0x0  }
0x1a: {  	[sflag:s4] =	ssyncadd.s32 $0xFFFFFF80  }
0x1b: {  	[spmem:s1] =	stream.indirect.scatter.add.f32 [tilespmem:s5], [sflag:$0x1], $0x1, s2, s5, $0xb8;
	[tilespmem:$0x200] =	vst v63  }
0x1c: {  	_ =	swait.ge [sflag:s4], $0x80  }
0x1d: {  	[sflag:s4] =	ssyncset.done $0x0  }
0x1e: {  	s12 =	sadd.s32 $0xA3820, s13;
	[sflag:s4] =	ssyncadd.s32 $0xFFFFFF80  }
0x1f: {  	[tilespmem:s2], [sflag:$0x1] =	stream.linear.gather [hbm4b:s12+s2], $0x80, $0x38;
	[tilespmem:$0x200] =	vst v63  }
0x20: {  	_ =	swait.ge [sflag:s4], $0x80  }
0x21: {  	[sflag:s4] =	ssyncset.done $0x0  }
0x22: {  	[sflag:s4] =	ssyncadd.s32 $0xFFFFFF80  }
0x23: {  	[spmem:s1] =	stream.indirect.scatter.add.f32 [tilespmem:s5], [sflag:$0x1], $0x1, s2, s5, $0xb8;
	[tilespmem:$0x200] =	vst v63  }
0x24: {  	_ =	swait.ge [sflag:s4], $0x80  }
0x25: {  	[sflag:s4] =	ssyncset.done $0x0  }
0x26: {  	s13 =	sadd.s32 $0xA3830, s13;
	[sflag:s4] =	ssyncadd.s32 $0xFFFFFF80  }
0x27: {  	[tilespmem:s2], [sflag:$0x1] =	stream.linear.gather [hbm4b:s13+s2], $0x80, $0x38;
	[tilespmem:$0x200] =	vst v63  }
0x28: {  	_ =	swait.ge [sflag:s4], $0x80  }
0x29: {  	s17 =	sshll.u32 s15, $0x4;
	s30 =	sshll.u32 s15, $0x7;
	[sflag:s4] =	ssyncset.done $0x0  }
0x2a: {  	s15 =	simm.s32 $0x100;
	s18 =	ssub.s32 $0x2, s16;
	[sflag:s4] =	ssyncadd.s32 $0xFFFFFF80  }
0x2b: {  	[spmem:s1] =	stream.indirect.scatter.add.f32 [tilespmem:s5], [sflag:$0x1], $0x1, s2, s5, $0xb8;
	[tilespmem:$0x200] =	vst v63  }
0x2c: {  	s17 =	sadd.s32 s17, s14;
	s19 =	sshrl.u32 s18, $0x1;
	_ =	swait.ge [sflag:s4], $0x80  }
0x2d: {  	s14 =	sadd.s32 s30, s1;
	s18 =	ssub.s32 s18, s19;
	[sflag:s4] =	ssyncset.done $0x0  }
0x2e: {  	s16 =	sshll.u32 s16, $0x8;
	s31 =	smax.u32 s18, $0x1;
	[sflag:s4] =	ssyncadd.s32 $0xFFFFFF80  }
0x2f: {  	s16 =	sadd.s32 s16, s17;
	s17 =	sadd.s32 $0xFFFFFFFF, s31;
	[bflag:$0x0] =	sbarrier.arrive $0xFFFF  }
0x30: {  	[tilespmem:s15], [sflag:$0x1] =	stream.linear.gather [spmem:s14], $0x80, $0x38;
	[tilespmem:$0x200] =	vst v63  }
0x31: {  	p1 =	sne.s32 s17, $0x0;
	_ =	swait.ge [sflag:s4], $0x80  }
.Ltmp0:
0x32: {  	[sflag:s4] =	ssyncset.done $0x0;
	(pc) =	sbr.rel @!p1 .LBB2_2-.Ltmp0, $4  }
0x33: {  	s16 =	sadd.s32 $0xA4200, s16;
	[sflag:s4] =	ssyncadd.s32 $0xFFFFFF80  }
0x34: {  	[hbm4b:s16+s2] =	stream.linear.scatter [tilespmem:s15], [sflag:$0x1], $0x80, $0x38;
	[tilespmem:$0x200] =	vst v63  }
0x35: {  	_ =	swait.ge [sflag:s4], $0x80  }
0x36: {  	[sflag:s4] =	ssyncset.done $0x0  }
.LBB2_1:
0x37: {  	s17 =	sadd.s32 $0xFFFFFFFF, s17;
	[sflag:s4] =	ssyncadd.s32 $0xFFFFFF80  }
0x38: {  	[tilespmem:s5], [sflag:$0x1] =	stream.linear.gather [hbm4b:s3+s2], $0x80, $0x38;
	[tilespmem:$0x200] =	vst v63  }
0x39: {  	p1 =	sne.s32 s17, $0x0;
	_ =	swait.ge [sflag:s4], $0x80  }
0x3a: {  	[sflag:s4] =	ssyncset.done $0x0  }
0x3b: {  	[sflag:s4] =	ssyncadd.s32 $0xFFFFFF80  }
0x3c: {  	[spmem:s7], [sflag:s8] =	dma.local @!p0 [hbm:s6], $0x100  }
0x3d: {  	_ =	swait.ge @!p0 [sflag:s9], $0x100  }
0x3e: {  	[sflag:s9] =	ssyncset.done @!p0 $0x0  }
0x3f: {  	[sflag:s9] =	ssyncadd.s32 @!p0 $0xFFFFFF00  }
0x40: {  	[bflag:$0x0] =	sbarrier.arrive $0xFFFF  }
0x41: {  	[tilespmem:s2], [sflag:$0x1] =	stream.linear.gather [hbm4b:s10+s2], $0x80, $0x38;
	[tilespmem:$0x200] =	vst v63  }
0x42: {  	_ =	swait.ge [sflag:s4], $0x80  }
0x43: {  	[sflag:s4] =	ssyncset.done $0x0  }
0x44: {  	[sflag:s4] =	ssyncadd.s32 $0xFFFFFF80  }
0x45: {  	[spmem:s1] =	stream.indirect.scatter.add.f32 [tilespmem:s5], [sflag:$0x1], $0x1, s2, s5, $0xb8;
	[tilespmem:$0x200] =	vst v63  }
0x46: {  	_ =	swait.ge [sflag:s4], $0x80  }
0x47: {  	[sflag:s4] =	ssyncset.done $0x0  }
0x48: {  	[sflag:s4] =	ssyncadd.s32 $0xFFFFFF80  }
0x49: {  	[tilespmem:s2], [sflag:$0x1] =	stream.linear.gather [hbm4b:s11+s2], $0x80, $0x38;
	[tilespmem:$0x200] =	vst v63  }
0x4a: {  	_ =	swait.ge [sflag:s4], $0x80  }
0x4b: {  	[sflag:s4] =	ssyncset.done $0x0  }
0x4c: {  	[sflag:s4] =	ssyncadd.s32 $0xFFFFFF80  }
0x4d: {  	[spmem:s1] =	stream.indirect.scatter.add.f32 [tilespmem:s5], [sflag:$0x1], $0x1, s2, s5, $0xb8;
	[tilespmem:$0x200] =	vst v63  }
0x4e: {  	_ =	swait.ge [sflag:s4], $0x80  }
0x4f: {  	[sflag:s4] =	ssyncset.done $0x0  }
0x50: {  	[sflag:s4] =	ssyncadd.s32 $0xFFFFFF80  }
0x51: {  	[tilespmem:s2], [sflag:$0x1] =	stream.linear.gather [hbm4b:s12+s2], $0x80, $0x38;
	[tilespmem:$0x200] =	vst v63  }
0x52: {  	_ =	swait.ge [sflag:s4], $0x80  }
0x53: {  	[sflag:s4] =	ssyncset.done $0x0  }
0x54: {  	[sflag:s4] =	ssyncadd.s32 $0xFFFFFF80  }
0x55: {  	[spmem:s1] =	stream.indirect.scatter.add.f32 [tilespmem:s5], [sflag:$0x1], $0x1, s2, s5, $0xb8;
	[tilespmem:$0x200] =	vst v63  }
0x56: {  	_ =	swait.ge [sflag:s4], $0x80  }
0x57: {  	[sflag:s4] =	ssyncset.done $0x0  }
0x58: {  	[sflag:s4] =	ssyncadd.s32 $0xFFFFFF80  }
0x59: {  	[tilespmem:s2], [sflag:$0x1] =	stream.linear.gather [hbm4b:s13+s2], $0x80, $0x38;
	[tilespmem:$0x200] =	vst v63  }
0x5a: {  	_ =	swait.ge [sflag:s4], $0x80  }
0x5b: {  	[sflag:s4] =	ssyncset.done $0x0  }
0x5c: {  	[sflag:s4] =	ssyncadd.s32 $0xFFFFFF80  }
0x5d: {  	[spmem:s1] =	stream.indirect.scatter.add.f32 [tilespmem:s5], [sflag:$0x1], $0x1, s2, s5, $0xb8;
	[tilespmem:$0x200] =	vst v63  }
0x5e: {  	_ =	swait.ge [sflag:s4], $0x80  }
0x5f: {  	[sflag:s4] =	ssyncset.done $0x0  }
0x60: {  	[sflag:s4] =	ssyncadd.s32 $0xFFFFFF80  }
0x61: {  	[bflag:$0x0] =	sbarrier.arrive $0xFFFF  }
0x62: {  	[tilespmem:s15], [sflag:$0x1] =	stream.linear.gather [spmem:s14], $0x80, $0x38;
	[tilespmem:$0x200] =	vst v63  }
0x63: {  	_ =	swait.ge [sflag:s4], $0x80  }
.Ltmp1:
0x64: {  	[sflag:s4] =	ssyncset.done $0x0;
	(pc) =	sbr.rel @p1 .LBB2_1-.Ltmp1, $4  }
0x65: {  	[sflag:s4] =	ssyncadd.s32 $0xFFFFFF80  }
0x66: {  	[hbm4b:s16+s2] =	stream.linear.scatter [tilespmem:s15], [sflag:$0x1], $0x80, $0x38;
	[tilespmem:$0x200] =	vst v63  }
0x67: {  	_ =	swait.ge [sflag:s4], $0x80  }
0x68: {  	[sflag:s4] =	ssyncset.done $0x0  }
.LBB2_2:
0x69: {  	[sflag:s4] =	ssyncadd.s32 $0xFFFFFF80  }
0x6a: {  	_ =	sfence.sel $0x180000  }
0x6b: {  	[bflag:$0x0] =	sbarrier.arrive $0xFFFF  }
0x6c: {  	_ =	strace $0x9000004D  }
0x6d: {  	s0 =	sadd.s32 @!p0 $0x100000, s0;
	[bflag:$0x2] =	sbarrier.arrive $0xFFFF  }
0x6e: {  	[sflag:s0] =	ssyncadd.tile.s32 @!p0 $0x1;
	_ =	shalt  }
.Lfunc_end2:
_tile_overlayer_lowered:
.L_overlay_start_2:
0x6f: {  	(tag) =	ssettag $0x2  }
0x70: {  	s0 =	rddreg [dreg:$0x0];
	s2 =	stileid.u32  }
0x71: {  	s1 =	rddreg [dreg:$0x1];
	p0 =	sne.s32 s2, $0x0  }
0x72: {  	s3 =	rddreg [dreg:$0x2];
	[bflag:$0x3] =	sbarrier.arrive $0xFFFF;
	s2 =	simm.s32 @!p0 $0x1C01  }
0x73: {  	[timem:s3], [sflag:s2] =	dma.local @!p0 [hbm:s0], s1  }
0x74: {  	s0 =	simm.s32 @!p0 $0x1  }
0x75: {  	_ =	swait.ge @!p0 [sflag:s0], s1  }
0x76: {  	s1 =	ssub.s32 @!p0 $0x0, s1;
	[sflag:s0] =	ssyncset.done @!p0 $0x0  }
0x77: {  	[sflag:s0] =	ssyncadd.s32 @!p0 s1  }
0x78: {  	[bflag:$0x3] =	sbarrier.arrive $0xFFFF  }
0x79: {  	_ =	shalt  }

// kernel: kernel.20.cloned.1.call-start
scs
__scs_entry_jumppad:
0x0: {  	(pc) =	sbr.rel $0x88, $3  }
0x1: {  	(tag) =	ssettag $0x0;
	lr =	simm.s32 $0x1  }
0x2: {  	[smem:$0x3F8F] =	sst lr;
	_ =	strace $0xD0000000  }
0x3: {  	_ = 	snop  }
0x4: {  	_ = 	snop  }
0x5: {  	_ = 	snop  }
0x6: {  	_ = 	snop  }
0x7: {  	_ = 	snop  }
__scs_overlays_trampoline_lowered:
0x8: {  	[smem:$0x3F9E] =	sst s0  }
0x9: {  	[smem:$0x3F9F] =	sst s1  }
0xa: {  	[smem:$0x3FA0] =	sst s2  }
0xb: {  	[smem:$0x3FA1] =	sst s3  }
0xc: {  	[smem:$0x3FA2] =	sst s4  }
0xd: {  	[smem:$0x3FA3] =	sst s5  }
0xe: {  	[smem:$0x3FA4] =	sst s6  }
0xf: {  	[smem:$0x3FA5] =	sst s7  }
0x10: {  	[smem:$0x3FA6] =	sst s8  }
0x11: {  	[smem:$0x3FA7] =	sst s9;
	s0 =	simm.s32 @!p0 $0x0  }
0x12: {  	s1 =	sld [smem:$0x3F8D];
	s0 =	simm.s32 @p0 $0x1  }
0x13: {  	[smem:$0x3FA8] =	sst s0;
	s0 =	simm.s32 @!p1 $0x0  }
0x14: {  	s2 =	sld [smem:$0x3F8C];
	s0 =	simm.s32 @p1 $0x1  }
0x15: {  	[smem:$0x3FA9] =	sst s0;
	s0 =	simm.s32 @!p2 $0x0  }
0x16: {  	s3 =	sld [smem:$0x3FDB];
	s0 =	simm.s32 @p2 $0x1  }
0x17: {  	s4 =	simm.s32 $0x1BF5;
	[smem:$0x3FAB] =	sst s0  }
0x18: {  	s0 =	sld [smem:$0x3F8E];
	_ =	swait.ge [sflag:s4], $0x0  }
0x19: {  	s7 =	sld [smem:$0x3F8F]  }
0x1a: {  	s8 =	sadd.s32 $0xFFFFE003, lr  }
0x1b: {  	s9 =	sadd.s32 $0xFFFFFEF7, lr;
	s5 =	simm.s32 $0xFFFFFFFF;
	p2 =	slt.u32 s8, $0xFFFFF086  }
0x1c: {  	p1 =	slt.u32 s9, $0xF7A;
	s5 =	simm.s32 @!p2 $0x0  }
0x1d: {  	s5 =	simm.s32 @p1 $0x1;
	p0 =	seq.s32 s7, s2  }
0x1e: {  	s7 =	smul.u32 @!p0 $0xF7A, s2;
	p2 =	seq.s32 @!p0 s5, $0x0  }
0x1f: {  	s9 =	smul.u32 $0xF7A, s1;
	s8 =	simm.s32 @!p0 $0x1BF5;
	p2 =	por !p2, p0  }
0x20: {  	[sflag:s8] =	ssyncset.s32 @!p0 $0xFFFFF086;
	s6 =	sadd.s32 @!p0 s3, s7;
	s7 =	simm.s32 @!p0 $0x108  }
0x21: {  	s3 =	sadd.s32 s3, s9;
	s6 =	sadd.s32 @!p0 $0x88, s6;
	s7 =	simm.s32 @p2 $0x1082  }
0x22: {  	[simem:s7], [sflag:s8] =	dma.local @!p0 [hbm:s6], $0xF7A  }
0x23: {  	s9 =	sor.u32 $0xD0000000, s2;
	s6 =	simm.s32 $0x108;
	_ =	swait.ge @!p0 [sflag:s8], $0x0  }
0x24: {  	s3 =	sadd.s32 $0x88, s3;
	s6 =	simm.s32 @!p1 $0x1082;
	[sflag:s4] =	ssyncset.s32 $0xFFFFF086  }
0x25: {  	[simem:s6], [sflag:s4] =	dma.local [hbm:s3], $0xF7A  }
0x26: {  	[smem:$0x3F8F] =	sst s1;
	(tag) =	ssettag s2;
	_ =	strace s9  }
0x27: {  	s1 =	sld [smem:$0x3F9F]  }
0x28: {  	s2 =	sld [smem:$0x3FA0]  }
0x29: {  	s4 =	sld [smem:$0x3FA2]  }
0x2a: {  	p0 =	seq.s32 s5, $0x0;
	s5 =	sld [smem:$0x3FA3]  }
0x2b: {  	s6 =	sld [smem:$0x3FA4]  }
0x2c: {  	s7 =	sld [smem:$0x3FA5]  }
0x2d: {  	s3 =	simm.s32 $0x108;
	s8 =	sld [smem:$0x3FA6]  }
0x2e: {  	s3 =	simm.s32 @!p0 $0x1082;
	s9 =	sld [smem:$0x3FA7]  }
0x2f: {  	lr =	sadd.s32 s0, s3;
	s0 =	sld [smem:$0x3F9E]  }
0x30: {  	s3 =	sld [smem:$0x3FA1]  }
0x31: {  	[smem:$0x3FAA] =	sst s10  }
0x32: {  	s10 =	sld [smem:$0x3FA8];
	_ =	sdelay $0x3  }
0x33: {  	p0 =	seq.s32 s10, $0x1;
	s10 =	sld [smem:$0x3FAA];
	_ =	sdelay $0x3  }
0x34: {  	[smem:$0x3FAA] =	sst s10  }
0x35: {  	s10 =	sld [smem:$0x3FA9];
	_ =	sdelay $0x3  }
0x36: {  	p1 =	seq.s32 s10, $0x1;
	s10 =	sld [smem:$0x3FAA];
	_ =	sdelay $0x3  }
0x37: {  	[smem:$0x3FAA] =	sst s10  }
0x38: {  	s10 =	sld [smem:$0x3FAB]  }
0x39: {  	_ = 	snop;
	(pc) =	sbr.ind lr, $3  }
0x3a: {  	_ = 	snop  }
0x3b: {  	_ = 	snop  }
0x3c: {  	p2 =	seq.s32 s10, $0x1;
	s10 =	sld [smem:$0x3FAA]  }
0x3d: {  	_ =	shalt  }
0x3e: {  	_ =	shalt  }
0x3f: {  	_ =	shalt  }
0x40: {  	_ =	shalt  }
0x41: {  	_ =	shalt  }
0x42: {  	_ =	shalt  }
0x43: {  	_ =	shalt  }
0x44: {  	_ =	shalt  }
0x45: {  	_ =	shalt  }
0x46: {  	_ =	shalt  }
0x47: {  	_ =	shalt  }
0x48: {  	_ =	shalt  }
0x49: {  	_ =	shalt  }
0x4a: {  	_ =	shalt  }
0x4b: {  	_ =	shalt  }
0x4c: {  	_ =	shalt  }
0x4d: {  	_ =	shalt  }
0x4e: {  	_ =	shalt  }
0x4f: {  	_ =	shalt  }
0x50: {  	_ =	shalt  }
0x51: {  	_ =	shalt  }
0x52: {  	_ =	shalt  }
0x53: {  	_ =	shalt  }
0x54: {  	_ =	shalt  }
0x55: {  	_ =	shalt  }
0x56: {  	_ =	shalt  }
0x57: {  	_ =	shalt  }
0x58: {  	_ =	shalt  }
0x59: {  	_ =	shalt  }
0x5a: {  	_ =	shalt  }
0x5b: {  	_ =	shalt  }
0x5c: {  	_ =	shalt  }
0x5d: {  	_ =	shalt  }
0x5e: {  	_ =	shalt  }
0x5f: {  	_ =	shalt  }
0x60: {  	_ =	shalt  }
0x61: {  	_ =	shalt  }
0x62: {  	_ =	shalt  }
0x63: {  	_ =	shalt  }
0x64: {  	_ =	shalt  }
0x65: {  	_ =	shalt  }
0x66: {  	_ =	shalt  }
0x67: {  	_ =	shalt  }
0x68: {  	_ =	shalt  }
0x69: {  	_ =	shalt  }
0x6a: {  	_ =	shalt  }
0x6b: {  	_ =	shalt  }
0x6c: {  	_ =	shalt  }
0x6d: {  	_ =	shalt  }
0x6e: {  	_ =	shalt  }
0x6f: {  	_ =	shalt  }
0x70: {  	_ =	shalt  }
0x71: {  	_ =	shalt  }
0x72: {  	_ =	shalt  }
0x73: {  	_ =	shalt  }
0x74: {  	_ =	shalt  }
0x75: {  	_ =	shalt  }
0x76: {  	_ =	shalt  }
0x77: {  	_ =	shalt  }
0x78: {  	_ =	shalt  }
0x79: {  	_ =	shalt  }
0x7a: {  	_ =	shalt  }
0x7b: {  	_ =	shalt  }
0x7c: {  	_ =	shalt  }
0x7d: {  	_ =	shalt  }
0x7e: {  	_ =	shalt  }
0x7f: {  	_ =	shalt  }
0x80: {  	_ =	shalt  }
0x81: {  	_ =	shalt  }
0x82: {  	_ =	shalt  }
0x83: {  	_ =	shalt  }
0x84: {  	_ =	shalt  }
0x85: {  	_ =	shalt  }
0x86: {  	_ =	shalt  }
0x87: {  	_ =	shalt  }
.Lfunc_end0:
.L_simem_size_0:
called_computation.3_lowered:
.L_overlay_start_0:
0x88: {  	s2 =	sld [smem:$0x3FD9]  }
0x89: {  	s3 =	sld [smem:$0x3FFE];
	_ =	sdelay $0x1  }
0x8a: {  	s1 =	srdreg.scid  }
0x8b: {  	s0 =	sand.u32 $0x1, s1  }
0x8c: {  	s14 =	sshll.u32 s0, $0xA;
	s2 =	sadd.s32 s3, s2  }
0x8d: {  	s2 =	sadd.s32 s2, s14  }
0x8e: {  	[smem:$0x3FB6] =	sst s2  }
0x8f: {  	_ = 	snop  }
0x90: {  	s2 =	sld [smem:$0x3FD0];
	_ =	sdelay $0x2  }
0x91: {  	s15 =	simm.s32 $0xC;
	s4 =	simm.s32 $0x10  }
0x92: {  	[smem:s4], [sflag:s15] =	dma.local [hbm:s2], $0x1  }
0x93: {  	_ =	swait.eq [sflag:s15], $0x1  }
0x94: {  	[sflag:s15] =	ssyncset.done $0x0  }
0x95: {  	[sflag:s15] =	ssyncadd.s32 $0xFFFFFFFF  }
0x96: {  	s16 =	sld [smem:$0x10];
	(tm) =	ssettm $0x1  }
0x97: {  	s17 =	sld [smem:$0x3FFB];
	_ =	sdelay $0x3  }
0x98: {  	_ =	strace s17  }
0x99: {  	s3 =	sld [smem:$0x3FFC];
	_ =	sdelay $0x3  }
0x9a: {  	_ =	strace s3  }
0x9b: {  	s3 =	sld [smem:$0x3FFD];
	_ =	sdelay $0x3  }
0x9c: {  	_ =	strace s3  }
0x9d: {  	_ =	strace $0x8FFFFFFF  }
0x9e: {  	s18 =	sld [smem:$0x3FDB];
	_ =	sdelay $0x1  }
0x9f: {  	s19 =	simm.s32 $_scs_section_size  }
0xa0: {  	s5 =	simm.s32 $_size__tile_overlayer_lowered;
	s6 =	simm.s32 $_tile_overlayer_lowered  }
0xa1: {  	s22 =	simm.s32 $0x1BFF;
	s21 =	sshll.u32 s6, $0x1;
	s3 =	sadd.s32 s19, s18  }
0xa2: {  	s7 =	simm.s32 $0x0;
	s20 =	sshll.u32 s5, $0x1;
	s5 =	sadd.s32 s21, s3  }
0xa3: {  	[timem:s7], [sflag:s22] =	dma.local [hbm:s5], s20  }
0xa4: {  	_ =	swait.ge [sflag:s22], s20  }
0xa5: {  	s4 =	ssub.s32 $0x0, s20;
	[sflag:s22] =	ssyncset.done $0x0  }
0xa6: {  	[sflag:s22] =	ssyncadd.s32 s4;
	_ =	sdelay $0x1  }
0xa7: {  	s23 =	simm.s32 $0x1B8B  }
0xa8: {  	_ =	swait.ge [sflag:s23], $0x1  }
0xa9: {  	[sflag:s23] =	ssyncset.done $0x0  }
0xaa: {  	s25 =	simm.s32 $0x1B8E;
	s24 =	sld [smem:$0x3FFE];
	[sflag:s23] =	ssyncadd.s32 $0xFFFFFFFF  }
0xab: {  	s26 =	simm.s32 $execute0_lowered;
	[smem:$0x3FD2] =	sst s25  }
0xac: {  	s5 =	sshll.u32 s26, $0x1;
	_ =	strace $0x80000049;
	[dreg:$0x1] =	wrdreg $0xFFFFFFFF  }
0xad: {  	s28 =	simm.s32 $_size_execute0_lowered;
	s3 =	sadd.s32 s3, s5;
	[dreg:$0x0] =	wrdreg $0x0  }
0xae: {  	s5 =	sshll.u32 s28, $0x1;
	[dreg:$0x2] =	wrdreg s3  }
0xaf: {  	[dreg:$0x3] =	wrdreg s5  }
0xb0: {  	[dreg:$0x4] =	wrdreg $0xC0  }
0xb1: {  	_ =	task [dreg:s7], $0x5FFFF  }
0xb2: {  	[dreg:$0x1] =	wrdreg $0xFFFFFFFF  }
0xb3: {  	[dreg:$0x0] =	wrdreg $0x60  }
0xb4: {  	[dreg:$0x2] =	wrdreg s16  }
0xb5: {  	[dreg:$0x3] =	wrdreg s24  }
0xb6: {  	[dreg:$0x4] =	wrdreg $0x41000  }
0xb7: {  	[dreg:$0x5] =	wrdreg $0xB  }
0xb8: {  	_ =	task.clear_ibuf [dreg:s7], $0x6FFFF;
	_ =	strace $0x90000049  }
0xb9: {  	s29 =	simm.s32 $0xB;
	_ =	strace $0x8000004B  }
0xba: {  	_ =	swait.ge [sflag:s29], $0x1  }
0xbb: {  	[sflag:s29] =	ssyncadd.s32 $0xFFFFFFFF  }
0xbc: {  	_ =	strace $0x9000004B  }
0xbd: {  	_ =	sfence  }
0xbe: {  	s30 =	sld [smem:$0x0];
	_ =	sdelay $0x2  }
0xbf: {  	s31 =	sshll.u32 s1, $0xD;
	s1 =	sshrl.u32 s1, $0x2  }
0xc0: {  	s3 =	sand.u32 $0x4000, s31;
	s1 =	sadd.s32 s1, s30  }
0xc1: {  	s0 =	sor.u32 s3, s0;
	s1 =	sshll.u32 s1, $0x11  }
0xc2: {  	s0 =	sor.u32 s1, s0  }
0xc3: {  	s0 =	sadd.s32 $0x8F2B, s0  }
0xc4: {  	[sflag:s0] =	ssyncadd.remote.s32 $0x1  }
0xc5: {  	_ =	sfence.sel $0xFFFF  }
0xc6: {  	[dreg:$0x0] =	wrdreg $0xFFFFFFFF;
	(pc) =	sbr.abs _section_cstart, $3  }
0xc7: {  	[dreg:$0x1] =	wrdreg $0xFFFFFFFF  }
0xc8: {  	_ =	task.clear_ibuf [dreg:s7], $0x2FFFF;
	_ =	strace $0x9FFFFFFF  }
0xc9: {  	(tm) =	ssettm $0x7FFFFFFF  }
tec
execute0_lowered:
.L_overlay_start_1:
0x0: {  	(tag) =	ssettag $0x1  }
0x1: {  	s2 =	rddreg [dreg:$0x0]  }
0x2: {  	s7 =	rddreg [dreg:$0x1]  }
0x3: {  	s3 =	rddreg [dreg:$0x2]  }
0x4: {  	s0 =	rddreg [dreg:$0x3];
	s1 =	stileid.u32  }
0x5: {  	s5 =	srdreg.scid;
	s4 =	simm.s32 $0x0;
	s15 =	simm.s32 $0x100  }
0x6: {  	s16 =	simm.s32 $0x0;
	s8 =	smul.u32 $0x13C00, s1;
	s9 =	sand.u32 $0x1, s5  }
0x7: {  	[smem:$0x7FF] =	sst s4;
	s5 =	sadd.s32 $0x19000, s7;
	s12 =	smul.u32 $0x4F000, s1  }
0x8: {  	s6 =	sadd.s32 $0x4E00, s7;
	s31 =	sshll.u32 s1, $0x6;
	s10 =	smul.u32 $0x13C000, s9  }
0x9: {  	_ =	strace $0x8000004A;
	s26 =	ssub.s32 $0x2, s9;
	s29 =	sshll.u32 s9, $0x4  }
0xa: {  	s11 =	sshrl.u32 s8, $0x3;
	s28 =	sshrl.u32 s26, $0x1;
	s9 =	sor.u32 s1, s29  }
0xb: {  	s30 =	sshrl.u32 s12, $0x2;
	s11 =	sadd.s32 s11, s7;
	s8 =	sadd.s32 s8, s10  }
0xc: {  	s14 =	ssub.s32 s26, s28;
	s12 =	sadd.s32 s30, s3;
	s8 =	sshrl.u32 s8, $0x3  }
0xd: {  	s9 =	smul.u32 $0x5000, s9;
	s12 =	sshrl.u32 s12, $0x3;
	s13 =	sadd.s32 s8, s7  }
0xe: {  	s7 =	sadd.s32 $0x2D000, s11;
	s8 =	sor.u32 $0x1C01, s31;
	s11 =	smax.u32 s14, $0x1  }
0xf: {  	s14 =	simm.s32 $0x80;
	s10 =	sadd.s32 $0x54800, s13;
	s13 =	simm.s32 $0x1  }
.LBB2_1:
0x10: {  	[spmem:s12], [sflag:s8] =	dma.local [hbm:s7], $0x2780  }
0x11: {  	s17 =	sand.u32 $0x7C00, s4  }
0x12: {  	s18 =	sand.u32 $0x380, s4;
	_ =	swait.ge [sflag:s13], $0x2780;
	s17 =	sadd.s32 s9, s17  }
0x13: {  	[sflag:s13] =	ssyncset.done $0x0;
	s17 =	sor.u32 s18, s17  }
0x14: {  	[sflag:s13] =	ssyncadd.s32 $0xFFFFD880;
	s17 =	sshrl.u32 s17, $0x3  }
0x15: {  	[bflag:$0x0] =	sbarrier.arrive $0xFFFF;
	s29 =	sadd.s32 s5, s17  }
0x16: {  	[tilespmem:s4], [sflag:$0x1] =	stream.linear.gather [hbm4b:s29+s4], $0x80, $0x38;
	[tilespmem:$0x17D00] =	vst v63  }
0x17: {  	_ =	swait.ge [sflag:s13], $0x80  }
0x18: {  	[sflag:s13] =	ssyncset.done $0x0  }
0x19: {  	s17 =	sadd.s32 s6, s17;
	[sflag:s13] =	ssyncadd.s32 $0xFFFFFF80  }
0x1a: {  	[tilespmem:s14], [sflag:$0x1] =	stream.linear.gather [hbm4b:s17+s4], $0x80, $0x38;
	[tilespmem:$0x17D00] =	vst v63  }
0x1b: {  	_ =	swait.ge [sflag:s13], $0x80  }
0x1c: {  	[sflag:s13] =	ssyncset.done $0x0  }
0x1d: {  	[sflag:s13] =	ssyncadd.s32 $0xFFFFFF80  }
0x1e: {  	[tilespmem:s15], [sflag:$0x1] =	stream.indirect.gather [hbm4b:s2+s14], $0x80, s4, s14, $0xb8;
	[tilespmem:$0x17D00] =	vst v63  }
0x1f: {  	_ =	swait.ge [sflag:s13], $0x4000  }
0x20: {  	s30 =	simm.s32 $0x80;
	[sflag:s13] =	ssyncset.done $0x0  }
0x21: {  	s31 =	sand.u32 $0x7C00, s30;
	[sflag:s13] =	ssyncadd.s32 $0xFFFFC000  }
0x22: {  	[spmem:s3] =	stream.indirect.scatter.add.f32 [tilespmem:s15], [sflag:$0x1], $0x80, s14, s14, $0xb8;
	[tilespmem:$0x17D00] =	vst v63  }
0x23: {  	s19 =	sand.u32 $0x380, s30;
	s18 =	sadd.s32 s9, s31;
	_ =	swait.ge [sflag:s13], $0x4000  }
0x24: {  	s18 =	sor.u32 s19, s18;
	s17 =	simm.s32 $0x100;
	[sflag:s13] =	ssyncset.done $0x0  }
.LBB2_2:
0x25: {  	s18 =	sshrl.u32 s18, $0x3  }
0x26: {  	[sflag:s13] =	ssyncadd.s32 $0xFFFFC000;
	s19 =	smov.u32 s17;
	s20 =	sadd.s32 $0x80, s17  }
0x27: {  	p0 =	sne.s32 s17, $0x4F80;
	s17 =	sadd.s32 s5, s18  }
0x28: {  	[tilespmem:s4], [sflag:$0x1] =	stream.linear.gather [hbm4b:s17+s4], $0x80, $0x38;
	[tilespmem:$0x17D00] =	vst v63  }
0x29: {  	_ =	swait.ge [sflag:s13], $0x80  }
0x2a: {  	[sflag:s13] =	ssyncset.done $0x0  }
0x2b: {  	s17 =	sadd.s32 s6, s18;
	[sflag:s13] =	ssyncadd.s32 $0xFFFFFF80  }
0x2c: {  	[tilespmem:s14], [sflag:$0x1] =	stream.linear.gather [hbm4b:s17+s4], $0x80, $0x38;
	[tilespmem:$0x17D00] =	vst v63  }
0x2d: {  	_ =	swait.ge [sflag:s13], $0x80  }
0x2e: {  	[sflag:s13] =	ssyncset.done $0x0  }
0x2f: {  	[sflag:s13] =	ssyncadd.s32 $0xFFFFFF80  }
0x30: {  	[tilespmem:s15], [sflag:$0x1] =	stream.indirect.gather [hbm4b:s2+s14], $0x80, s4, s14, $0xb8;
	[tilespmem:$0x17D00] =	vst v63  }
0x31: {  	_ =	swait.ge [sflag:s13], $0x4000  }
.Ltmp0:
0x32: {  	[sflag:s13] =	ssyncset.done $0x0;
	(pc) =	sbr.rel @p0 .LBB2_2-.Ltmp0, $4  }
0x33: {  	s17 =	sand.u32 $0x7C00, s19;
	[sflag:s13] =	ssyncadd.s32 $0xFFFFC000  }
0x34: {  	[spmem:s3] =	stream.indirect.scatter.add.f32 [tilespmem:s15], [sflag:$0x1], $0x80, s14, s14, $0xb8;
	[tilespmem:$0x17D00] =	vst v63  }
0x35: {  	s18 =	sand.u32 $0x380, s19;
	s17 =	sadd.s32 s9, s17;
	_ =	swait.ge [sflag:s13], $0x4000  }
0x36: {  	s18 =	sor.u32 s18, s17;
	s17 =	smov.u32 s20;
	[sflag:s13] =	ssyncset.done $0x0  }
0x37: {  	s17 =	sshrl.u32 s18, $0x3  }
0x38: {  	[sflag:s13] =	ssyncadd.s32 $0xFFFFC000;
	s18 =	sadd.s32 s5, s17  }
0x39: {  	[tilespmem:s4], [sflag:$0x1] =	stream.linear.gather [hbm4b:s18+s4], $0x80, $0x38;
	[tilespmem:$0x17D00] =	vst v63  }
0x3a: {  	_ =	swait.ge [sflag:s13], $0x80  }
0x3b: {  	[sflag:s13] =	ssyncset.done $0x0  }
0x3c: {  	s17 =	sadd.s32 s6, s17;
	[sflag:s13] =	ssyncadd.s32 $0xFFFFFF80  }
0x3d: {  	[tilespmem:s14], [sflag:$0x1] =	stream.linear.gather [hbm4b:s17+s4], $0x80, $0x38;
	[tilespmem:$0x17D00] =	vst v63  }
0x3e: {  	_ =	swait.ge [sflag:s13], $0x80  }
0x3f: {  	[sflag:s13] =	ssyncset.done $0x0  }
0x40: {  	[sflag:s13] =	ssyncadd.s32 $0xFFFFFF80  }
0x41: {  	[tilespmem:s15], [sflag:$0x1] =	stream.indirect.gather [hbm4b:s2+s14], $0x80, s4, s14, $0xb8;
	[tilespmem:$0x17D00] =	vst v63  }
0x42: {  	_ =	swait.ge [sflag:s13], $0x4000  }
0x43: {  	[sflag:s13] =	ssyncset.done $0x0  }
0x44: {  	[sflag:s13] =	ssyncadd.s32 $0xFFFFC000  }
0x45: {  	[spmem:s3] =	stream.indirect.scatter.add.f32 [tilespmem:s15], [sflag:$0x1], $0x80, s14, s14, $0xb8;
	[tilespmem:$0x17D00] =	vst v63  }
0x46: {  	_ =	swait.ge [sflag:s13], $0x4000  }
0x47: {  	s16 =	sadd.s32 $0x1, s16;
	[sflag:s13] =	ssyncset.done $0x0  }
0x48: {  	p0 =	sne.s32 s16, s11;
	[sflag:s13] =	ssyncadd.s32 $0xFFFFC000  }
.Ltmp1:
0x49: {  	[bflag:$0x0] =	sbarrier.arrive $0xFFFF;
	(pc) =	sbr.rel @p0 .LBB2_1-.Ltmp1, $4  }
0x4a: {  	[hbm:s10], [sflag:s8] =	dma.local [spmem:s12], $0x2780  }
0x4b: {  	_ =	swait.ge [sflag:s13], $0x2780  }
0x4c: {  	[sflag:s13] =	ssyncset.done $0x0  }
0x4d: {  	[sflag:s13] =	ssyncadd.s32 $0xFFFFD880  }
0x4e: {  	_ =	sfence.sel $0x180000  }
0x4f: {  	[bflag:$0x0] =	sbarrier.arrive $0xFFFF  }
0x50: {  	p0 =	sne.s32 s1, $0x0;
	_ =	strace $0x9000004A  }
0x51: {  	s0 =	sadd.s32 @!p0 $0x100000, s0;
	[bflag:$0x2] =	sbarrier.arrive $0xFFFF  }
0x52: {  	[sflag:s0] =	ssyncadd.tile.s32 @!p0 $0x1;
	_ =	shalt  }
.Lfunc_end2:
_tile_overlayer_lowered:
.L_overlay_start_2:
0x53: {  	(tag) =	ssettag $0x2  }
0x54: {  	s0 =	rddreg [dreg:$0x0];
	s2 =	stileid.u32  }
0x55: {  	s1 =	rddreg [dreg:$0x1];
	p0 =	sne.s32 s2, $0x0  }
0x56: {  	s3 =	rddreg [dreg:$0x2];
	[bflag:$0x3] =	sbarrier.arrive $0xFFFF;
	s2 =	simm.s32 @!p0 $0x1C01  }
0x57: {  	[timem:s3], [sflag:s2] =	dma.local @!p0 [hbm:s0], s1  }
0x58: {  	s0 =	simm.s32 @!p0 $0x1  }
0x59: {  	_ =	swait.ge @!p0 [sflag:s0], s1  }
0x5a: {  	s1 =	ssub.s32 @!p0 $0x0, s1;
	[sflag:s0] =	ssyncset.done @!p0 $0x0  }
0x5b: {  	[sflag:s0] =	ssyncadd.s32 @!p0 s1  }
0x5c: {  	[bflag:$0x3] =	sbarrier.arrive $0xFFFF  }
0x5d: {  	_ =	shalt  }

// kernel: kernel.23.cloned.1.call-start
scs
__scs_entry_jumppad:
0x0: {  	(pc) =	sbr.rel $0x88, $3  }
0x1: {  	(tag) =	ssettag $0x0;
	lr =	simm.s32 $0x1  }
0x2: {  	[smem:$0x3F8F] =	sst lr;
	_ =	strace $0xD0000000  }
0x3: {  	_ = 	snop  }
0x4: {  	_ = 	snop  }
0x5: {  	_ = 	snop  }
0x6: {  	_ = 	snop  }
0x7: {  	_ = 	snop  }
__scs_overlays_trampoline_lowered:
0x8: {  	[smem:$0x3F9E] =	sst s0  }
0x9: {  	[smem:$0x3F9F] =	sst s1  }
0xa: {  	[smem:$0x3FA0] =	sst s2  }
0xb: {  	[smem:$0x3FA1] =	sst s3  }
0xc: {  	[smem:$0x3FA2] =	sst s4  }
0xd: {  	[smem:$0x3FA3] =	sst s5  }
0xe: {  	[smem:$0x3FA4] =	sst s6  }
0xf: {  	[smem:$0x3FA5] =	sst s7  }
0x10: {  	[smem:$0x3FA6] =	sst s8  }
0x11: {  	[smem:$0x3FA7] =	sst s9;
	s0 =	simm.s32 @!p0 $0x0  }
0x12: {  	s1 =	sld [smem:$0x3F8D];
	s0 =	simm.s32 @p0 $0x1  }
0x13: {  	[smem:$0x3FA8] =	sst s0;
	s0 =	simm.s32 @!p1 $0x0  }
0x14: {  	s2 =	sld [smem:$0x3F8C];
	s0 =	simm.s32 @p1 $0x1  }
0x15: {  	[smem:$0x3FA9] =	sst s0;
	s0 =	simm.s32 @!p2 $0x0  }
0x16: {  	s3 =	sld [smem:$0x3FDB];
	s0 =	simm.s32 @p2 $0x1  }
0x17: {  	s4 =	simm.s32 $0x1BF5;
	[smem:$0x3FAB] =	sst s0  }
0x18: {  	s0 =	sld [smem:$0x3F8E];
	_ =	swait.ge [sflag:s4], $0x0  }
0x19: {  	s7 =	sld [smem:$0x3F8F]  }
0x1a: {  	s8 =	sadd.s32 $0xFFFFE003, lr  }
0x1b: {  	s9 =	sadd.s32 $0xFFFFFEF7, lr;
	s5 =	simm.s32 $0xFFFFFFFF;
	p2 =	slt.u32 s8, $0xFFFFF086  }
0x1c: {  	p1 =	slt.u32 s9, $0xF7A;
	s5 =	simm.s32 @!p2 $0x0  }
0x1d: {  	s5 =	simm.s32 @p1 $0x1;
	p0 =	seq.s32 s7, s2  }
0x1e: {  	s7 =	smul.u32 @!p0 $0xF7A, s2;
	p2 =	seq.s32 @!p0 s5, $0x0  }
0x1f: {  	s9 =	smul.u32 $0xF7A, s1;
	s8 =	simm.s32 @!p0 $0x1BF5;
	p2 =	por !p2, p0  }
0x20: {  	[sflag:s8] =	ssyncset.s32 @!p0 $0xFFFFF086;
	s6 =	sadd.s32 @!p0 s3, s7;
	s7 =	simm.s32 @!p0 $0x108  }
0x21: {  	s3 =	sadd.s32 s3, s9;
	s6 =	sadd.s32 @!p0 $0x88, s6;
	s7 =	simm.s32 @p2 $0x1082  }
0x22: {  	[simem:s7], [sflag:s8] =	dma.local @!p0 [hbm:s6], $0xF7A  }
0x23: {  	s9 =	sor.u32 $0xD0000000, s2;
	s6 =	simm.s32 $0x108;
	_ =	swait.ge @!p0 [sflag:s8], $0x0  }
0x24: {  	s3 =	sadd.s32 $0x88, s3;
	s6 =	simm.s32 @!p1 $0x1082;
	[sflag:s4] =	ssyncset.s32 $0xFFFFF086  }
0x25: {  	[simem:s6], [sflag:s4] =	dma.local [hbm:s3], $0xF7A  }
0x26: {  	[smem:$0x3F8F] =	sst s1;
	(tag) =	ssettag s2;
	_ =	strace s9  }
0x27: {  	s1 =	sld [smem:$0x3F9F]  }
0x28: {  	s2 =	sld [smem:$0x3FA0]  }
0x29: {  	s4 =	sld [smem:$0x3FA2]  }
0x2a: {  	p0 =	seq.s32 s5, $0x0;
	s5 =	sld [smem:$0x3FA3]  }
0x2b: {  	s6 =	sld [smem:$0x3FA4]  }
0x2c: {  	s7 =	sld [smem:$0x3FA5]  }
0x2d: {  	s3 =	simm.s32 $0x108;
	s8 =	sld [smem:$0x3FA6]  }
0x2e: {  	s3 =	simm.s32 @!p0 $0x1082;
	s9 =	sld [smem:$0x3FA7]  }
0x2f: {  	lr =	sadd.s32 s0, s3;
	s0 =	sld [smem:$0x3F9E]  }
0x30: {  	s3 =	sld [smem:$0x3FA1]  }
0x31: {  	[smem:$0x3FAA] =	sst s10  }
0x32: {  	s10 =	sld [smem:$0x3FA8];
	_ =	sdelay $0x3  }
0x33: {  	p0 =	seq.s32 s10, $0x1;
	s10 =	sld [smem:$0x3FAA];
	_ =	sdelay $0x3  }
0x34: {  	[smem:$0x3FAA] =	sst s10  }
0x35: {  	s10 =	sld [smem:$0x3FA9];
	_ =	sdelay $0x3  }
0x36: {  	p1 =	seq.s32 s10, $0x1;
	s10 =	sld [smem:$0x3FAA];
	_ =	sdelay $0x3  }
0x37: {  	[smem:$0x3FAA] =	sst s10  }
0x38: {  	s10 =	sld [smem:$0x3FAB]  }
0x39: {  	_ = 	snop;
	(pc) =	sbr.ind lr, $3  }
0x3a: {  	_ = 	snop  }
0x3b: {  	_ = 	snop  }
0x3c: {  	p2 =	seq.s32 s10, $0x1;
	s10 =	sld [smem:$0x3FAA]  }
0x3d: {  	_ =	shalt  }
0x3e: {  	_ =	shalt  }
0x3f: {  	_ =	shalt  }
0x40: {  	_ =	shalt  }
0x41: {  	_ =	shalt  }
0x42: {  	_ =	shalt  }
0x43: {  	_ =	shalt  }
0x44: {  	_ =	shalt  }
0x45: {  	_ =	shalt  }
0x46: {  	_ =	shalt  }
0x47: {  	_ =	shalt  }
0x48: {  	_ =	shalt  }
0x49: {  	_ =	shalt  }
0x4a: {  	_ =	shalt  }
0x4b: {  	_ =	shalt  }
0x4c: {  	_ =	shalt  }
0x4d: {  	_ =	shalt  }
0x4e: {  	_ =	shalt  }
0x4f: {  	_ =	shalt  }
0x50: {  	_ =	shalt  }
0x51: {  	_ =	shalt  }
0x52: {  	_ =	shalt  }
0x53: {  	_ =	shalt  }
0x54: {  	_ =	shalt  }
0x55: {  	_ =	shalt  }
0x56: {  	_ =	shalt  }
0x57: {  	_ =	shalt  }
0x58: {  	_ =	shalt  }
0x59: {  	_ =	shalt  }
0x5a: {  	_ =	shalt  }
0x5b: {  	_ =	shalt  }
0x5c: {  	_ =	shalt  }
0x5d: {  	_ =	shalt  }
0x5e: {  	_ =	shalt  }
0x5f: {  	_ =	shalt  }
0x60: {  	_ =	shalt  }
0x61: {  	_ =	shalt  }
0x62: {  	_ =	shalt  }
0x63: {  	_ =	shalt  }
0x64: {  	_ =	shalt  }
0x65: {  	_ =	shalt  }
0x66: {  	_ =	shalt  }
0x67: {  	_ =	shalt  }
0x68: {  	_ =	shalt  }
0x69: {  	_ =	shalt  }
0x6a: {  	_ =	shalt  }
0x6b: {  	_ =	shalt  }
0x6c: {  	_ =	shalt  }
0x6d: {  	_ =	shalt  }
0x6e: {  	_ =	shalt  }
0x6f: {  	_ =	shalt  }
0x70: {  	_ =	shalt  }
0x71: {  	_ =	shalt  }
0x72: {  	_ =	shalt  }
0x73: {  	_ =	shalt  }
0x74: {  	_ =	shalt  }
0x75: {  	_ =	shalt  }
0x76: {  	_ =	shalt  }
0x77: {  	_ =	shalt  }
0x78: {  	_ =	shalt  }
0x79: {  	_ =	shalt  }
0x7a: {  	_ =	shalt  }
0x7b: {  	_ =	shalt  }
0x7c: {  	_ =	shalt  }
0x7d: {  	_ =	shalt  }
0x7e: {  	_ =	shalt  }
0x7f: {  	_ =	shalt  }
0x80: {  	_ =	shalt  }
0x81: {  	_ =	shalt  }
0x82: {  	_ =	shalt  }
0x83: {  	_ =	shalt  }
0x84: {  	_ =	shalt  }
0x85: {  	_ =	shalt  }
0x86: {  	_ =	shalt  }
0x87: {  	_ =	shalt  }
.Lfunc_end0:
.L_simem_size_0:
called_computation.4_lowered:
.L_overlay_start_0:
0x88: {  	s2 =	sld [smem:$0x3FD9]  }
0x89: {  	s3 =	sld [smem:$0x3FFE];
	_ =	sdelay $0x1  }
0x8a: {  	s1 =	srdreg.scid  }
0x8b: {  	s0 =	sand.u32 $0x1, s1  }
0x8c: {  	s15 =	sshll.u32 s0, $0xA;
	s2 =	sadd.s32 s3, s2  }
0x8d: {  	s2 =	sadd.s32 s2, s15  }
0x8e: {  	[smem:$0x3FB6] =	sst s2  }
0x8f: {  	_ = 	snop  }
0x90: {  	s2 =	sld [smem:$0x3FD0];
	_ =	sdelay $0x2  }
0x91: {  	s4 =	simm.s32 $0xC;
	s16 =	simm.s32 $0x10  }
0x92: {  	[smem:s16], [sflag:s4] =	dma.local [hbm:s2], $0x1  }
0x93: {  	_ =	swait.eq [sflag:s4], $0x1  }
0x94: {  	[sflag:s4] =	ssyncset.done $0x0  }
0x95: {  	s17 =	sld [smem:$0x10];
	[sflag:s4] =	ssyncadd.s32 $0xFFFFFFFF  }
0x96: {  	s18 =	sld [smem:$0x11];
	(tm) =	ssettm $0x1  }
0x97: {  	s19 =	sld [smem:$0x3FFB];
	_ =	sdelay $0x3  }
0x98: {  	_ =	strace s19  }
0x99: {  	s2 =	sld [smem:$0x3FFC];
	_ =	sdelay $0x3  }
0x9a: {  	_ =	strace s2  }
0x9b: {  	s2 =	sld [smem:$0x3FFD];
	_ =	sdelay $0x3  }
0x9c: {  	_ =	strace s2  }
0x9d: {  	_ =	strace $0x8FFFFFFF  }
0x9e: {  	s20 =	sld [smem:$0x3FDB];
	_ =	sdelay $0x1  }
0x9f: {  	s5 =	simm.s32 $_scs_section_size  }
0xa0: {  	s6 =	simm.s32 $_size__tile_overlayer_lowered;
	s7 =	simm.s32 $_tile_overlayer_lowered  }
0xa1: {  	s8 =	simm.s32 $0x1BFF;
	s21 =	sshll.u32 s7, $0x1;
	s5 =	sadd.s32 s5, s20  }
0xa2: {  	s22 =	simm.s32 $0x0;
	s6 =	sshll.u32 s6, $0x1;
	s7 =	sadd.s32 s21, s5  }
0xa3: {  	[timem:s22], [sflag:s8] =	dma.local [hbm:s7], s6  }
0xa4: {  	_ =	swait.ge [sflag:s8], s6  }
0xa5: {  	s6 =	ssub.s32 $0x0, s6;
	[sflag:s8] =	ssyncset.done $0x0  }
0xa6: {  	[sflag:s8] =	ssyncadd.s32 s6;
	_ =	sdelay $0x1  }
0xa7: {  	s23 =	simm.s32 $0x1B8B  }
0xa8: {  	_ =	swait.ge [sflag:s23], $0x1  }
0xa9: {  	[sflag:s23] =	ssyncset.done $0x0  }
0xaa: {  	[sflag:s23] =	ssyncadd.s32 $0xFFFFFFFF  }
0xab: {  	s6 =	sld [smem:$0x0]  }
0xac: {  	s7 =	sand.u32 $0xFFFFFFFE, s1  }
0xad: {  	p0 =	sne.s32 s1, s7  }
0xae: {  	s7 =	sshll.u32 @p0 s7, $0xE  }
0xaf: {  	s7 =	sadd.s32 @p0 $0x11B8D, s7;
	s8 =	sshll.u32 @p0 s6, $0x11  }
0xb0: {  	s7 =	sor.u32 @p0 s8, s7  }
0xb1: {  	[sflag:s7] =	ssyncadd.remote.s32 @p0 $0x1;
	_ =	sdelay $0x1  }
0xb2: {  	s7 =	simm.s32 @p0 $0x1B8D  }
0xb3: {  	_ =	swait.eq @p0 [sflag:s7], $0x1  }
0xb4: {  	[sflag:s7] =	ssyncadd.s32 @p0 $0xFFFFFFFF  }
0xb5: {  	s8 =	sshll.u32 @!p0 s1, $0xE  }
0xb6: {  	s8 =	sor.u32 @!p0 $0x4000, s8;
	s7 =	simm.s32 @!p0 $0x1B8D  }
0xb7: {  	s6 =	sshll.u32 @!p0 s6, $0x11;
	s8 =	sadd.s32 @!p0 $0x11B8D, s8;
	_ =	swait.eq @!p0 [sflag:s7], $0x1  }
0xb8: {  	s6 =	sor.u32 @!p0 s6, s8;
	[sflag:s7] =	ssyncadd.s32 @!p0 $0xFFFFFFFF  }
0xb9: {  	s25 =	simm.s32 $0x1B8E;
	s24 =	sld [smem:$0x3FFE];
	[sflag:s6] =	ssyncadd.remote.s32 @!p0 $0x1  }
0xba: {  	s26 =	simm.s32 $execute0_lowered;
	[smem:$0x3FD2] =	sst s25  }
0xbb: {  	s7 =	sshll.u32 s26, $0x1;
	_ =	strace $0x80000052;
	[dreg:$0x1] =	wrdreg $0xFFFFFFFF  }
0xbc: {  	s28 =	simm.s32 $_size_execute0_lowered;
	s5 =	sadd.s32 s5, s7;
	[dreg:$0x0] =	wrdreg $0x0  }
0xbd: {  	s7 =	sshll.u32 s28, $0x1;
	[dreg:$0x2] =	wrdreg s5  }
0xbe: {  	[dreg:$0x3] =	wrdreg s7  }
0xbf: {  	[dreg:$0x4] =	wrdreg $0xC0  }
0xc0: {  	_ =	task [dreg:s22], $0x5FFFF  }
0xc1: {  	[dreg:$0x1] =	wrdreg $0xFFFFFFFF  }
0xc2: {  	[dreg:$0x0] =	wrdreg $0x60  }
0xc3: {  	[dreg:$0x2] =	wrdreg s17  }
0xc4: {  	[dreg:$0x3] =	wrdreg s18  }
0xc5: {  	[dreg:$0x4] =	wrdreg s24  }
0xc6: {  	[dreg:$0x5] =	wrdreg $0x41000  }
0xc7: {  	[dreg:$0x6] =	wrdreg $0xB  }
0xc8: {  	_ =	task.clear_ibuf [dreg:s22], $0x7FFFF;
	_ =	strace $0x90000052  }
0xc9: {  	s29 =	simm.s32 $0xB;
	_ =	strace $0x80000054  }
0xca: {  	_ =	swait.ge [sflag:s29], $0x1  }
0xcb: {  	[sflag:s29] =	ssyncadd.s32 $0xFFFFFFFF  }
0xcc: {  	_ =	strace $0x90000054  }
0xcd: {  	_ =	sfence  }
0xce: {  	s30 =	sld [smem:$0x0];
	_ =	sdelay $0x2  }
0xcf: {  	s31 =	sshll.u32 s1, $0xD;
	s1 =	sshrl.u32 s1, $0x2  }
0xd0: {  	s4 =	sand.u32 $0x4000, s31;
	s1 =	sadd.s32 s1, s30  }
0xd1: {  	s0 =	sor.u32 s4, s0;
	s1 =	sshll.u32 s1, $0x11  }
0xd2: {  	s0 =	sor.u32 s1, s0  }
0xd3: {  	s0 =	sadd.s32 $0x8F2B, s0  }
0xd4: {  	[sflag:s0] =	ssyncadd.remote.s32 $0x1  }
0xd5: {  	_ =	sfence.sel $0xFFFF  }
0xd6: {  	[dreg:$0x0] =	wrdreg $0xFFFFFFFF;
	(pc) =	sbr.abs _section_cstart, $3  }
0xd7: {  	[dreg:$0x1] =	wrdreg $0xFFFFFFFF  }
0xd8: {  	_ =	task.clear_ibuf [dreg:s22], $0x2FFFF;
	_ =	strace $0x9FFFFFFF  }
0xd9: {  	(tm) =	ssettm $0x7FFFFFFF  }
tec
execute0_lowered:
.L_overlay_start_1:
0x0: {  	(tag) =	ssettag $0x1  }
0x1: {  	s1 =	rddreg [dreg:$0x0]  }
0x2: {  	s15 =	rddreg [dreg:$0x1]  }
0x3: {  	s10 =	rddreg [dreg:$0x2]  }
0x4: {  	s3 =	rddreg [dreg:$0x3]  }
0x5: {  	s0 =	rddreg [dreg:$0x4];
	s4 =	simm.s32 $0x0;
	s2 =	stileid.u32  }
0x6: {  	s9 =	srdreg.scid;
	[smem:$0x7FF] =	sst s4;
	s5 =	sshll.u32 s2, $0xB  }
0x7: {  	s29 =	sshll.u32 s2, $0xE;
	s11 =	sshll.u32 s2, $0x6;
	_ =	strace $0x80000053  }
0x8: {  	s17 =	sadd.s32 s5, s10;
	s7 =	sadd.s32 s29, s3;
	s6 =	sor.u32 $0x1C01, s11  }
0x9: {  	s5 =	sadd.s32 $0x4E00, s17;
	s8 =	sshrl.u32 s7, $0x3;
	s7 =	simm.s32 $0x1  }
0xa: {  	[spmem:s8], [sflag:s6] =	dma.local [hbm:s5], $0x800  }
0xb: {  	s18 =	sand.u32 $0x1, s9;
	_ =	swait.ge [sflag:s7], $0x800  }
0xc: {  	s9 =	sshll.u32 s18, $0xA;
	[sflag:s7] =	ssyncset.done $0x0  }
0xd: {  	s16 =	sor.u32 s11, s9;
	[sflag:s7] =	ssyncadd.s32 $0xFFFFF800  }
0xe: {  	s9 =	sadd.s32 s15, s16;
	[bflag:$0x0] =	sbarrier.arrive $0xFFFF  }
0xf: {  	[tilespmem:s4], [sflag:$0x1] =	stream.linear.gather [hbm4b:s9+s4], $0x80, $0x38;
	[tilespmem:$0x8100] =	vst v63  }
0x10: {  	_ =	swait.ge [sflag:s7], $0x80  }
0x11: {  	s19 =	sadd.s32 $0xA4400, s10;
	[sflag:s7] =	ssyncset.done $0x0  }
0x12: {  	s11 =	simm.s32 $0x80;
	s10 =	sadd.s32 s19, s16;
	[sflag:s7] =	ssyncadd.s32 $0xFFFFFF80  }
0x13: {  	[tilespmem:s11], [sflag:$0x1] =	stream.linear.gather [hbm4b:s10+s4], $0x80, $0x38;
	[tilespmem:$0x8100] =	vst v63  }
0x14: {  	_ =	swait.ge [sflag:s7], $0x80  }
0x15: {  	[sflag:s7] =	ssyncset.done $0x0  }
0x16: {  	s12 =	simm.s32 $0x100;
	[sflag:s7] =	ssyncadd.s32 $0xFFFFFF80  }
0x17: {  	[tilespmem:s12], [sflag:$0x1] =	stream.indirect.gather [hbm4b:s1+s11], $0x80, s4, s11, $0xb8;
	[tilespmem:$0x8100] =	vst v63  }
0x18: {  	_ =	swait.ge [sflag:s7], $0x4000  }
0x19: {  	[sflag:s7] =	ssyncset.done $0x0  }
0x1a: {  	[sflag:s7] =	ssyncadd.s32 $0xFFFFC000  }
0x1b: {  	[spmem:s3] =	stream.indirect.scatter.add.f32 [tilespmem:s12], [sflag:$0x1], $0x80, s11, s11, $0xb8;
	[tilespmem:$0x8100] =	vst v63  }
0x1c: {  	_ =	swait.ge [sflag:s7], $0x4000  }
0x1d: {  	s14 =	sor.u32 $0x10, s16;
	[sflag:s7] =	ssyncset.done $0x0  }
0x1e: {  	s13 =	sadd.s32 s15, s14;
	[sflag:s7] =	ssyncadd.s32 $0xFFFFC000  }
0x1f: {  	[tilespmem:s4], [sflag:$0x1] =	stream.linear.gather [hbm4b:s13+s4], $0x80, $0x38;
	[tilespmem:$0x8100] =	vst v63  }
0x20: {  	_ =	swait.ge [sflag:s7], $0x80  }
0x21: {  	[sflag:s7] =	ssyncset.done $0x0  }
0x22: {  	s14 =	sadd.s32 s19, s14;
	[sflag:s7] =	ssyncadd.s32 $0xFFFFFF80  }
0x23: {  	[tilespmem:s11], [sflag:$0x1] =	stream.linear.gather [hbm4b:s14+s4], $0x80, $0x38;
	[tilespmem:$0x8100] =	vst v63  }
0x24: {  	_ =	swait.ge [sflag:s7], $0x80  }
0x25: {  	[sflag:s7] =	ssyncset.done $0x0  }
0x26: {  	[sflag:s7] =	ssyncadd.s32 $0xFFFFFF80  }
0x27: {  	[tilespmem:s12], [sflag:$0x1] =	stream.indirect.gather [hbm4b:s1+s11], $0x80, s4, s11, $0xb8;
	[tilespmem:$0x8100] =	vst v63  }
0x28: {  	_ =	swait.ge [sflag:s7], $0x4000  }
0x29: {  	[sflag:s7] =	ssyncset.done $0x0  }
0x2a: {  	[sflag:s7] =	ssyncadd.s32 $0xFFFFC000  }
0x2b: {  	[spmem:s3] =	stream.indirect.scatter.add.f32 [tilespmem:s12], [sflag:$0x1], $0x80, s11, s11, $0xb8;
	[tilespmem:$0x8100] =	vst v63  }
0x2c: {  	_ =	swait.ge [sflag:s7], $0x4000  }
0x2d: {  	s16 =	sor.u32 $0x20, s16;
	[sflag:s7] =	ssyncset.done $0x0  }
0x2e: {  	s15 =	sadd.s32 s15, s16;
	[sflag:s7] =	ssyncadd.s32 $0xFFFFC000  }
0x2f: {  	[tilespmem:s4], [sflag:$0x1] =	stream.linear.gather [hbm4b:s15+s4], $0x80, $0x38;
	[tilespmem:$0x8100] =	vst v63  }
0x30: {  	_ =	swait.ge [sflag:s7], $0x80  }
0x31: {  	[sflag:s7] =	ssyncset.done $0x0  }
0x32: {  	s16 =	sadd.s32 s19, s16;
	[sflag:s7] =	ssyncadd.s32 $0xFFFFFF80  }
0x33: {  	[tilespmem:s11], [sflag:$0x1] =	stream.linear.gather [hbm4b:s16+s4], $0x80, $0x38;
	[tilespmem:$0x8100] =	vst v63  }
0x34: {  	_ =	swait.ge [sflag:s7], $0x80  }
0x35: {  	[sflag:s7] =	ssyncset.done $0x0  }
0x36: {  	[sflag:s7] =	ssyncadd.s32 $0xFFFFFF80  }
0x37: {  	[tilespmem:s12], [sflag:$0x1] =	stream.indirect.gather [hbm4b:s1+s11], $0x80, s4, s11, $0xb8;
	[tilespmem:$0x8100] =	vst v63  }
0x38: {  	s30 =	ssub.s32 $0x2, s18;
	_ =	swait.ge [sflag:s7], $0x4000  }
0x39: {  	s20 =	sshrl.u32 s30, $0x1;
	[sflag:s7] =	ssyncset.done $0x0  }
0x3a: {  	s19 =	ssub.s32 s30, s20;
	[sflag:s7] =	ssyncadd.s32 $0xFFFFC000  }
0x3b: {  	[spmem:s3] =	stream.indirect.scatter.add.f32 [tilespmem:s12], [sflag:$0x1], $0x80, s11, s11, $0xb8;
	[tilespmem:$0x8100] =	vst v63  }
0x3c: {  	s31 =	smax.u32 s19, $0x1;
	_ =	swait.ge [sflag:s7], $0x4000  }
0x3d: {  	s18 =	sshll.u32 s18, $0xF;
	p0 =	sne.s32 s31, $0x1;
	[sflag:s7] =	ssyncset.done $0x0  }
.Ltmp0:
0x3e: {  	s17 =	sadd.s32 s18, s17;
	[sflag:s7] =	ssyncadd.s32 $0xFFFFC000;
	(pc) =	sbr.rel @!p0 .LBB2_2-.Ltmp0, $4  }
0x3f: {  	s17 =	sadd.s32 $0x19000, s17;
	[bflag:$0x0] =	sbarrier.arrive $0xFFFF  }
0x40: {  	[hbm:s17], [sflag:s6] =	dma.local [spmem:s8], $0x800  }
0x41: {  	_ =	swait.ge [sflag:s7], $0x800  }
0x42: {  	s18 =	sadd.s32 $0xFFFFFFFF, s31;
	[sflag:s7] =	ssyncset.done $0x0  }
.LBB2_1:
0x43: {  	p0 =	sne.s32 s18, $0x1;
	s18 =	sadd.s32 $0xFFFFFFFF, s18;
	[sflag:s7] =	ssyncadd.s32 $0xFFFFF800  }
0x44: {  	[spmem:s8], [sflag:s6] =	dma.local [hbm:s5], $0x800  }
0x45: {  	_ =	swait.ge [sflag:s7], $0x800  }
0x46: {  	[sflag:s7] =	ssyncset.done $0x0  }
0x47: {  	[sflag:s7] =	ssyncadd.s32 $0xFFFFF800  }
0x48: {  	[bflag:$0x0] =	sbarrier.arrive $0xFFFF  }
0x49: {  	[tilespmem:s4], [sflag:$0x1] =	stream.linear.gather [hbm4b:s9+s4], $0x80, $0x38;
	[tilespmem:$0x8100] =	vst v63  }
0x4a: {  	_ =	swait.ge [sflag:s7], $0x80  }
0x4b: {  	[sflag:s7] =	ssyncset.done $0x0  }
0x4c: {  	[sflag:s7] =	ssyncadd.s32 $0xFFFFFF80  }
0x4d: {  	[tilespmem:s11], [sflag:$0x1] =	stream.linear.gather [hbm4b:s10+s4], $0x80, $0x38;
	[tilespmem:$0x8100] =	vst v63  }
0x4e: {  	_ =	swait.ge [sflag:s7], $0x80  }
0x4f: {  	[sflag:s7] =	ssyncset.done $0x0  }
0x50: {  	[sflag:s7] =	ssyncadd.s32 $0xFFFFFF80  }
0x51: {  	[tilespmem:s12], [sflag:$0x1] =	stream.indirect.gather [hbm4b:s1+s11], $0x80, s4, s11, $0xb8;
	[tilespmem:$0x8100] =	vst v63  }
0x52: {  	_ =	swait.ge [sflag:s7], $0x4000  }
0x53: {  	[sflag:s7] =	ssyncset.done $0x0  }
0x54: {  	[sflag:s7] =	ssyncadd.s32 $0xFFFFC000  }
0x55: {  	[spmem:s3] =	stream.indirect.scatter.add.f32 [tilespmem:s12], [sflag:$0x1], $0x80, s11, s11, $0xb8;
	[tilespmem:$0x8100] =	vst v63  }
0x56: {  	_ =	swait.ge [sflag:s7], $0x4000  }
0x57: {  	[sflag:s7] =	ssyncset.done $0x0  }
0x58: {  	[sflag:s7] =	ssyncadd.s32 $0xFFFFC000  }
0x59: {  	[tilespmem:s4], [sflag:$0x1] =	stream.linear.gather [hbm4b:s13+s4], $0x80, $0x38;
	[tilespmem:$0x8100] =	vst v63  }
0x5a: {  	_ =	swait.ge [sflag:s7], $0x80  }
0x5b: {  	[sflag:s7] =	ssyncset.done $0x0  }
0x5c: {  	[sflag:s7] =	ssyncadd.s32 $0xFFFFFF80  }
0x5d: {  	[tilespmem:s11], [sflag:$0x1] =	stream.linear.gather [hbm4b:s14+s4], $0x80, $0x38;
	[tilespmem:$0x8100] =	vst v63  }
0x5e: {  	_ =	swait.ge [sflag:s7], $0x80  }
0x5f: {  	[sflag:s7] =	ssyncset.done $0x0  }
0x60: {  	[sflag:s7] =	ssyncadd.s32 $0xFFFFFF80  }
0x61: {  	[tilespmem:s12], [sflag:$0x1] =	stream.indirect.gather [hbm4b:s1+s11], $0x80, s4, s11, $0xb8;
	[tilespmem:$0x8100] =	vst v63  }
0x62: {  	_ =	swait.ge [sflag:s7], $0x4000  }
0x63: {  	[sflag:s7] =	ssyncset.done $0x0  }
0x64: {  	[sflag:s7] =	ssyncadd.s32 $0xFFFFC000  }
0x65: {  	[spmem:s3] =	stream.indirect.scatter.add.f32 [tilespmem:s12], [sflag:$0x1], $0x80, s11, s11, $0xb8;
	[tilespmem:$0x8100] =	vst v63  }
0x66: {  	_ =	swait.ge [sflag:s7], $0x4000  }
0x67: {  	[sflag:s7] =	ssyncset.done $0x0  }
0x68: {  	[sflag:s7] =	ssyncadd.s32 $0xFFFFC000  }
0x69: {  	[tilespmem:s4], [sflag:$0x1] =	stream.linear.gather [hbm4b:s15+s4], $0x80, $0x38;
	[tilespmem:$0x8100] =	vst v63  }
0x6a: {  	_ =	swait.ge [sflag:s7], $0x80  }
0x6b: {  	[sflag:s7] =	ssyncset.done $0x0  }
0x6c: {  	[sflag:s7] =	ssyncadd.s32 $0xFFFFFF80  }
0x6d: {  	[tilespmem:s11], [sflag:$0x1] =	stream.linear.gather [hbm4b:s16+s4], $0x80, $0x38;
	[tilespmem:$0x8100] =	vst v63  }
0x6e: {  	_ =	swait.ge [sflag:s7], $0x80  }
0x6f: {  	[sflag:s7] =	ssyncset.done $0x0  }
0x70: {  	[sflag:s7] =	ssyncadd.s32 $0xFFFFFF80  }
0x71: {  	[tilespmem:s12], [sflag:$0x1] =	stream.indirect.gather [hbm4b:s1+s11], $0x80, s4, s11, $0xb8;
	[tilespmem:$0x8100] =	vst v63  }
0x72: {  	_ =	swait.ge [sflag:s7], $0x4000  }
0x73: {  	[sflag:s7] =	ssyncset.done $0x0  }
0x74: {  	[sflag:s7] =	ssyncadd.s32 $0xFFFFC000  }
0x75: {  	[spmem:s3] =	stream.indirect.scatter.add.f32 [tilespmem:s12], [sflag:$0x1], $0x80, s11, s11, $0xb8;
	[tilespmem:$0x8100] =	vst v63  }
0x76: {  	_ =	swait.ge [sflag:s7], $0x4000  }
0x77: {  	[sflag:s7] =	ssyncset.done $0x0  }
.Ltmp1:
0x78: {  	[sflag:s7] =	ssyncadd.s32 $0xFFFFC000;
	(pc) =	sbr.rel @p0 .LBB2_1-.Ltmp1, $4  }
0x79: {  	[bflag:$0x0] =	sbarrier.arrive $0xFFFF  }
0x7a: {  	[hbm:s17], [sflag:s6] =	dma.local [spmem:s8], $0x800  }
0x7b: {  	_ =	swait.ge [sflag:s7], $0x800  }
0x7c: {  	[sflag:s7] =	ssyncset.done $0x0  }
.LBB2_2:
0x7d: {  	[sflag:s7] =	ssyncadd.s32 $0xFFFFF800  }
0x7e: {  	_ =	sfence.sel $0x180000  }
0x7f: {  	[bflag:$0x0] =	sbarrier.arrive $0xFFFF  }
0x80: {  	p0 =	sne.s32 s2, $0x0;
	_ =	strace $0x90000053  }
0x81: {  	s0 =	sadd.s32 @!p0 $0x100000, s0;
	[bflag:$0x2] =	sbarrier.arrive $0xFFFF  }
0x82: {  	[sflag:s0] =	ssyncadd.tile.s32 @!p0 $0x1;
	_ =	shalt  }
.Lfunc_end2:
_tile_overlayer_lowered:
.L_overlay_start_2:
0x83: {  	(tag) =	ssettag $0x2  }
0x84: {  	s0 =	rddreg [dreg:$0x0];
	s2 =	stileid.u32  }
0x85: {  	s1 =	rddreg [dreg:$0x1];
	p0 =	sne.s32 s2, $0x0  }
0x86: {  	s3 =	rddreg [dreg:$0x2];
	[bflag:$0x3] =	sbarrier.arrive $0xFFFF;
	s2 =	simm.s32 @!p0 $0x1C01  }
0x87: {  	[timem:s3], [sflag:s2] =	dma.local @!p0 [hbm:s0], s1  }
0x88: {  	s0 =	simm.s32 @!p0 $0x1  }
0x89: {  	_ =	swait.ge @!p0 [sflag:s0], s1  }
0x8a: {  	s1 =	ssub.s32 @!p0 $0x0, s1;
	[sflag:s0] =	ssyncset.done @!p0 $0x0  }
0x8b: {  	[sflag:s0] =	ssyncadd.s32 @!p0 s1  }
0x8c: {  	[bflag:$0x3] =	sbarrier.arrive $0xFFFF  }
0x8d: {  	_ =	shalt  }

// kernel: kernel.26.cloned.1.call-start
scs
__scs_entry_jumppad:
0x0: {  	(pc) =	sbr.rel $0x88, $3  }
0x1: {  	(tag) =	ssettag $0x0;
	lr =	simm.s32 $0x1  }
0x2: {  	[smem:$0x3F8F] =	sst lr;
	_ =	strace $0xD0000000  }
0x3: {  	_ = 	snop  }
0x4: {  	_ = 	snop  }
0x5: {  	_ = 	snop  }
0x6: {  	_ = 	snop  }
0x7: {  	_ = 	snop  }
__scs_overlays_trampoline_lowered:
0x8: {  	[smem:$0x3F9E] =	sst s0  }
0x9: {  	[smem:$0x3F9F] =	sst s1  }
0xa: {  	[smem:$0x3FA0] =	sst s2  }
0xb: {  	[smem:$0x3FA1] =	sst s3  }
0xc: {  	[smem:$0x3FA2] =	sst s4  }
0xd: {  	[smem:$0x3FA3] =	sst s5  }
0xe: {  	[smem:$0x3FA4] =	sst s6  }
0xf: {  	[smem:$0x3FA5] =	sst s7  }
0x10: {  	[smem:$0x3FA6] =	sst s8  }
0x11: {  	[smem:$0x3FA7] =	sst s9;
	s0 =	simm.s32 @!p0 $0x0  }
0x12: {  	s1 =	sld [smem:$0x3F8D];
	s0 =	simm.s32 @p0 $0x1  }
0x13: {  	[smem:$0x3FA8] =	sst s0;
	s0 =	simm.s32 @!p1 $0x0  }
0x14: {  	s2 =	sld [smem:$0x3F8C];
	s0 =	simm.s32 @p1 $0x1  }
0x15: {  	[smem:$0x3FA9] =	sst s0;
	s0 =	simm.s32 @!p2 $0x0  }
0x16: {  	s3 =	sld [smem:$0x3FDB];
	s0 =	simm.s32 @p2 $0x1  }
0x17: {  	s4 =	simm.s32 $0x1BF5;
	[smem:$0x3FAB] =	sst s0  }
0x18: {  	s0 =	sld [smem:$0x3F8E];
	_ =	swait.ge [sflag:s4], $0x0  }
0x19: {  	s7 =	sld [smem:$0x3F8F]  }
0x1a: {  	s8 =	sadd.s32 $0xFFFFE003, lr  }
0x1b: {  	s9 =	sadd.s32 $0xFFFFFEF7, lr;
	s5 =	simm.s32 $0xFFFFFFFF;
	p2 =	slt.u32 s8, $0xFFFFF086  }
0x1c: {  	p1 =	slt.u32 s9, $0xF7A;
	s5 =	simm.s32 @!p2 $0x0  }
0x1d: {  	s5 =	simm.s32 @p1 $0x1;
	p0 =	seq.s32 s7, s2  }
0x1e: {  	s7 =	smul.u32 @!p0 $0xF7A, s2;
	p2 =	seq.s32 @!p0 s5, $0x0  }
0x1f: {  	s9 =	smul.u32 $0xF7A, s1;
	s8 =	simm.s32 @!p0 $0x1BF5;
	p2 =	por !p2, p0  }
0x20: {  	[sflag:s8] =	ssyncset.s32 @!p0 $0xFFFFF086;
	s6 =	sadd.s32 @!p0 s3, s7;
	s7 =	simm.s32 @!p0 $0x108  }
0x21: {  	s3 =	sadd.s32 s3, s9;
	s6 =	sadd.s32 @!p0 $0x88, s6;
	s7 =	simm.s32 @p2 $0x1082  }
0x22: {  	[simem:s7], [sflag:s8] =	dma.local @!p0 [hbm:s6], $0xF7A  }
0x23: {  	s9 =	sor.u32 $0xD0000000, s2;
	s6 =	simm.s32 $0x108;
	_ =	swait.ge @!p0 [sflag:s8], $0x0  }
0x24: {  	s3 =	sadd.s32 $0x88, s3;
	s6 =	simm.s32 @!p1 $0x1082;
	[sflag:s4] =	ssyncset.s32 $0xFFFFF086  }
0x25: {  	[simem:s6], [sflag:s4] =	dma.local [hbm:s3], $0xF7A  }
0x26: {  	[smem:$0x3F8F] =	sst s1;
	(tag) =	ssettag s2;
	_ =	strace s9  }
0x27: {  	s1 =	sld [smem:$0x3F9F]  }
0x28: {  	s2 =	sld [smem:$0x3FA0]  }
0x29: {  	s4 =	sld [smem:$0x3FA2]  }
0x2a: {  	p0 =	seq.s32 s5, $0x0;
	s5 =	sld [smem:$0x3FA3]  }
0x2b: {  	s6 =	sld [smem:$0x3FA4]  }
0x2c: {  	s7 =	sld [smem:$0x3FA5]  }
0x2d: {  	s3 =	simm.s32 $0x108;
	s8 =	sld [smem:$0x3FA6]  }
0x2e: {  	s3 =	simm.s32 @!p0 $0x1082;
	s9 =	sld [smem:$0x3FA7]  }
0x2f: {  	lr =	sadd.s32 s0, s3;
	s0 =	sld [smem:$0x3F9E]  }
0x30: {  	s3 =	sld [smem:$0x3FA1]  }
0x31: {  	[smem:$0x3FAA] =	sst s10  }
0x32: {  	s10 =	sld [smem:$0x3FA8];
	_ =	sdelay $0x3  }
0x33: {  	p0 =	seq.s32 s10, $0x1;
	s10 =	sld [smem:$0x3FAA];
	_ =	sdelay $0x3  }
0x34: {  	[smem:$0x3FAA] =	sst s10  }
0x35: {  	s10 =	sld [smem:$0x3FA9];
	_ =	sdelay $0x3  }
0x36: {  	p1 =	seq.s32 s10, $0x1;
	s10 =	sld [smem:$0x3FAA];
	_ =	sdelay $0x3  }
0x37: {  	[smem:$0x3FAA] =	sst s10  }
0x38: {  	s10 =	sld [smem:$0x3FAB]  }
0x39: {  	_ = 	snop;
	(pc) =	sbr.ind lr, $3  }
0x3a: {  	_ = 	snop  }
0x3b: {  	_ = 	snop  }
0x3c: {  	p2 =	seq.s32 s10, $0x1;
	s10 =	sld [smem:$0x3FAA]  }
0x3d: {  	_ =	shalt  }
0x3e: {  	_ =	shalt  }
0x3f: {  	_ =	shalt  }
0x40: {  	_ =	shalt  }
0x41: {  	_ =	shalt  }
0x42: {  	_ =	shalt  }
0x43: {  	_ =	shalt  }
0x44: {  	_ =	shalt  }
0x45: {  	_ =	shalt  }
0x46: {  	_ =	shalt  }
0x47: {  	_ =	shalt  }
0x48: {  	_ =	shalt  }
0x49: {  	_ =	shalt  }
0x4a: {  	_ =	shalt  }
0x4b: {  	_ =	shalt  }
0x4c: {  	_ =	shalt  }
0x4d: {  	_ =	shalt  }
0x4e: {  	_ =	shalt  }
0x4f: {  	_ =	shalt  }
0x50: {  	_ =	shalt  }
0x51: {  	_ =	shalt  }
0x52: {  	_ =	shalt  }
0x53: {  	_ =	shalt  }
0x54: {  	_ =	shalt  }
0x55: {  	_ =	shalt  }
0x56: {  	_ =	shalt  }
0x57: {  	_ =	shalt  }
0x58: {  	_ =	shalt  }
0x59: {  	_ =	shalt  }
0x5a: {  	_ =	shalt  }
0x5b: {  	_ =	shalt  }
0x5c: {  	_ =	shalt  }
0x5d: {  	_ =	shalt  }
0x5e: {  	_ =	shalt  }
0x5f: {  	_ =	shalt  }
0x60: {  	_ =	shalt  }
0x61: {  	_ =	shalt  }
0x62: {  	_ =	shalt  }
0x63: {  	_ =	shalt  }
0x64: {  	_ =	shalt  }
0x65: {  	_ =	shalt  }
0x66: {  	_ =	shalt  }
0x67: {  	_ =	shalt  }
0x68: {  	_ =	shalt  }
0x69: {  	_ =	shalt  }
0x6a: {  	_ =	shalt  }
0x6b: {  	_ =	shalt  }
0x6c: {  	_ =	shalt  }
0x6d: {  	_ =	shalt  }
0x6e: {  	_ =	shalt  }
0x6f: {  	_ =	shalt  }
0x70: {  	_ =	shalt  }
0x71: {  	_ =	shalt  }
0x72: {  	_ =	shalt  }
0x73: {  	_ =	shalt  }
0x74: {  	_ =	shalt  }
0x75: {  	_ =	shalt  }
0x76: {  	_ =	shalt  }
0x77: {  	_ =	shalt  }
0x78: {  	_ =	shalt  }
0x79: {  	_ =	shalt  }
0x7a: {  	_ =	shalt  }
0x7b: {  	_ =	shalt  }
0x7c: {  	_ =	shalt  }
0x7d: {  	_ =	shalt  }
0x7e: {  	_ =	shalt  }
0x7f: {  	_ =	shalt  }
0x80: {  	_ =	shalt  }
0x81: {  	_ =	shalt  }
0x82: {  	_ =	shalt  }
0x83: {  	_ =	shalt  }
0x84: {  	_ =	shalt  }
0x85: {  	_ =	shalt  }
0x86: {  	_ =	shalt  }
0x87: {  	_ =	shalt  }
.Lfunc_end0:
.L_simem_size_0:
called_computation.5_lowered:
.L_overlay_start_0:
0x88: {  	s2 =	sld [smem:$0x3FD9]  }
0x89: {  	s3 =	sld [smem:$0x3FFE];
	_ =	sdelay $0x1  }
0x8a: {  	s1 =	srdreg.scid  }
0x8b: {  	s0 =	sand.u32 $0x1, s1  }
0x8c: {  	s14 =	sshll.u32 s0, $0xA;
	s2 =	sadd.s32 s3, s2  }
0x8d: {  	s2 =	sadd.s32 s2, s14  }
0x8e: {  	[smem:$0x3FB6] =	sst s2  }
0x8f: {  	_ = 	snop  }
0x90: {  	s2 =	sld [smem:$0x3FD0];
	_ =	sdelay $0x2  }
0x91: {  	s15 =	simm.s32 $0xC;
	s4 =	simm.s32 $0x10  }
0x92: {  	[smem:s4], [sflag:s15] =	dma.local [hbm:s2], $0x1  }
0x93: {  	_ =	swait.eq [sflag:s15], $0x1  }
0x94: {  	[sflag:s15] =	ssyncset.done $0x0  }
0x95: {  	s16 =	sld [smem:$0x10];
	[sflag:s15] =	ssyncadd.s32 $0xFFFFFFFF  }
0x96: {  	s17 =	sld [smem:$0x11];
	(tm) =	ssettm $0x1  }
0x97: {  	s18 =	sld [smem:$0x3FFB];
	_ =	sdelay $0x3  }
0x98: {  	_ =	strace s18  }
0x99: {  	s4 =	sld [smem:$0x3FFC];
	_ =	sdelay $0x3  }
0x9a: {  	_ =	strace s4  }
0x9b: {  	s4 =	sld [smem:$0x3FFD];
	_ =	sdelay $0x3  }
0x9c: {  	_ =	strace s4  }
0x9d: {  	_ =	strace $0x8FFFFFFF  }
0x9e: {  	s19 =	sld [smem:$0x3FDB];
	_ =	sdelay $0x1  }
0x9f: {  	s5 =	simm.s32 $_scs_section_size  }
0xa0: {  	s6 =	simm.s32 $_size__tile_overlayer_lowered;
	s7 =	simm.s32 $_tile_overlayer_lowered  }
0xa1: {  	s22 =	simm.s32 $0x1BFF;
	s21 =	sshll.u32 s7, $0x1;
	s4 =	sadd.s32 s5, s19  }
0xa2: {  	s8 =	simm.s32 $0x0;
	s20 =	sshll.u32 s6, $0x1;
	s6 =	sadd.s32 s21, s4  }
0xa3: {  	[timem:s8], [sflag:s22] =	dma.local [hbm:s6], s20  }
0xa4: {  	_ =	swait.ge [sflag:s22], s20  }
0xa5: {  	s5 =	ssub.s32 $0x0, s20;
	[sflag:s22] =	ssyncset.done $0x0  }
0xa6: {  	[sflag:s22] =	ssyncadd.s32 s5;
	_ =	sdelay $0x1  }
0xa7: {  	s23 =	simm.s32 $0x1B8B  }
0xa8: {  	_ =	swait.ge [sflag:s23], $0x1  }
0xa9: {  	[sflag:s23] =	ssyncset.done $0x0  }
0xaa: {  	s25 =	simm.s32 $0x1B8E;
	s24 =	sld [smem:$0x3FFE];
	[sflag:s23] =	ssyncadd.s32 $0xFFFFFFFF  }
0xab: {  	s26 =	simm.s32 $execute0_lowered;
	[smem:$0x3FD2] =	sst s25  }
0xac: {  	s6 =	sshll.u32 s26, $0x1;
	_ =	strace $0x80000055;
	[dreg:$0x1] =	wrdreg $0xFFFFFFFF  }
0xad: {  	s28 =	simm.s32 $_size_execute0_lowered;
	s4 =	sadd.s32 s4, s6;
	[dreg:$0x0] =	wrdreg $0x0  }
0xae: {  	s6 =	sshll.u32 s28, $0x1;
	[dreg:$0x2] =	wrdreg s4  }
0xaf: {  	[dreg:$0x3] =	wrdreg s6  }
0xb0: {  	[dreg:$0x4] =	wrdreg $0xC0  }
0xb1: {  	_ =	task [dreg:s8], $0x5FFFF  }
0xb2: {  	[dreg:$0x1] =	wrdreg $0xFFFFFFFF  }
0xb3: {  	[dreg:$0x0] =	wrdreg $0x60  }
0xb4: {  	[dreg:$0x2] =	wrdreg s17  }
0xb5: {  	[dreg:$0x3] =	wrdreg s24  }
0xb6: {  	[dreg:$0x4] =	wrdreg s16  }
0xb7: {  	[dreg:$0x5] =	wrdreg $0x41000  }
0xb8: {  	[dreg:$0x6] =	wrdreg $0x9  }
0xb9: {  	_ =	task.clear_ibuf [dreg:s8], $0x7FFFF;
	_ =	strace $0x90000055  }
0xba: {  	s29 =	simm.s32 $0x9;
	_ =	strace $0x80000057  }
0xbb: {  	_ =	swait.ge [sflag:s29], $0x1  }
0xbc: {  	[sflag:s29] =	ssyncadd.s32 $0xFFFFFFFF  }
0xbd: {  	_ =	strace $0x90000057  }
0xbe: {  	_ =	sfence  }
0xbf: {  	s30 =	sld [smem:$0x0];
	_ =	sdelay $0x2  }
0xc0: {  	s31 =	sshll.u32 s1, $0xD;
	s1 =	sshrl.u32 s1, $0x2  }
0xc1: {  	s3 =	sand.u32 $0x4000, s31;
	s1 =	sadd.s32 s1, s30  }
0xc2: {  	s0 =	sor.u32 s3, s0;
	s1 =	sshll.u32 s1, $0x11  }
0xc3: {  	s0 =	sor.u32 s1, s0  }
0xc4: {  	s0 =	sadd.s32 $0x8F2B, s0  }
0xc5: {  	[sflag:s0] =	ssyncadd.remote.s32 $0x1  }
0xc6: {  	_ =	sfence.sel $0xFFFF  }
0xc7: {  	[dreg:$0x0] =	wrdreg $0xFFFFFFFF;
	(pc) =	sbr.abs _section_cstart, $3  }
0xc8: {  	[dreg:$0x1] =	wrdreg $0xFFFFFFFF  }
0xc9: {  	_ =	task.clear_ibuf [dreg:s8], $0x2FFFF;
	_ =	strace $0x9FFFFFFF  }
0xca: {  	(tm) =	ssettm $0x7FFFFFFF  }
0xcb: {  	_ =	shalt  }
tec
execute0_lowered:
.L_overlay_start_1:
0x0: {  	(tag) =	ssettag $0x1  }
0x1: {  	s1 =	rddreg [dreg:$0x0]  }
0x2: {  	s10 =	rddreg [dreg:$0x1]  }
0x3: {  	s19 =	rddreg [dreg:$0x2]  }
0x4: {  	s3 =	rddreg [dreg:$0x3]  }
0x5: {  	s0 =	rddreg [dreg:$0x4];
	s4 =	simm.s32 $0x0;
	s2 =	stileid.u32  }
0x6: {  	s9 =	srdreg.scid;
	[smem:$0x7FF] =	sst s4;
	s20 =	sshll.u32 s2, $0xB  }
0x7: {  	s6 =	sshll.u32 s2, $0xE;
	s11 =	sshll.u32 s2, $0x6;
	_ =	strace $0x80000056  }
0x8: {  	s5 =	sadd.s32 s20, s10;
	s7 =	sadd.s32 s6, s3;
	s6 =	sor.u32 $0x1C01, s11  }
0x9: {  	s5 =	sadd.s32 $0x4E00, s5;
	s8 =	sshrl.u32 s7, $0x3;
	s7 =	simm.s32 $0x1  }
0xa: {  	[spmem:s8], [sflag:s6] =	dma.local [hbm:s5], $0x800  }
0xb: {  	s21 =	sand.u32 $0x1, s9;
	_ =	swait.ge [sflag:s7], $0x800  }
0xc: {  	s9 =	sshll.u32 s21, $0xA;
	[sflag:s7] =	ssyncset.done $0x0  }
0xd: {  	s17 =	sadd.s32 $0xCE00, s10;
	s18 =	sor.u32 s11, s9;
	[sflag:s7] =	ssyncadd.s32 $0xFFFFF800  }
0xe: {  	s9 =	sadd.s32 s17, s18;
	[bflag:$0x0] =	sbarrier.arrive $0xFFFF  }
0xf: {  	[tilespmem:s4], [sflag:$0x1] =	stream.linear.gather [hbm4b:s9+s4], $0x80, $0x38;
	[tilespmem:$0x8100] =	vst v63  }
0x10: {  	_ =	swait.ge [sflag:s7], $0x80  }
0x11: {  	s22 =	sadd.s32 $0xA3800, s10;
	[sflag:s7] =	ssyncset.done $0x0  }
0x12: {  	s11 =	simm.s32 $0x80;
	s10 =	sadd.s32 s22, s18;
	[sflag:s7] =	ssyncadd.s32 $0xFFFFFF80  }
0x13: {  	[tilespmem:s11], [sflag:$0x1] =	stream.linear.gather [hbm4b:s10+s4], $0x80, $0x38;
	[tilespmem:$0x8100] =	vst v63  }
0x14: {  	_ =	swait.ge [sflag:s7], $0x80  }
0x15: {  	[sflag:s7] =	ssyncset.done $0x0  }
0x16: {  	s12 =	simm.s32 $0x100;
	[sflag:s7] =	ssyncadd.s32 $0xFFFFFF80  }
0x17: {  	[tilespmem:s12], [sflag:$0x1] =	stream.indirect.gather [hbm4b:s1+s11], $0x80, s4, s11, $0xb8;
	[tilespmem:$0x8100] =	vst v63  }
0x18: {  	_ =	swait.ge [sflag:s7], $0x4000  }
0x19: {  	[sflag:s7] =	ssyncset.done $0x0  }
0x1a: {  	[sflag:s7] =	ssyncadd.s32 $0xFFFFC000  }
0x1b: {  	[spmem:s3] =	stream.indirect.scatter.add.f32 [tilespmem:s12], [sflag:$0x1], $0x80, s11, s11, $0xb8;
	[tilespmem:$0x8100] =	vst v63  }
0x1c: {  	_ =	swait.ge [sflag:s7], $0x4000  }
0x1d: {  	s14 =	sor.u32 $0x10, s18;
	[sflag:s7] =	ssyncset.done $0x0  }
0x1e: {  	s13 =	sadd.s32 s17, s14;
	[sflag:s7] =	ssyncadd.s32 $0xFFFFC000  }
0x1f: {  	[tilespmem:s4], [sflag:$0x1] =	stream.linear.gather [hbm4b:s13+s4], $0x80, $0x38;
	[tilespmem:$0x8100] =	vst v63  }
0x20: {  	_ =	swait.ge [sflag:s7], $0x80  }
0x21: {  	[sflag:s7] =	ssyncset.done $0x0  }
0x22: {  	s14 =	sadd.s32 s22, s14;
	[sflag:s7] =	ssyncadd.s32 $0xFFFFFF80  }
0x23: {  	[tilespmem:s11], [sflag:$0x1] =	stream.linear.gather [hbm4b:s14+s4], $0x80, $0x38;
	[tilespmem:$0x8100] =	vst v63  }
0x24: {  	_ =	swait.ge [sflag:s7], $0x80  }
0x25: {  	[sflag:s7] =	ssyncset.done $0x0  }
0x26: {  	[sflag:s7] =	ssyncadd.s32 $0xFFFFFF80  }
0x27: {  	[tilespmem:s12], [sflag:$0x1] =	stream.indirect.gather [hbm4b:s1+s11], $0x80, s4, s11, $0xb8;
	[tilespmem:$0x8100] =	vst v63  }
0x28: {  	_ =	swait.ge [sflag:s7], $0x4000  }
0x29: {  	[sflag:s7] =	ssyncset.done $0x0  }
0x2a: {  	[sflag:s7] =	ssyncadd.s32 $0xFFFFC000  }
0x2b: {  	[spmem:s3] =	stream.indirect.scatter.add.f32 [tilespmem:s12], [sflag:$0x1], $0x80, s11, s11, $0xb8;
	[tilespmem:$0x8100] =	vst v63  }
0x2c: {  	_ =	swait.ge [sflag:s7], $0x4000  }
0x2d: {  	s16 =	sor.u32 $0x20, s18;
	[sflag:s7] =	ssyncset.done $0x0  }
0x2e: {  	s15 =	sadd.s32 s17, s16;
	[sflag:s7] =	ssyncadd.s32 $0xFFFFC000  }
0x2f: {  	[tilespmem:s4], [sflag:$0x1] =	stream.linear.gather [hbm4b:s15+s4], $0x80, $0x38;
	[tilespmem:$0x8100] =	vst v63  }
0x30: {  	_ =	swait.ge [sflag:s7], $0x80  }
0x31: {  	[sflag:s7] =	ssyncset.done $0x0  }
0x32: {  	s16 =	sadd.s32 s22, s16;
	[sflag:s7] =	ssyncadd.s32 $0xFFFFFF80  }
0x33: {  	[tilespmem:s11], [sflag:$0x1] =	stream.linear.gather [hbm4b:s16+s4], $0x80, $0x38;
	[tilespmem:$0x8100] =	vst v63  }
0x34: {  	_ =	swait.ge [sflag:s7], $0x80  }
0x35: {  	[sflag:s7] =	ssyncset.done $0x0  }
0x36: {  	[sflag:s7] =	ssyncadd.s32 $0xFFFFFF80  }
0x37: {  	[tilespmem:s12], [sflag:$0x1] =	stream.indirect.gather [hbm4b:s1+s11], $0x80, s4, s11, $0xb8;
	[tilespmem:$0x8100] =	vst v63  }
0x38: {  	_ =	swait.ge [sflag:s7], $0x4000  }
0x39: {  	[sflag:s7] =	ssyncset.done $0x0  }
0x3a: {  	[sflag:s7] =	ssyncadd.s32 $0xFFFFC000  }
0x3b: {  	[spmem:s3] =	stream.indirect.scatter.add.f32 [tilespmem:s12], [sflag:$0x1], $0x80, s11, s11, $0xb8;
	[tilespmem:$0x8100] =	vst v63  }
0x3c: {  	_ =	swait.ge [sflag:s7], $0x4000  }
0x3d: {  	s18 =	sor.u32 $0x30, s18;
	[sflag:s7] =	ssyncset.done $0x0  }
0x3e: {  	s17 =	sadd.s32 s17, s18;
	[sflag:s7] =	ssyncadd.s32 $0xFFFFC000  }
0x3f: {  	[tilespmem:s4], [sflag:$0x1] =	stream.linear.gather [hbm4b:s17+s4], $0x80, $0x38;
	[tilespmem:$0x8100] =	vst v63  }
0x40: {  	_ =	swait.ge [sflag:s7], $0x80  }
0x41: {  	[sflag:s7] =	ssyncset.done $0x0  }
0x42: {  	s18 =	sadd.s32 s22, s18;
	[sflag:s7] =	ssyncadd.s32 $0xFFFFFF80  }
0x43: {  	[tilespmem:s11], [sflag:$0x1] =	stream.linear.gather [hbm4b:s18+s4], $0x80, $0x38;
	[tilespmem:$0x8100] =	vst v63  }
0x44: {  	_ =	swait.ge [sflag:s7], $0x80  }
0x45: {  	[sflag:s7] =	ssyncset.done $0x0  }
0x46: {  	[sflag:s7] =	ssyncadd.s32 $0xFFFFFF80  }
0x47: {  	[tilespmem:s12], [sflag:$0x1] =	stream.indirect.gather [hbm4b:s1+s11], $0x80, s4, s11, $0xb8;
	[tilespmem:$0x8100] =	vst v63  }
0x48: {  	s29 =	ssub.s32 $0x2, s21;
	_ =	swait.ge [sflag:s7], $0x4000  }
0x49: {  	s23 =	sshrl.u32 s29, $0x1;
	[sflag:s7] =	ssyncset.done $0x0  }
0x4a: {  	s22 =	ssub.s32 s29, s23;
	[sflag:s7] =	ssyncadd.s32 $0xFFFFC000  }
0x4b: {  	[spmem:s3] =	stream.indirect.scatter.add.f32 [tilespmem:s12], [sflag:$0x1], $0x80, s11, s11, $0xb8;
	[tilespmem:$0x8100] =	vst v63  }
0x4c: {  	s31 =	smax.u32 s22, $0x1;
	_ =	swait.ge [sflag:s7], $0x4000  }
0x4d: {  	s19 =	sadd.s32 s19, s20;
	p0 =	sne.s32 s31, $0x1;
	[sflag:s7] =	ssyncset.done $0x0  }
.Ltmp0:
0x4e: {  	s30 =	sshll.u32 s21, $0xF;
	[sflag:s7] =	ssyncadd.s32 $0xFFFFC000;
	(pc) =	sbr.rel @!p0 .LBB2_2-.Ltmp0, $4  }
0x4f: {  	s19 =	sadd.s32 s30, s19;
	[bflag:$0x0] =	sbarrier.arrive $0xFFFF  }
0x50: {  	[hbm:s19], [sflag:s6] =	dma.local [spmem:s8], $0x800  }
0x51: {  	_ =	swait.ge [sflag:s7], $0x800  }
0x52: {  	s20 =	sadd.s32 $0xFFFFFFFF, s31;
	[sflag:s7] =	ssyncset.done $0x0  }
.LBB2_1:
0x53: {  	p0 =	sne.s32 s20, $0x1;
	s20 =	sadd.s32 $0xFFFFFFFF, s20;
	[sflag:s7] =	ssyncadd.s32 $0xFFFFF800  }
0x54: {  	[spmem:s8], [sflag:s6] =	dma.local [hbm:s5], $0x800  }
0x55: {  	_ =	swait.ge [sflag:s7], $0x800  }
0x56: {  	[sflag:s7] =	ssyncset.done $0x0  }
0x57: {  	[sflag:s7] =	ssyncadd.s32 $0xFFFFF800  }
0x58: {  	[bflag:$0x0] =	sbarrier.arrive $0xFFFF  }
0x59: {  	[tilespmem:s4], [sflag:$0x1] =	stream.linear.gather [hbm4b:s9+s4], $0x80, $0x38;
	[tilespmem:$0x8100] =	vst v63  }
0x5a: {  	_ =	swait.ge [sflag:s7], $0x80  }
0x5b: {  	[sflag:s7] =	ssyncset.done $0x0  }
0x5c: {  	[sflag:s7] =	ssyncadd.s32 $0xFFFFFF80  }
0x5d: {  	[tilespmem:s11], [sflag:$0x1] =	stream.linear.gather [hbm4b:s10+s4], $0x80, $0x38;
	[tilespmem:$0x8100] =	vst v63  }
0x5e: {  	_ =	swait.ge [sflag:s7], $0x80  }
0x5f: {  	[sflag:s7] =	ssyncset.done $0x0  }
0x60: {  	[sflag:s7] =	ssyncadd.s32 $0xFFFFFF80  }
0x61: {  	[tilespmem:s12], [sflag:$0x1] =	stream.indirect.gather [hbm4b:s1+s11], $0x80, s4, s11, $0xb8;
	[tilespmem:$0x8100] =	vst v63  }
0x62: {  	_ =	swait.ge [sflag:s7], $0x4000  }
0x63: {  	[sflag:s7] =	ssyncset.done $0x0  }
0x64: {  	[sflag:s7] =	ssyncadd.s32 $0xFFFFC000  }
0x65: {  	[spmem:s3] =	stream.indirect.scatter.add.f32 [tilespmem:s12], [sflag:$0x1], $0x80, s11, s11, $0xb8;
	[tilespmem:$0x8100] =	vst v63  }
0x66: {  	_ =	swait.ge [sflag:s7], $0x4000  }
0x67: {  	[sflag:s7] =	ssyncset.done $0x0  }
0x68: {  	[sflag:s7] =	ssyncadd.s32 $0xFFFFC000  }
0x69: {  	[tilespmem:s4], [sflag:$0x1] =	stream.linear.gather [hbm4b:s13+s4], $0x80, $0x38;
	[tilespmem:$0x8100] =	vst v63  }
0x6a: {  	_ =	swait.ge [sflag:s7], $0x80  }
0x6b: {  	[sflag:s7] =	ssyncset.done $0x0  }
0x6c: {  	[sflag:s7] =	ssyncadd.s32 $0xFFFFFF80  }
0x6d: {  	[tilespmem:s11], [sflag:$0x1] =	stream.linear.gather [hbm4b:s14+s4], $0x80, $0x38;
	[tilespmem:$0x8100] =	vst v63  }
0x6e: {  	_ =	swait.ge [sflag:s7], $0x80  }
0x6f: {  	[sflag:s7] =	ssyncset.done $0x0  }
0x70: {  	[sflag:s7] =	ssyncadd.s32 $0xFFFFFF80  }
0x71: {  	[tilespmem:s12], [sflag:$0x1] =	stream.indirect.gather [hbm4b:s1+s11], $0x80, s4, s11, $0xb8;
	[tilespmem:$0x8100] =	vst v63  }
0x72: {  	_ =	swait.ge [sflag:s7], $0x4000  }
0x73: {  	[sflag:s7] =	ssyncset.done $0x0  }
0x74: {  	[sflag:s7] =	ssyncadd.s32 $0xFFFFC000  }
0x75: {  	[spmem:s3] =	stream.indirect.scatter.add.f32 [tilespmem:s12], [sflag:$0x1], $0x80, s11, s11, $0xb8;
	[tilespmem:$0x8100] =	vst v63  }
0x76: {  	_ =	swait.ge [sflag:s7], $0x4000  }
0x77: {  	[sflag:s7] =	ssyncset.done $0x0  }
0x78: {  	[sflag:s7] =	ssyncadd.s32 $0xFFFFC000  }
0x79: {  	[tilespmem:s4], [sflag:$0x1] =	stream.linear.gather [hbm4b:s15+s4], $0x80, $0x38;
	[tilespmem:$0x8100] =	vst v63  }
0x7a: {  	_ =	swait.ge [sflag:s7], $0x80  }
0x7b: {  	[sflag:s7] =	ssyncset.done $0x0  }
0x7c: {  	[sflag:s7] =	ssyncadd.s32 $0xFFFFFF80  }
0x7d: {  	[tilespmem:s11], [sflag:$0x1] =	stream.linear.gather [hbm4b:s16+s4], $0x80, $0x38;
	[tilespmem:$0x8100] =	vst v63  }
0x7e: {  	_ =	swait.ge [sflag:s7], $0x80  }
0x7f: {  	[sflag:s7] =	ssyncset.done $0x0  }
0x80: {  	[sflag:s7] =	ssyncadd.s32 $0xFFFFFF80  }
0x81: {  	[tilespmem:s12], [sflag:$0x1] =	stream.indirect.gather [hbm4b:s1+s11], $0x80, s4, s11, $0xb8;
	[tilespmem:$0x8100] =	vst v63  }
0x82: {  	_ =	swait.ge [sflag:s7], $0x4000  }
0x83: {  	[sflag:s7] =	ssyncset.done $0x0  }
0x84: {  	[sflag:s7] =	ssyncadd.s32 $0xFFFFC000  }
0x85: {  	[spmem:s3] =	stream.indirect.scatter.add.f32 [tilespmem:s12], [sflag:$0x1], $0x80, s11, s11, $0xb8;
	[tilespmem:$0x8100] =	vst v63  }
0x86: {  	_ =	swait.ge [sflag:s7], $0x4000  }
0x87: {  	[sflag:s7] =	ssyncset.done $0x0  }
0x88: {  	[sflag:s7] =	ssyncadd.s32 $0xFFFFC000  }
0x89: {  	[tilespmem:s4], [sflag:$0x1] =	stream.linear.gather [hbm4b:s17+s4], $0x80, $0x38;
	[tilespmem:$0x8100] =	vst v63  }
0x8a: {  	_ =	swait.ge [sflag:s7], $0x80  }
0x8b: {  	[sflag:s7] =	ssyncset.done $0x0  }
0x8c: {  	[sflag:s7] =	ssyncadd.s32 $0xFFFFFF80  }
0x8d: {  	[tilespmem:s11], [sflag:$0x1] =	stream.linear.gather [hbm4b:s18+s4], $0x80, $0x38;
	[tilespmem:$0x8100] =	vst v63  }
0x8e: {  	_ =	swait.ge [sflag:s7], $0x80  }
0x8f: {  	[sflag:s7] =	ssyncset.done $0x0  }
0x90: {  	[sflag:s7] =	ssyncadd.s32 $0xFFFFFF80  }
0x91: {  	[tilespmem:s12], [sflag:$0x1] =	stream.indirect.gather [hbm4b:s1+s11], $0x80, s4, s11, $0xb8;
	[tilespmem:$0x8100] =	vst v63  }
0x92: {  	_ =	swait.ge [sflag:s7], $0x4000  }
0x93: {  	[sflag:s7] =	ssyncset.done $0x0  }
0x94: {  	[sflag:s7] =	ssyncadd.s32 $0xFFFFC000  }
0x95: {  	[spmem:s3] =	stream.indirect.scatter.add.f32 [tilespmem:s12], [sflag:$0x1], $0x80, s11, s11, $0xb8;
	[tilespmem:$0x8100] =	vst v63  }
0x96: {  	_ =	swait.ge [sflag:s7], $0x4000  }
0x97: {  	[sflag:s7] =	ssyncset.done $0x0  }
.Ltmp1:
0x98: {  	[sflag:s7] =	ssyncadd.s32 $0xFFFFC000;
	(pc) =	sbr.rel @p0 .LBB2_1-.Ltmp1, $4  }
0x99: {  	[bflag:$0x0] =	sbarrier.arrive $0xFFFF  }
0x9a: {  	[hbm:s19], [sflag:s6] =	dma.local [spmem:s8], $0x800  }
0x9b: {  	_ =	swait.ge [sflag:s7], $0x800  }
0x9c: {  	[sflag:s7] =	ssyncset.done $0x0  }
.LBB2_2:
0x9d: {  	[sflag:s7] =	ssyncadd.s32 $0xFFFFF800  }
0x9e: {  	_ =	sfence.sel $0x180000  }
0x9f: {  	[bflag:$0x0] =	sbarrier.arrive $0xFFFF  }
0xa0: {  	p0 =	sne.s32 s2, $0x0;
	_ =	strace $0x90000056  }
0xa1: {  	s0 =	sadd.s32 @!p0 $0x100000, s0;
	[bflag:$0x2] =	sbarrier.arrive $0xFFFF  }
0xa2: {  	[sflag:s0] =	ssyncadd.tile.s32 @!p0 $0x1;
	_ =	shalt  }
.Lfunc_end2:
_tile_overlayer_lowered:
.L_overlay_start_2:
0xa3: {  	(tag) =	ssettag $0x2  }
0xa4: {  	s0 =	rddreg [dreg:$0x0];
	s2 =	stileid.u32  }
0xa5: {  	s1 =	rddreg [dreg:$0x1];
	p0 =	sne.s32 s2, $0x0  }
0xa6: {  	s3 =	rddreg [dreg:$0x2];
	[bflag:$0x3] =	sbarrier.arrive $0xFFFF;
	s2 =	simm.s32 @!p0 $0x1C01  }
0xa7: {  	[timem:s3], [sflag:s2] =	dma.local @!p0 [hbm:s0], s1  }
0xa8: {  	s0 =	simm.s32 @!p0 $0x1  }
0xa9: {  	_ =	swait.ge @!p0 [sflag:s0], s1  }
0xaa: {  	s1 =	ssub.s32 @!p0 $0x0, s1;
	[sflag:s0] =	ssyncset.done @!p0 $0x0  }
0xab: {  	[sflag:s0] =	ssyncadd.s32 @!p0 s1  }
0xac: {  	[bflag:$0x3] =	sbarrier.arrive $0xFFFF  }
0xad: {  	_ =	shalt  }

// kernel: kernel.29.cloned.1.call-start
scs
__scs_entry_jumppad:
0x0: {  	(pc) =	sbr.rel $0x88, $3  }
0x1: {  	(tag) =	ssettag $0x0;
	lr =	simm.s32 $0x1  }
0x2: {  	[smem:$0x3F8F] =	sst lr;
	_ =	strace $0xD0000000  }
0x3: {  	_ = 	snop  }
0x4: {  	_ = 	snop  }
0x5: {  	_ = 	snop  }
0x6: {  	_ = 	snop  }
0x7: {  	_ = 	snop  }
__scs_overlays_trampoline_lowered:
0x8: {  	[smem:$0x3F9E] =	sst s0  }
0x9: {  	[smem:$0x3F9F] =	sst s1  }
0xa: {  	[smem:$0x3FA0] =	sst s2  }
0xb: {  	[smem:$0x3FA1] =	sst s3  }
0xc: {  	[smem:$0x3FA2] =	sst s4  }
0xd: {  	[smem:$0x3FA3] =	sst s5  }
0xe: {  	[smem:$0x3FA4] =	sst s6  }
0xf: {  	[smem:$0x3FA5] =	sst s7  }
0x10: {  	[smem:$0x3FA6] =	sst s8  }
0x11: {  	[smem:$0x3FA7] =	sst s9;
	s0 =	simm.s32 @!p0 $0x0  }
0x12: {  	s1 =	sld [smem:$0x3F8D];
	s0 =	simm.s32 @p0 $0x1  }
0x13: {  	[smem:$0x3FA8] =	sst s0;
	s0 =	simm.s32 @!p1 $0x0  }
0x14: {  	s2 =	sld [smem:$0x3F8C];
	s0 =	simm.s32 @p1 $0x1  }
0x15: {  	[smem:$0x3FA9] =	sst s0;
	s0 =	simm.s32 @!p2 $0x0  }
0x16: {  	s3 =	sld [smem:$0x3FDB];
	s0 =	simm.s32 @p2 $0x1  }
0x17: {  	s4 =	simm.s32 $0x1BF5;
	[smem:$0x3FAB] =	sst s0  }
0x18: {  	s0 =	sld [smem:$0x3F8E];
	_ =	swait.ge [sflag:s4], $0x0  }
0x19: {  	s7 =	sld [smem:$0x3F8F]  }
0x1a: {  	s8 =	sadd.s32 $0xFFFFE003, lr  }
0x1b: {  	s9 =	sadd.s32 $0xFFFFFEF7, lr;
	s5 =	simm.s32 $0xFFFFFFFF;
	p2 =	slt.u32 s8, $0xFFFFF086  }
0x1c: {  	p1 =	slt.u32 s9, $0xF7A;
	s5 =	simm.s32 @!p2 $0x0  }
0x1d: {  	s5 =	simm.s32 @p1 $0x1;
	p0 =	seq.s32 s7, s2  }
0x1e: {  	s7 =	smul.u32 @!p0 $0xF7A, s2;
	p2 =	seq.s32 @!p0 s5, $0x0  }
0x1f: {  	s9 =	smul.u32 $0xF7A, s1;
	s8 =	simm.s32 @!p0 $0x1BF5;
	p2 =	por !p2, p0  }
0x20: {  	[sflag:s8] =	ssyncset.s32 @!p0 $0xFFFFF086;
	s6 =	sadd.s32 @!p0 s3, s7;
	s7 =	simm.s32 @!p0 $0x108  }
0x21: {  	s3 =	sadd.s32 s3, s9;
	s6 =	sadd.s32 @!p0 $0x88, s6;
	s7 =	simm.s32 @p2 $0x1082  }
0x22: {  	[simem:s7], [sflag:s8] =	dma.local @!p0 [hbm:s6], $0xF7A  }
0x23: {  	s9 =	sor.u32 $0xD0000000, s2;
	s6 =	simm.s32 $0x108;
	_ =	swait.ge @!p0 [sflag:s8], $0x0  }
0x24: {  	s3 =	sadd.s32 $0x88, s3;
	s6 =	simm.s32 @!p1 $0x1082;
	[sflag:s4] =	ssyncset.s32 $0xFFFFF086  }
0x25: {  	[simem:s6], [sflag:s4] =	dma.local [hbm:s3], $0xF7A  }
0x26: {  	[smem:$0x3F8F] =	sst s1;
	(tag) =	ssettag s2;
	_ =	strace s9  }
0x27: {  	s1 =	sld [smem:$0x3F9F]  }
0x28: {  	s2 =	sld [smem:$0x3FA0]  }
0x29: {  	s4 =	sld [smem:$0x3FA2]  }
0x2a: {  	p0 =	seq.s32 s5, $0x0;
	s5 =	sld [smem:$0x3FA3]  }
0x2b: {  	s6 =	sld [smem:$0x3FA4]  }
0x2c: {  	s7 =	sld [smem:$0x3FA5]  }
0x2d: {  	s3 =	simm.s32 $0x108;
	s8 =	sld [smem:$0x3FA6]  }
0x2e: {  	s3 =	simm.s32 @!p0 $0x1082;
	s9 =	sld [smem:$0x3FA7]  }
0x2f: {  	lr =	sadd.s32 s0, s3;
	s0 =	sld [smem:$0x3F9E]  }
0x30: {  	s3 =	sld [smem:$0x3FA1]  }
0x31: {  	[smem:$0x3FAA] =	sst s10  }
0x32: {  	s10 =	sld [smem:$0x3FA8];
	_ =	sdelay $0x3  }
0x33: {  	p0 =	seq.s32 s10, $0x1;
	s10 =	sld [smem:$0x3FAA];
	_ =	sdelay $0x3  }
0x34: {  	[smem:$0x3FAA] =	sst s10  }
0x35: {  	s10 =	sld [smem:$0x3FA9];
	_ =	sdelay $0x3  }
0x36: {  	p1 =	seq.s32 s10, $0x1;
	s10 =	sld [smem:$0x3FAA];
	_ =	sdelay $0x3  }
0x37: {  	[smem:$0x3FAA] =	sst s10  }
0x38: {  	s10 =	sld [smem:$0x3FAB]  }
0x39: {  	_ = 	snop;
	(pc) =	sbr.ind lr, $3  }
0x3a: {  	_ = 	snop  }
0x3b: {  	_ = 	snop  }
0x3c: {  	p2 =	seq.s32 s10, $0x1;
	s10 =	sld [smem:$0x3FAA]  }
0x3d: {  	_ =	shalt  }
0x3e: {  	_ =	shalt  }
0x3f: {  	_ =	shalt  }
0x40: {  	_ =	shalt  }
0x41: {  	_ =	shalt  }
0x42: {  	_ =	shalt  }
0x43: {  	_ =	shalt  }
0x44: {  	_ =	shalt  }
0x45: {  	_ =	shalt  }
0x46: {  	_ =	shalt  }
0x47: {  	_ =	shalt  }
0x48: {  	_ =	shalt  }
0x49: {  	_ =	shalt  }
0x4a: {  	_ =	shalt  }
0x4b: {  	_ =	shalt  }
0x4c: {  	_ =	shalt  }
0x4d: {  	_ =	shalt  }
0x4e: {  	_ =	shalt  }
0x4f: {  	_ =	shalt  }
0x50: {  	_ =	shalt  }
0x51: {  	_ =	shalt  }
0x52: {  	_ =	shalt  }
0x53: {  	_ =	shalt  }
0x54: {  	_ =	shalt  }
0x55: {  	_ =	shalt  }
0x56: {  	_ =	shalt  }
0x57: {  	_ =	shalt  }
0x58: {  	_ =	shalt  }
0x59: {  	_ =	shalt  }
0x5a: {  	_ =	shalt  }
0x5b: {  	_ =	shalt  }
0x5c: {  	_ =	shalt  }
0x5d: {  	_ =	shalt  }
0x5e: {  	_ =	shalt  }
0x5f: {  	_ =	shalt  }
0x60: {  	_ =	shalt  }
0x61: {  	_ =	shalt  }
0x62: {  	_ =	shalt  }
0x63: {  	_ =	shalt  }
0x64: {  	_ =	shalt  }
0x65: {  	_ =	shalt  }
0x66: {  	_ =	shalt  }
0x67: {  	_ =	shalt  }
0x68: {  	_ =	shalt  }
0x69: {  	_ =	shalt  }
0x6a: {  	_ =	shalt  }
0x6b: {  	_ =	shalt  }
0x6c: {  	_ =	shalt  }
0x6d: {  	_ =	shalt  }
0x6e: {  	_ =	shalt  }
0x6f: {  	_ =	shalt  }
0x70: {  	_ =	shalt  }
0x71: {  	_ =	shalt  }
0x72: {  	_ =	shalt  }
0x73: {  	_ =	shalt  }
0x74: {  	_ =	shalt  }
0x75: {  	_ =	shalt  }
0x76: {  	_ =	shalt  }
0x77: {  	_ =	shalt  }
0x78: {  	_ =	shalt  }
0x79: {  	_ =	shalt  }
0x7a: {  	_ =	shalt  }
0x7b: {  	_ =	shalt  }
0x7c: {  	_ =	shalt  }
0x7d: {  	_ =	shalt  }
0x7e: {  	_ =	shalt  }
0x7f: {  	_ =	shalt  }
0x80: {  	_ =	shalt  }
0x81: {  	_ =	shalt  }
0x82: {  	_ =	shalt  }
0x83: {  	_ =	shalt  }
0x84: {  	_ =	shalt  }
0x85: {  	_ =	shalt  }
0x86: {  	_ =	shalt  }
0x87: {  	_ =	shalt  }
.Lfunc_end0:
.L_simem_size_0:
called_computation.6_lowered:
.L_overlay_start_0:
0x88: {  	s2 =	sld [smem:$0x3FD9]  }
0x89: {  	s3 =	sld [smem:$0x3FFE];
	_ =	sdelay $0x1  }
0x8a: {  	s1 =	srdreg.scid  }
0x8b: {  	s0 =	sand.u32 $0x1, s1  }
0x8c: {  	s14 =	sshll.u32 s0, $0xA;
	s2 =	sadd.s32 s3, s2  }
0x8d: {  	s2 =	sadd.s32 s2, s14  }
0x8e: {  	[smem:$0x3FB6] =	sst s2  }
0x8f: {  	_ = 	snop  }
0x90: {  	s2 =	sld [smem:$0x3FD0];
	_ =	sdelay $0x2  }
0x91: {  	s15 =	simm.s32 $0xC;
	s4 =	simm.s32 $0x10  }
0x92: {  	[smem:s4], [sflag:s15] =	dma.local [hbm:s2], $0x1  }
0x93: {  	_ =	swait.eq [sflag:s15], $0x1  }
0x94: {  	[sflag:s15] =	ssyncset.done $0x0  }
0x95: {  	[sflag:s15] =	ssyncadd.s32 $0xFFFFFFFF  }
0x96: {  	s16 =	sld [smem:$0x10];
	(tm) =	ssettm $0x1  }
0x97: {  	s17 =	sld [smem:$0x3FFB];
	_ =	sdelay $0x3  }
0x98: {  	_ =	strace s17  }
0x99: {  	s3 =	sld [smem:$0x3FFC];
	_ =	sdelay $0x3  }
0x9a: {  	_ =	strace s3  }
0x9b: {  	s3 =	sld [smem:$0x3FFD];
	_ =	sdelay $0x3  }
0x9c: {  	_ =	strace s3  }
0x9d: {  	_ =	strace $0x8FFFFFFF  }
0x9e: {  	s18 =	sld [smem:$0x3FDB];
	_ =	sdelay $0x1  }
0x9f: {  	s19 =	simm.s32 $_scs_section_size  }
0xa0: {  	s5 =	simm.s32 $_size__tile_overlayer_lowered;
	s6 =	simm.s32 $_tile_overlayer_lowered  }
0xa1: {  	s22 =	simm.s32 $0x1BFF;
	s21 =	sshll.u32 s6, $0x1;
	s3 =	sadd.s32 s19, s18  }
0xa2: {  	s7 =	simm.s32 $0x0;
	s20 =	sshll.u32 s5, $0x1;
	s5 =	sadd.s32 s21, s3  }
0xa3: {  	[timem:s7], [sflag:s22] =	dma.local [hbm:s5], s20  }
0xa4: {  	_ =	swait.ge [sflag:s22], s20  }
0xa5: {  	s4 =	ssub.s32 $0x0, s20;
	[sflag:s22] =	ssyncset.done $0x0  }
0xa6: {  	[sflag:s22] =	ssyncadd.s32 s4;
	_ =	sdelay $0x1  }
0xa7: {  	s23 =	simm.s32 $0x1B8B  }
0xa8: {  	_ =	swait.ge [sflag:s23], $0x1  }
0xa9: {  	[sflag:s23] =	ssyncset.done $0x0  }
0xaa: {  	s25 =	simm.s32 $0x1B8E;
	s24 =	sld [smem:$0x3FFE];
	[sflag:s23] =	ssyncadd.s32 $0xFFFFFFFF  }
0xab: {  	s26 =	simm.s32 $execute0_lowered;
	[smem:$0x3FD2] =	sst s25  }
0xac: {  	s5 =	sshll.u32 s26, $0x1;
	_ =	strace $0x80000058;
	[dreg:$0x1] =	wrdreg $0xFFFFFFFF  }
0xad: {  	s28 =	simm.s32 $_size_execute0_lowered;
	s3 =	sadd.s32 s3, s5;
	[dreg:$0x0] =	wrdreg $0x0  }
0xae: {  	s5 =	sshll.u32 s28, $0x1;
	[dreg:$0x2] =	wrdreg s3  }
0xaf: {  	[dreg:$0x3] =	wrdreg s5  }
0xb0: {  	[dreg:$0x4] =	wrdreg $0xC0  }
0xb1: {  	_ =	task [dreg:s7], $0x5FFFF  }
0xb2: {  	[dreg:$0x1] =	wrdreg $0xFFFFFFFF  }
0xb3: {  	[dreg:$0x0] =	wrdreg $0x60  }
0xb4: {  	[dreg:$0x2] =	wrdreg s16  }
0xb5: {  	[dreg:$0x3] =	wrdreg s24  }
0xb6: {  	[dreg:$0x4] =	wrdreg $0x9  }
0xb7: {  	_ =	task.clear_ibuf [dreg:s7], $0x5FFFF;
	_ =	strace $0x90000058  }
0xb8: {  	s29 =	simm.s32 $0x9;
	_ =	strace $0x8000005A  }
0xb9: {  	_ =	swait.ge [sflag:s29], $0x1  }
0xba: {  	[sflag:s29] =	ssyncadd.s32 $0xFFFFFFFF  }
0xbb: {  	_ =	strace $0x9000005A  }
0xbc: {  	_ =	sfence  }
0xbd: {  	s30 =	sld [smem:$0x0];
	_ =	sdelay $0x2  }
0xbe: {  	s31 =	sshll.u32 s1, $0xD;
	s1 =	sshrl.u32 s1, $0x2  }
0xbf: {  	s3 =	sand.u32 $0x4000, s31;
	s1 =	sadd.s32 s1, s30  }
0xc0: {  	s0 =	sor.u32 s3, s0;
	s1 =	sshll.u32 s1, $0x11  }
0xc1: {  	s0 =	sor.u32 s1, s0  }
0xc2: {  	s0 =	sadd.s32 $0x8F2B, s0  }
0xc3: {  	[sflag:s0] =	ssyncadd.remote.s32 $0x1  }
0xc4: {  	_ =	sfence.sel $0xFFFF  }
0xc5: {  	[dreg:$0x0] =	wrdreg $0xFFFFFFFF;
	(pc) =	sbr.abs _section_cstart, $3  }
0xc6: {  	[dreg:$0x1] =	wrdreg $0xFFFFFFFF  }
0xc7: {  	_ =	task.clear_ibuf [dreg:s7], $0x2FFFF;
	_ =	strace $0x9FFFFFFF  }
0xc8: {  	(tm) =	ssettm $0x7FFFFFFF  }
0xc9: {  	_ =	shalt  }
tec
execute0_lowered:
.L_overlay_start_1:
0x0: {  	(tag) =	ssettag $0x1  }
0x1: {  	s0 =	srdreg.scid  }
0x2: {  	s11 =	sand.u32 $0x1, s0  }
0x3: {  	s2 =	rddreg [dreg:$0x0];
	s0 =	stileid.u32;
	s1 =	sshll.u32 s11, $0x4  }
0x4: {  	s7 =	rddreg [dreg:$0x1];
	s3 =	simm.s32 $0x0;
	s6 =	sor.u32 s0, s1  }
0x5: {  	[smem:$0x7FF] =	sst s3;
	s4 =	sshll.u32 s6, $0x6  }
0x6: {  	s1 =	rddreg [dreg:$0x2];
	s10 =	sadd.s32 s4, s7  }
0x7: {  	_ =	strace $0x80000059;
	s4 =	simm.s32 $0x1;
	s5 =	sadd.s32 $0xD600, s10  }
0x8: {  	[tilespmem:s3], [sflag:$0x1] =	stream.linear.gather [hbm4b:s5+s3], $0x80, $0x38;
	[tilespmem:$0x4080] =	vst v63  }
0x9: {  	_ =	swait.ge [sflag:s4], $0x80  }
0xa: {  	[sflag:s4] =	ssyncset.done $0x0  }
0xb: {  	s8 =	smul.u32 $0xC000, s6;
	s6 =	simm.s32 $0x80;
	[sflag:s4] =	ssyncadd.s32 $0xFFFFFF80  }
0xc: {  	[tilespmem:s6], [sflag:$0x1] =	stream.indirect.gather [hbm4b:s2+s6], $0x80, s3, s6, $0xb8;
	[tilespmem:$0x4080] =	vst v63  }
0xd: {  	s8 =	sshrl.u32 s8, $0x3;
	_ =	swait.ge [sflag:s4], $0x4000  }
0xe: {  	s12 =	sadd.s32 s8, s7;
	[sflag:s4] =	ssyncset.done $0x0  }
0xf: {  	s7 =	sadd.s32 $0xDE00, s12;
	[sflag:s4] =	ssyncadd.s32 $0xFFFFC000  }
0x10: {  	[hbm4b:s7+s3] =	stream.linear.scatter [tilespmem:s6], [sflag:$0x1], $0x4000, $0x38;
	[tilespmem:$0x4080] =	vst v63  }
0x11: {  	_ =	swait.ge [sflag:s4], $0x4000  }
0x12: {  	[sflag:s4] =	ssyncset.done $0x0  }
0x13: {  	s8 =	sadd.s32 $0xD610, s10;
	[sflag:s4] =	ssyncadd.s32 $0xFFFFC000  }
0x14: {  	[tilespmem:s3], [sflag:$0x1] =	stream.linear.gather [hbm4b:s8+s3], $0x80, $0x38;
	[tilespmem:$0x4080] =	vst v63  }
0x15: {  	_ =	swait.ge [sflag:s4], $0x80  }
0x16: {  	[sflag:s4] =	ssyncset.done $0x0  }
0x17: {  	[sflag:s4] =	ssyncadd.s32 $0xFFFFFF80  }
0x18: {  	[tilespmem:s6], [sflag:$0x1] =	stream.indirect.gather [hbm4b:s2+s6], $0x80, s3, s6, $0xb8;
	[tilespmem:$0x4080] =	vst v63  }
0x19: {  	_ =	swait.ge [sflag:s4], $0x4000  }
0x1a: {  	[sflag:s4] =	ssyncset.done $0x0  }
0x1b: {  	s9 =	sadd.s32 $0xE600, s12;
	[sflag:s4] =	ssyncadd.s32 $0xFFFFC000  }
0x1c: {  	[hbm4b:s9+s3] =	stream.linear.scatter [tilespmem:s6], [sflag:$0x1], $0x4000, $0x38;
	[tilespmem:$0x4080] =	vst v63  }
0x1d: {  	_ =	swait.ge [sflag:s4], $0x4000  }
0x1e: {  	[sflag:s4] =	ssyncset.done $0x0  }
0x1f: {  	s11 =	ssub.s32 $0x2, s11;
	s10 =	sadd.s32 $0xD620, s10;
	[sflag:s4] =	ssyncadd.s32 $0xFFFFC000  }
0x20: {  	[tilespmem:s3], [sflag:$0x1] =	stream.linear.gather [hbm4b:s10+s3], $0x80, $0x38;
	[tilespmem:$0x4080] =	vst v63  }
0x21: {  	s13 =	sshrl.u32 s11, $0x1;
	_ =	swait.ge [sflag:s4], $0x80  }
0x22: {  	s11 =	ssub.s32 s11, s13;
	[sflag:s4] =	ssyncset.done $0x0  }
0x23: {  	s13 =	smax.u32 s11, $0x1;
	[sflag:s4] =	ssyncadd.s32 $0xFFFFFF80  }
0x24: {  	[tilespmem:s6], [sflag:$0x1] =	stream.indirect.gather [hbm4b:s2+s6], $0x80, s3, s6, $0xb8;
	[tilespmem:$0x4080] =	vst v63  }
0x25: {  	p0 =	sne.s32 s13, $0x1;
	_ =	swait.ge [sflag:s4], $0x4000  }
.Ltmp0:
0x26: {  	[sflag:s4] =	ssyncset.done $0x0;
	(pc) =	sbr.rel @!p0 .LBB2_2-.Ltmp0, $4  }
0x27: {  	s11 =	sadd.s32 $0xEE00, s12;
	[sflag:s4] =	ssyncadd.s32 $0xFFFFC000  }
0x28: {  	[hbm4b:s11+s3] =	stream.linear.scatter [tilespmem:s6], [sflag:$0x1], $0x4000, $0x38;
	[tilespmem:$0x4080] =	vst v63  }
0x29: {  	_ =	swait.ge [sflag:s4], $0x4000  }
0x2a: {  	s12 =	sadd.s32 $0xFFFFFFFF, s13;
	[sflag:s4] =	ssyncset.done $0x0  }
.LBB2_1:
0x2b: {  	p0 =	sne.s32 s12, $0x1;
	s12 =	sadd.s32 $0xFFFFFFFF, s12;
	[sflag:s4] =	ssyncadd.s32 $0xFFFFC000  }
0x2c: {  	[tilespmem:s3], [sflag:$0x1] =	stream.linear.gather [hbm4b:s5+s3], $0x80, $0x38;
	[tilespmem:$0x4080] =	vst v63  }
0x2d: {  	_ =	swait.ge [sflag:s4], $0x80  }
0x2e: {  	[sflag:s4] =	ssyncset.done $0x0  }
0x2f: {  	[sflag:s4] =	ssyncadd.s32 $0xFFFFFF80  }
0x30: {  	[tilespmem:s6], [sflag:$0x1] =	stream.indirect.gather [hbm4b:s2+s6], $0x80, s3, s6, $0xb8;
	[tilespmem:$0x4080] =	vst v63  }
0x31: {  	_ =	swait.ge [sflag:s4], $0x4000  }
0x32: {  	[sflag:s4] =	ssyncset.done $0x0  }
0x33: {  	[sflag:s4] =	ssyncadd.s32 $0xFFFFC000  }
0x34: {  	[hbm4b:s7+s3] =	stream.linear.scatter [tilespmem:s6], [sflag:$0x1], $0x4000, $0x38;
	[tilespmem:$0x4080] =	vst v63  }
0x35: {  	_ =	swait.ge [sflag:s4], $0x4000  }
0x36: {  	[sflag:s4] =	ssyncset.done $0x0  }
0x37: {  	[sflag:s4] =	ssyncadd.s32 $0xFFFFC000  }
0x38: {  	[tilespmem:s3], [sflag:$0x1] =	stream.linear.gather [hbm4b:s8+s3], $0x80, $0x38;
	[tilespmem:$0x4080] =	vst v63  }
0x39: {  	_ =	swait.ge [sflag:s4], $0x80  }
0x3a: {  	[sflag:s4] =	ssyncset.done $0x0  }
0x3b: {  	[sflag:s4] =	ssyncadd.s32 $0xFFFFFF80  }
0x3c: {  	[tilespmem:s6], [sflag:$0x1] =	stream.indirect.gather [hbm4b:s2+s6], $0x80, s3, s6, $0xb8;
	[tilespmem:$0x4080] =	vst v63  }
0x3d: {  	_ =	swait.ge [sflag:s4], $0x4000  }
0x3e: {  	[sflag:s4] =	ssyncset.done $0x0  }
0x3f: {  	[sflag:s4] =	ssyncadd.s32 $0xFFFFC000  }
0x40: {  	[hbm4b:s9+s3] =	stream.linear.scatter [tilespmem:s6], [sflag:$0x1], $0x4000, $0x38;
	[tilespmem:$0x4080] =	vst v63  }
0x41: {  	_ =	swait.ge [sflag:s4], $0x4000  }
0x42: {  	[sflag:s4] =	ssyncset.done $0x0  }
0x43: {  	[sflag:s4] =	ssyncadd.s32 $0xFFFFC000  }
0x44: {  	[tilespmem:s3], [sflag:$0x1] =	stream.linear.gather [hbm4b:s10+s3], $0x80, $0x38;
	[tilespmem:$0x4080] =	vst v63  }
0x45: {  	_ =	swait.ge [sflag:s4], $0x80  }
0x46: {  	[sflag:s4] =	ssyncset.done $0x0  }
0x47: {  	[sflag:s4] =	ssyncadd.s32 $0xFFFFFF80  }
0x48: {  	[tilespmem:s6], [sflag:$0x1] =	stream.indirect.gather [hbm4b:s2+s6], $0x80, s3, s6, $0xb8;
	[tilespmem:$0x4080] =	vst v63  }
0x49: {  	_ =	swait.ge [sflag:s4], $0x4000  }
.Ltmp1:
0x4a: {  	[sflag:s4] =	ssyncset.done $0x0;
	(pc) =	sbr.rel @p0 .LBB2_1-.Ltmp1, $4  }
0x4b: {  	[sflag:s4] =	ssyncadd.s32 $0xFFFFC000  }
0x4c: {  	[hbm4b:s11+s3] =	stream.linear.scatter [tilespmem:s6], [sflag:$0x1], $0x4000, $0x38;
	[tilespmem:$0x4080] =	vst v63  }
0x4d: {  	_ =	swait.ge [sflag:s4], $0x4000  }
0x4e: {  	[sflag:s4] =	ssyncset.done $0x0  }
.LBB2_2:
0x4f: {  	[sflag:s4] =	ssyncadd.s32 $0xFFFFC000  }
0x50: {  	_ =	sfence.sel $0x180000  }
0x51: {  	[bflag:$0x0] =	sbarrier.arrive $0xFFFF  }
0x52: {  	p0 =	sne.s32 s0, $0x0;
	_ =	strace $0x90000059  }
0x53: {  	s0 =	sadd.s32 @!p0 $0x100000, s1;
	[bflag:$0x2] =	sbarrier.arrive $0xFFFF  }
0x54: {  	[sflag:s0] =	ssyncadd.tile.s32 @!p0 $0x1;
	_ =	shalt  }
.Lfunc_end2:
_tile_overlayer_lowered:
.L_overlay_start_2:
0x55: {  	(tag) =	ssettag $0x2  }
0x56: {  	s0 =	rddreg [dreg:$0x0];
	s2 =	stileid.u32  }
0x57: {  	s1 =	rddreg [dreg:$0x1];
	p0 =	sne.s32 s2, $0x0  }
0x58: {  	s3 =	rddreg [dreg:$0x2];
	[bflag:$0x3] =	sbarrier.arrive $0xFFFF;
	s2 =	simm.s32 @!p0 $0x1C01  }
0x59: {  	[timem:s3], [sflag:s2] =	dma.local @!p0 [hbm:s0], s1  }
0x5a: {  	s0 =	simm.s32 @!p0 $0x1  }
0x5b: {  	_ =	swait.ge @!p0 [sflag:s0], s1  }
0x5c: {  	s1 =	ssub.s32 @!p0 $0x0, s1;
	[sflag:s0] =	ssyncset.done @!p0 $0x0  }
0x5d: {  	[sflag:s0] =	ssyncadd.s32 @!p0 s1  }
0x5e: {  	[bflag:$0x3] =	sbarrier.arrive $0xFFFF  }
0x5f: {  	_ =	shalt  }

</sc_bundles>
